<compile_context>
chip_gen: v7x
topology: tpu7x:2x2x1
jax: 0.10.2.dev20260603
libtpu: 0.0.44.dev20260713+nightly
codegen_flags: <defaults>
</compile_context>

<pallas_src>
import functools

import jax
import jax.numpy as jnp
from jax import lax
from jax.experimental import pallas as pl
from jax.experimental.pallas import tpu as pltpu
from jax.experimental.pallas import tpu_sc as plsc

NC = 2
NS = 16
NW = NC * NS
D = 32
V = 1000000
RPAD = 1000064
NBLK = RPAD // 128
SLOTS = -(-NBLK // NW)
GRP = 512

_params = pltpu.CompilerParams(needs_layout_passes=False,
                               disable_bounds_checks=True)


@jax.jit
def _relayout(w_t):
    mesh = plsc.VectorSubcoreMesh(core_axis_name="c", subcore_axis_name="s")

    @functools.partial(
        pl.kernel,
        out_type=jax.ShapeDtypeStruct((RPAD // 4, 128), jnp.float32),
        mesh=mesh,
        scratch_types=[
            pltpu.VMEM((4, D, 129), jnp.float32),
            pltpu.VMEM((2, D, 128), jnp.float32),
            pltpu.SemaphoreType.DMA,
            pltpu.SemaphoreType.DMA,
            pltpu.SemaphoreType.DMA,
            pltpu.SemaphoreType.DMA,
            pltpu.SemaphoreType.DMA,
            pltpu.SemaphoreType.DMA,
        ],
        compiler_params=_params,
    )
    def k(wt_hbm, tbl_hbm, in_v, out_v,
          isem0, isem1, isem2, isem3, osem0, osem1):
        wid = lax.axis_index("s") * NC + lax.axis_index("c")
        lane = lax.iota(jnp.int32, 16)
        isems = (isem0, isem1, isem2, isem3)
        osems = (osem0, osem1)
        n_uniform = NBLK // NW

        def fire_in(s, buf):
            blk = wid + s * NW
            pltpu.async_copy(
                wt_hbm.at[:, pl.ds(blk * 128, 128)],
                in_v.at[buf, :, pl.ds(0, 128)], isems[buf])

        def wait_in(buf):
            pltpu.make_async_copy(
                wt_hbm.at[:, pl.ds(0, 128)],
                in_v.at[buf, :, pl.ds(0, 128)], isems[buf]).wait()

        def transpose(buf, obuf):
            inb = in_v.at[buf]

            @plsc.parallel_loop(0, 32, unroll=4)
            def tloop(t):
                for m in range(8):
                    rows = lane + 16 * (m % 2)
                    col = jnp.full((16,), m // 2, jnp.int32) + 4 * t
                    out_v[obuf, t, pl.ds(16 * m, 16)] = plsc.load_gather(
                        inb, [rows, col])

        def fire_out(s, obuf):
            blk = wid + s * NW
            pltpu.async_copy(out_v.at[obuf], tbl_hbm.at[pl.ds(blk * 32, 32)],
                             osems[obuf])

        def wait_out(obuf):
            pltpu.make_async_copy(out_v.at[obuf],
                                  tbl_hbm.at[pl.ds(0, 32)],
                                  osems[obuf]).wait()

        for j in range(3):
            fire_in(j, j)

        @pl.loop(0, n_uniform, step=4)
        def quad(s):
            for j in range(4):
                wait_in(j)

                @pl.when(s + j >= 2)
                def _():
                    wait_out(j % 2)
                transpose(j, j % 2)
                fire_out(s + j, j % 2)

                @pl.when(s + j + 3 < n_uniform)
                def _():
                    fire_in(s + j + 3, (j + 3) % 4)

        wait_out(0)
        wait_out(1)

        @pl.when(wid < NBLK % NW)
        def tail():
            fire_in(n_uniform, 0)
            wait_in(0)
            transpose(0, 0)
            fire_out(n_uniform, 0)
            wait_out(0)

    return k(w_t)


@jax.jit
def _gather(idx_flat, tbl_lin):
    b_total = idx_flat.shape[0]
    b_per_w = b_total // NW
    n_groups = b_per_w // GRP
    mesh = plsc.VectorSubcoreMesh(core_axis_name="c", subcore_axis_name="s")

    @functools.partial(
        pl.kernel,
        out_type=jax.ShapeDtypeStruct((20 * 4 * 128, 8, 128), jnp.float32),
        mesh=mesh,
        scratch_types=[
            pltpu.VMEM((b_per_w,), jnp.int32),
            pltpu.VMEM((2, GRP, D), jnp.float32),
            pltpu.VMEM((2, GRP // 128, D, 129), jnp.float32),
            pltpu.SemaphoreType.DMA,
            pltpu.SemaphoreType.DMA,
            pltpu.SemaphoreType.DMA,
            pltpu.SemaphoreType.DMA,
        ],
        compiler_params=pltpu.CompilerParams(
            needs_layout_passes=False, disable_bounds_checks=True,
            use_tc_tiling_on_sc=False),
    )
    def k(idx_hbm, tbl_hbm, out_hbm, idx_v, rows_v, out_t,
          gsem0, gsem1, osem0, osem1):
        wid = lax.axis_index("s") * NC + lax.axis_index("c")
        base = wid * b_per_w
        lane = lax.iota(jnp.int32, 16)
        nbh = GRP // 128
        pltpu.sync_copy(idx_hbm.at[pl.ds(base, b_per_w)], idx_v)

        gsems = (gsem0, gsem1)
        osems = (osem0, osem1)

        def fire(g, buf):
            pltpu.async_copy(
                tbl_hbm.at[idx_v.at[pl.ds(g * GRP, GRP)]],
                rows_v.at[buf], gsems[buf])

        def wait_out(buf):
            for ch in range(4):
                pltpu.make_async_copy(
                    out_t.at[buf, :, pl.ds(8 * ch, 8), pl.ds(0, 128)],
                    out_hbm.at[pl.ds(0, nbh)], osems[buf]).wait()

        def process(g, buf):
            pltpu.make_async_copy(
                tbl_hbm.at[idx_v.at[pl.ds(0, GRP)]],
                rows_v.at[buf], gsems[buf]).wait()
            rows_g = rows_v.at[buf]
            out_b = out_t.at[buf]

            @plsc.parallel_loop(0, GRP, unroll=4)
            def iloop(i):
                bh = jnp.full((16,), i // 128, jnp.int32)
                ipos = jnp.full((16,), i % 128, jnp.int32)
                v0 = rows_g[i, pl.ds(0, 16)]
                v1 = rows_g[i, pl.ds(16, 16)]
                plsc.store_scatter(out_b, [bh, lane, ipos], v0)
                plsc.store_scatter(out_b, [bh, lane + 16, ipos], v1)

            k0 = base + g * GRP
            s_idx = k0 // 16384
            bh0 = (k0 % 16384) // 128
            for ch in range(4):
                pltpu.async_copy(
                    out_t.at[buf, :, pl.ds(8 * ch, 8), pl.ds(0, 128)],
                    out_hbm.at[pl.ds(s_idx * 512 + ch * 128 + bh0, nbh)],
                    osems[buf])

        fire(0, 0)

        @pl.loop(0, n_groups, step=2)
        def pair(g):
            fire(g + 1, 1)

            @pl.when(g >= 2)
            def _():
                wait_out(0)
            process(g, 0)

            @pl.when(g + 2 < n_groups)
            def _():
                fire(g + 2, 0)

            @pl.when(g >= 1)
            def _():
                wait_out(1)
            process(g + 1, 1)

        wait_out(0)
        wait_out(1)

    return k(idx_flat, tbl_lin)


def kernel(token_ids, weight):
    idx_flat = token_ids.T.reshape(-1)
    w_t = weight.T
    tbl = _relayout(w_t)
    tbl_lin = tbl.reshape(RPAD, D)
    out5 = _gather(idx_flat, tbl_lin)
    t6 = out5.reshape(20, 4, 128, 8, 128)
    v = t6.transpose(0, 1, 3, 2, 4).reshape(20, D, 16384)
    return jnp.transpose(v, (2, 0, 1))

# --- scband reference (transcript-rebuilt; emitter-appended) ---
"""Pipeline reference for scband-embedding-74964359184945 (READ-ONLY COPY).

The authoritative reference and input builder live on the scoring server;
editing this copy changes nothing except your own understanding.
"""

import jax, jax.numpy as jnp
import numpy as np

NUM_EMBEDDINGS = 1000000
EMBEDDING_DIM = 32

def setup_inputs(seed: int = 0) -> dict:
    key = jax.random.key(seed)
    k1, k2 = jax.random.split(key)
    token_ids = jax.random.randint(k1, (16384, 20), 0, NUM_EMBEDDINGS, dtype=jnp.int64 if jax.config.jax_enable_x64 else jnp.int32)
    weight = jax.random.normal(k2, (NUM_EMBEDDINGS, EMBEDDING_DIM), dtype=jnp.float32) * 0.02
    return {"token_ids": token_ids, "weight": weight}

def reference(token_ids, weight):
    # Equivalent of self.weight[token_ids]
    return jnp.take(weight, token_ids, axis=0)

if __name__ == "__main__":
    import jax
    _d = setup_inputs()
    print(jax.jit(kernel)(*tuple(_d.values())))

</pallas_src>

<mosaic_0001>
#map = affine_map<(d0, d1) -> (0, 0)>
module attributes {stable_mosaic.version = 14 : i64} {
  func.func @k(%arg0: i32, %arg1: i32, %arg2: memref<32x1000000xf32, #tpu.memory_space<hbm>>, %arg3: memref<250016x128xf32, #tpu.memory_space<hbm>>, %arg4: memref<4x32x129xf32, #tpu.memory_space<vmem>>, %arg5: memref<2x32x128xf32, #tpu.memory_space<vmem>>, %arg6: memref<!tpu.dma_semaphore, #tpu.memory_space<semaphore_mem>>, %arg7: memref<!tpu.dma_semaphore, #tpu.memory_space<semaphore_mem>>, %arg8: memref<!tpu.dma_semaphore, #tpu.memory_space<semaphore_mem>>, %arg9: memref<!tpu.dma_semaphore, #tpu.memory_space<semaphore_mem>>, %arg10: memref<!tpu.dma_semaphore, #tpu.memory_space<semaphore_mem>>, %arg11: memref<!tpu.dma_semaphore, #tpu.memory_space<semaphore_mem>>) attributes {dimension_semantics = [#tpu.dimension_semantics<core_parallel>, #tpu.dimension_semantics<subcore_parallel>], iteration_bounds = array<i64: 2, 16>, scalar_prefetch = 0 : i64, scratch_operands = 8 : i64, tpu.core_type = #tpu.core_type<sc_vector_subcore>, window_params = [{transform_indices = #map}, {transform_indices = #map}]} {
    %mul3A = arith.constant 2 : i32
    %mul3A_0 = arith.muli %arg1, %mul3A : i32
    %add3A = arith.addi %mul3A_0, %arg0 : i32
    %iota3A = tpu.iota {dimensions = array<i32: 0>} : vector<16xi32>
    %add3A_1 = arith.constant 0 : i32
    %add3A_2 = arith.addi %add3A, %add3A_1 : i32
    %mul3A_3 = arith.constant 128 : i32
    %mul3A_4 = arith.muli %add3A_2, %mul3A_3 : i32
    %dma_start3A = arith.constant 0 : i32
    %dma_start3A_5 = arith.constant 0 : i32
    %dma_start3A_6 = arith.constant 0 : i32
    %dma_start3A_7 = tpu.memref_slice %arg4[%dma_start3A, %dma_start3A_5, %dma_start3A_6] : memref<4x32x129xf32, #tpu.memory_space<vmem>> -> memref<1x32x128xf32, #tpu.memory_space<vmem>>
    %dma_start3A_8 = tpu.memref_squeeze %dma_start3A_7 : memref<1x32x128xf32, #tpu.memory_space<vmem>> -> memref<32x128xf32, #tpu.memory_space<vmem>>
    %dma_start3A_9 = arith.constant 0 : i32
    %dma_start3A_10 = tpu.memref_slice %arg2[%dma_start3A_9, %mul3A_4] : memref<32x1000000xf32, #tpu.memory_space<hbm>> -> memref<32x128xf32, #tpu.memory_space<hbm>>
    %dma_start3A_11 = arith.constant 0 : i32
    %dma_start3A_12 = arith.constant 0 : i32
    %dma_start3A_13 = tpu.memref_slice %arg4[%dma_start3A, %dma_start3A_11, %dma_start3A_12] : memref<4x32x129xf32, #tpu.memory_space<vmem>> -> memref<1x32x128xf32, #tpu.memory_space<vmem>>
    %dma_start3A_14 = tpu.memref_squeeze %dma_start3A_13 : memref<1x32x128xf32, #tpu.memory_space<vmem>> -> memref<32x128xf32, #tpu.memory_space<vmem>>
    %dma_start3A_15 = arith.constant 0 : i32
    %dma_start3A_16 = tpu.memref_slice %arg2[%dma_start3A_15, %mul3A_4] : memref<32x1000000xf32, #tpu.memory_space<hbm>> -> memref<32x128xf32, #tpu.memory_space<hbm>>
    tpu.enqueue_dma source(%dma_start3A_16 : memref<32x128xf32, #tpu.memory_space<hbm>>) target(%dma_start3A_14 : memref<32x128xf32, #tpu.memory_space<vmem>>) target_semaphore(%arg6 : memref<!tpu.dma_semaphore, #tpu.memory_space<semaphore_mem>>)
    %add3A_17 = arith.constant 32 : i32
    %add3A_18 = arith.addi %add3A, %add3A_17 : i32
    %mul3A_19 = arith.constant 128 : i32
    %mul3A_20 = arith.muli %add3A_18, %mul3A_19 : i32
    %dma_start3A_21 = arith.constant 1 : i32
    %dma_start3A_22 = arith.constant 0 : i32
    %dma_start3A_23 = arith.constant 0 : i32
    %dma_start3A_24 = tpu.memref_slice %arg4[%dma_start3A_21, %dma_start3A_22, %dma_start3A_23] : memref<4x32x129xf32, #tpu.memory_space<vmem>> -> memref<1x32x128xf32, #tpu.memory_space<vmem>>
    %dma_start3A_25 = tpu.memref_squeeze %dma_start3A_24 : memref<1x32x128xf32, #tpu.memory_space<vmem>> -> memref<32x128xf32, #tpu.memory_space<vmem>>
    %dma_start3A_26 = arith.constant 0 : i32
    %dma_start3A_27 = tpu.memref_slice %arg2[%dma_start3A_26, %mul3A_20] : memref<32x1000000xf32, #tpu.memory_space<hbm>> -> memref<32x128xf32, #tpu.memory_space<hbm>>
    %dma_start3A_28 = arith.constant 0 : i32
    %dma_start3A_29 = arith.constant 0 : i32
    %dma_start3A_30 = tpu.memref_slice %arg4[%dma_start3A_21, %dma_start3A_28, %dma_start3A_29] : memref<4x32x129xf32, #tpu.memory_space<vmem>> -> memref<1x32x128xf32, #tpu.memory_space<vmem>>
    %dma_start3A_31 = tpu.memref_squeeze %dma_start3A_30 : memref<1x32x128xf32, #tpu.memory_space<vmem>> -> memref<32x128xf32, #tpu.memory_space<vmem>>
    %dma_start3A_32 = arith.constant 0 : i32
    %dma_start3A_33 = tpu.memref_slice %arg2[%dma_start3A_32, %mul3A_20] : memref<32x1000000xf32, #tpu.memory_space<hbm>> -> memref<32x128xf32, #tpu.memory_space<hbm>>
    tpu.enqueue_dma source(%dma_start3A_33 : memref<32x128xf32, #tpu.memory_space<hbm>>) target(%dma_start3A_31 : memref<32x128xf32, #tpu.memory_space<vmem>>) target_semaphore(%arg7 : memref<!tpu.dma_semaphore, #tpu.memory_space<semaphore_mem>>)
    %add3A_34 = arith.constant 64 : i32
    %add3A_35 = arith.addi %add3A, %add3A_34 : i32
    %mul3A_36 = arith.constant 128 : i32
    %mul3A_37 = arith.muli %add3A_35, %mul3A_36 : i32
    %dma_start3A_38 = arith.constant 2 : i32
    %dma_start3A_39 = arith.constant 0 : i32
    %dma_start3A_40 = arith.constant 0 : i32
    %dma_start3A_41 = tpu.memref_slice %arg4[%dma_start3A_38, %dma_start3A_39, %dma_start3A_40] : memref<4x32x129xf32, #tpu.memory_space<vmem>> -> memref<1x32x128xf32, #tpu.memory_space<vmem>>
    %dma_start3A_42 = tpu.memref_squeeze %dma_start3A_41 : memref<1x32x128xf32, #tpu.memory_space<vmem>> -> memref<32x128xf32, #tpu.memory_space<vmem>>
    %dma_start3A_43 = arith.constant 0 : i32
    %dma_start3A_44 = tpu.memref_slice %arg2[%dma_start3A_43, %mul3A_37] : memref<32x1000000xf32, #tpu.memory_space<hbm>> -> memref<32x128xf32, #tpu.memory_space<hbm>>
    %dma_start3A_45 = arith.constant 0 : i32
    %dma_start3A_46 = arith.constant 0 : i32
    %dma_start3A_47 = tpu.memref_slice %arg4[%dma_start3A_38, %dma_start3A_45, %dma_start3A_46] : memref<4x32x129xf32, #tpu.memory_space<vmem>> -> memref<1x32x128xf32, #tpu.memory_space<vmem>>
    %dma_start3A_48 = tpu.memref_squeeze %dma_start3A_47 : memref<1x32x128xf32, #tpu.memory_space<vmem>> -> memref<32x128xf32, #tpu.memory_space<vmem>>
    %dma_start3A_49 = arith.constant 0 : i32
    %dma_start3A_50 = tpu.memref_slice %arg2[%dma_start3A_49, %mul3A_37] : memref<32x1000000xf32, #tpu.memory_space<hbm>> -> memref<32x128xf32, #tpu.memory_space<hbm>>
    tpu.enqueue_dma source(%dma_start3A_50 : memref<32x128xf32, #tpu.memory_space<hbm>>) target(%dma_start3A_48 : memref<32x128xf32, #tpu.memory_space<vmem>>) target_semaphore(%arg8 : memref<!tpu.dma_semaphore, #tpu.memory_space<semaphore_mem>>)
    %scan3A = arith.constant 0 : i32
    %scan3A_51 = arith.constant 61 : i32
    %scan3A_52 = arith.addi %scan3A, %scan3A_51 : i32
    %scan3A_53 = arith.constant 1 : i32
    scf.for %scan3A_86 = %scan3A to %scan3A_52 step %scan3A_53  : i32 {
      %mul3A_87 = arith.constant 4 : i32
      %mul3A_88 = arith.muli %scan3A_86, %mul3A_87 : i32
      %add3A_89 = arith.constant 0 : i32
      %add3A_90 = arith.addi %add3A_89, %mul3A_88 : i32
      %dma_wait3A_91 = arith.constant 0 : i32
      %dma_wait3A_92 = arith.constant 0 : i32
      %dma_wait3A_93 = arith.constant 0 : i32
      %dma_wait3A_94 = tpu.memref_slice %arg4[%dma_wait3A_91, %dma_wait3A_92, %dma_wait3A_93] : memref<4x32x129xf32, #tpu.memory_space<vmem>> -> memref<1x32x128xf32, #tpu.memory_space<vmem>>
      %dma_wait3A_95 = tpu.memref_squeeze %dma_wait3A_94 : memref<1x32x128xf32, #tpu.memory_space<vmem>> -> memref<32x128xf32, #tpu.memory_space<vmem>>
      %dma_wait3A_96 = arith.constant 0 : i32
      %dma_wait3A_97 = arith.constant 0 : i32
      %dma_wait3A_98 = tpu.memref_slice %arg2[%dma_wait3A_96, %dma_wait3A_97] : memref<32x1000000xf32, #tpu.memory_space<hbm>> -> memref<32x128xf32, #tpu.memory_space<hbm>>
      %dma_wait3A_99 = arith.constant 0 : i32
      %dma_wait3A_100 = arith.constant 0 : i32
      %dma_wait3A_101 = tpu.memref_slice %arg4[%dma_wait3A_91, %dma_wait3A_99, %dma_wait3A_100] : memref<4x32x129xf32, #tpu.memory_space<vmem>> -> memref<1x32x128xf32, #tpu.memory_space<vmem>>
      %dma_wait3A_102 = tpu.memref_squeeze %dma_wait3A_101 : memref<1x32x128xf32, #tpu.memory_space<vmem>> -> memref<32x128xf32, #tpu.memory_space<vmem>>
      %dma_wait3A_103 = arith.constant 0 : i32
      %dma_wait3A_104 = arith.constant 0 : i32
      %dma_wait3A_105 = tpu.memref_slice %arg2[%dma_wait3A_103, %dma_wait3A_104] : memref<32x1000000xf32, #tpu.memory_space<hbm>> -> memref<32x128xf32, #tpu.memory_space<hbm>>
      tpu.wait_dma2 semaphore(%arg6 : memref<!tpu.dma_semaphore, #tpu.memory_space<semaphore_mem>>) src(%dma_wait3A_105 : memref<32x128xf32, #tpu.memory_space<hbm>>) dst(%dma_wait3A_102 : memref<32x128xf32, #tpu.memory_space<vmem>>)
      %add3A_106 = arith.constant 0 : i32
      %add3A_107 = arith.addi %add3A_90, %add3A_106 : i32
      %ge3A = arith.constant 2 : i32
      %ge3A_108 = arith.cmpi sge, %add3A_107, %ge3A : i32
      %convert_element_type3A_109 = arith.extui %ge3A_108 : i1 to i32
      %cond3A_110 = arith.constant 0 : i32
      %cond3A_111 = arith.cmpi ne, %convert_element_type3A_109, %cond3A_110 : i32
      scf.if %cond3A_111 {
        %dma_wait3A_309 = arith.constant 0 : i32
        %dma_wait3A_310 = arith.constant 0 : i32
        %dma_wait3A_311 = arith.constant 0 : i32
        %dma_wait3A_312 = tpu.memref_slice %arg5[%dma_wait3A_309, %dma_wait3A_310, %dma_wait3A_311] : memref<2x32x128xf32, #tpu.memory_space<vmem>> -> memref<1x32x128xf32, #tpu.memory_space<vmem>>
        %dma_wait3A_313 = tpu.memref_squeeze %dma_wait3A_312 : memref<1x32x128xf32, #tpu.memory_space<vmem>> -> memref<32x128xf32, #tpu.memory_space<vmem>>
        %dma_wait3A_314 = arith.constant 0 : i32
        %dma_wait3A_315 = arith.constant 0 : i32
        %dma_wait3A_316 = tpu.memref_slice %arg3[%dma_wait3A_314, %dma_wait3A_315] : memref<250016x128xf32, #tpu.memory_space<hbm>> -> memref<32x128xf32, #tpu.memory_space<hbm>>
        %dma_wait3A_317 = arith.constant 0 : i32
        %dma_wait3A_318 = arith.constant 0 : i32
        %dma_wait3A_319 = tpu.memref_slice %arg3[%dma_wait3A_317, %dma_wait3A_318] : memref<250016x128xf32, #tpu.memory_space<hbm>> -> memref<32x128xf32, #tpu.memory_space<hbm>>
        %dma_wait3A_320 = arith.constant 0 : i32
        %dma_wait3A_321 = arith.constant 0 : i32
        %dma_wait3A_322 = tpu.memref_slice %arg5[%dma_wait3A_309, %dma_wait3A_320, %dma_wait3A_321] : memref<2x32x128xf32, #tpu.memory_space<vmem>> -> memref<1x32x128xf32, #tpu.memory_space<vmem>>
        %dma_wait3A_323 = tpu.memref_squeeze %dma_wait3A_322 : memref<1x32x128xf32, #tpu.memory_space<vmem>> -> memref<32x128xf32, #tpu.memory_space<vmem>>
        tpu.wait_dma2 semaphore(%arg10 : memref<!tpu.dma_semaphore, #tpu.memory_space<semaphore_mem>>) src(%dma_wait3A_323 : memref<32x128xf32, #tpu.memory_space<vmem>>) dst(%dma_wait3A_319 : memref<32x128xf32, #tpu.memory_space<hbm>>)
      } else {
      }
      %parallel_loop3A = arith.constant 0 : i32
      %parallel_loop3A_112 = arith.constant 32 : i32
      %parallel_loop3A_113 = arith.constant 1 : i32
      %parallel_loop3A_114 = arith.constant 0 : i32
      scf.for %parallel_loop3A_309 = %parallel_loop3A to %parallel_loop3A_112 step %parallel_loop3A_113  : i32 {
        %parallel_loop3A_310 = arith.constant 0 : i32
        %parallel_loop3A_311 = vector.broadcast %parallel_loop3A_310 : i32 to vector<16xi32>
        %parallel_loop3A_312 = arith.addi %iota3A, %parallel_loop3A_311 : vector<16xi32>
        %parallel_loop3A_313 = arith.constant 0 : i32
        %parallel_loop3A_314 = vector.broadcast %parallel_loop3A_313 : i32 to vector<16xi32>
        %parallel_loop3A_315 = arith.constant 4 : i32
        %parallel_loop3A_316 = arith.muli %parallel_loop3A_315, %parallel_loop3A_309 : i32
        %parallel_loop3A_317 = vector.broadcast %parallel_loop3A_316 : i32 to vector<16xi32>
        %parallel_loop3A_318 = arith.addi %parallel_loop3A_314, %parallel_loop3A_317 : vector<16xi32>
        %parallel_loop3A_319 = arith.constant 0 : i32
        %parallel_loop3A_320 = arith.constant 0 : i32
        %parallel_loop3A_321 = tpu.memref_slice %arg4[%parallel_loop3A_114, %parallel_loop3A_319, %parallel_loop3A_320] : memref<4x32x129xf32, #tpu.memory_space<vmem>> -> memref<1x32x129xf32, #tpu.memory_space<vmem>>
        %parallel_loop3A_322 = tpu.memref_squeeze %parallel_loop3A_321 : memref<1x32x129xf32, #tpu.memory_space<vmem>> -> memref<32x129xf32, #tpu.memory_space<vmem>>
        %parallel_loop3A_323 = tpu.vector_load_idx %parallel_loop3A_322[%parallel_loop3A_312, %parallel_loop3A_318] : memref<32x129xf32, #tpu.memory_space<vmem>>[vector<16xi32>, vector<16xi32>], vector<16xf32>,
        %parallel_loop3A_324 = arith.constant 0 : i32
        %parallel_loop3A_325 = arith.index_cast %parallel_loop3A_324 : i32 to index
        %parallel_loop3A_326 = arith.index_cast %parallel_loop3A_309 : i32 to index
        %parallel_loop3A_327 = arith.constant 0 : index
        %parallel_loop3A_328 = tpu.vector_load %arg5[%parallel_loop3A_325, %parallel_loop3A_326, %parallel_loop3A_327] {strides = array<i32>} : memref<2x32x128xf32, #tpu.memory_space<vmem>>, vector<16xf32>,
        tpu.vector_store %arg5[%parallel_loop3A_325, %parallel_loop3A_326, %parallel_loop3A_327], %parallel_loop3A_323 {strides = array<i32>} : memref<2x32x128xf32, #tpu.memory_space<vmem>>, vector<16xf32>,
        %parallel_loop3A_329 = arith.constant 16 : i32
        %parallel_loop3A_330 = vector.broadcast %parallel_loop3A_329 : i32 to vector<16xi32>
        %parallel_loop3A_331 = arith.addi %iota3A, %parallel_loop3A_330 : vector<16xi32>
        %parallel_loop3A_332 = arith.constant 0 : i32
        %parallel_loop3A_333 = vector.broadcast %parallel_loop3A_332 : i32 to vector<16xi32>
        %parallel_loop3A_334 = arith.constant 4 : i32
        %parallel_loop3A_335 = arith.muli %parallel_loop3A_334, %parallel_loop3A_309 : i32
        %parallel_loop3A_336 = vector.broadcast %parallel_loop3A_335 : i32 to vector<16xi32>
        %parallel_loop3A_337 = arith.addi %parallel_loop3A_333, %parallel_loop3A_336 : vector<16xi32>
        %parallel_loop3A_338 = arith.constant 0 : i32
        %parallel_loop3A_339 = arith.constant 0 : i32
        %parallel_loop3A_340 = tpu.memref_slice %arg4[%parallel_loop3A_114, %parallel_loop3A_338, %parallel_loop3A_339] : memref<4x32x129xf32, #tpu.memory_space<vmem>> -> memref<1x32x129xf32, #tpu.memory_space<vmem>>
        %parallel_loop3A_341 = tpu.memref_squeeze %parallel_loop3A_340 : memref<1x32x129xf32, #tpu.memory_space<vmem>> -> memref<32x129xf32, #tpu.memory_space<vmem>>
        %parallel_loop3A_342 = tpu.vector_load_idx %parallel_loop3A_341[%parallel_loop3A_331, %parallel_loop3A_337] : memref<32x129xf32, #tpu.memory_space<vmem>>[vector<16xi32>, vector<16xi32>], vector<16xf32>,
        %parallel_loop3A_343 = arith.constant 0 : i32
        %parallel_loop3A_344 = arith.index_cast %parallel_loop3A_343 : i32 to index
        %parallel_loop3A_345 = arith.index_cast %parallel_loop3A_309 : i32 to index
        %parallel_loop3A_346 = arith.constant 16 : index
        %parallel_loop3A_347 = tpu.vector_load %arg5[%parallel_loop3A_344, %parallel_loop3A_345, %parallel_loop3A_346] {strides = array<i32>} : memref<2x32x128xf32, #tpu.memory_space<vmem>>, vector<16xf32>,
        tpu.vector_store %arg5[%parallel_loop3A_344, %parallel_loop3A_345, %parallel_loop3A_346], %parallel_loop3A_342 {strides = array<i32>} : memref<2x32x128xf32, #tpu.memory_space<vmem>>, vector<16xf32>,
        %parallel_loop3A_348 = arith.constant 0 : i32
        %parallel_loop3A_349 = vector.broadcast %parallel_loop3A_348 : i32 to vector<16xi32>
        %parallel_loop3A_350 = arith.addi %iota3A, %parallel_loop3A_349 : vector<16xi32>
        %parallel_loop3A_351 = arith.constant 1 : i32
        %parallel_loop3A_352 = vector.broadcast %parallel_loop3A_351 : i32 to vector<16xi32>
        %parallel_loop3A_353 = arith.constant 4 : i32
        %parallel_loop3A_354 = arith.muli %parallel_loop3A_353, %parallel_loop3A_309 : i32
        %parallel_loop3A_355 = vector.broadcast %parallel_loop3A_354 : i32 to vector<16xi32>
        %parallel_loop3A_356 = arith.addi %parallel_loop3A_352, %parallel_loop3A_355 : vector<16xi32>
        %parallel_loop3A_357 = arith.constant 0 : i32
        %parallel_loop3A_358 = arith.constant 0 : i32
        %parallel_loop3A_359 = tpu.memref_slice %arg4[%parallel_loop3A_114, %parallel_loop3A_357, %parallel_loop3A_358] : memref<4x32x129xf32, #tpu.memory_space<vmem>> -> memref<1x32x129xf32, #tpu.memory_space<vmem>>
        %parallel_loop3A_360 = tpu.memref_squeeze %parallel_loop3A_359 : memref<1x32x129xf32, #tpu.memory_space<vmem>> -> memref<32x129xf32, #tpu.memory_space<vmem>>
        %parallel_loop3A_361 = tpu.vector_load_idx %parallel_loop3A_360[%parallel_loop3A_350, %parallel_loop3A_356] : memref<32x129xf32, #tpu.memory_space<vmem>>[vector<16xi32>, vector<16xi32>], vector<16xf32>,
        %parallel_loop3A_362 = arith.constant 0 : i32
        %parallel_loop3A_363 = arith.index_cast %parallel_loop3A_362 : i32 to index
        %parallel_loop3A_364 = arith.index_cast %parallel_loop3A_309 : i32 to index
        %parallel_loop3A_365 = arith.constant 32 : index
        %parallel_loop3A_366 = tpu.vector_load %arg5[%parallel_loop3A_363, %parallel_loop3A_364, %parallel_loop3A_365] {strides = array<i32>} : memref<2x32x128xf32, #tpu.memory_space<vmem>>, vector<16xf32>,
        tpu.vector_store %arg5[%parallel_loop3A_363, %parallel_loop3A_364, %parallel_loop3A_365], %parallel_loop3A_361 {strides = array<i32>} : memref<2x32x128xf32, #tpu.memory_space<vmem>>, vector<16xf32>,
        %parallel_loop3A_367 = arith.constant 16 : i32
        %parallel_loop3A_368 = vector.broadcast %parallel_loop3A_367 : i32 to vector<16xi32>
        %parallel_loop3A_369 = arith.addi %iota3A, %parallel_loop3A_368 : vector<16xi32>
        %parallel_loop3A_370 = arith.constant 1 : i32
        %parallel_loop3A_371 = vector.broadcast %parallel_loop3A_370 : i32 to vector<16xi32>
        %parallel_loop3A_372 = arith.constant 4 : i32
        %parallel_loop3A_373 = arith.muli %parallel_loop3A_372, %parallel_loop3A_309 : i32
        %parallel_loop3A_374 = vector.broadcast %parallel_loop3A_373 : i32 to vector<16xi32>
        %parallel_loop3A_375 = arith.addi %parallel_loop3A_371, %parallel_loop3A_374 : vector<16xi32>
        %parallel_loop3A_376 = arith.constant 0 : i32
        %parallel_loop3A_377 = arith.constant 0 : i32
        %parallel_loop3A_378 = tpu.memref_slice %arg4[%parallel_loop3A_114, %parallel_loop3A_376, %parallel_loop3A_377] : memref<4x32x129xf32, #tpu.memory_space<vmem>> -> memref<1x32x129xf32, #tpu.memory_space<vmem>>
        %parallel_loop3A_379 = tpu.memref_squeeze %parallel_loop3A_378 : memref<1x32x129xf32, #tpu.memory_space<vmem>> -> memref<32x129xf32, #tpu.memory_space<vmem>>
        %parallel_loop3A_380 = tpu.vector_load_idx %parallel_loop3A_379[%parallel_loop3A_369, %parallel_loop3A_375] : memref<32x129xf32, #tpu.memory_space<vmem>>[vector<16xi32>, vector<16xi32>], vector<16xf32>,
        %parallel_loop3A_381 = arith.constant 0 : i32
        %parallel_loop3A_382 = arith.index_cast %parallel_loop3A_381 : i32 to index
        %parallel_loop3A_383 = arith.index_cast %parallel_loop3A_309 : i32 to index
        %parallel_loop3A_384 = arith.constant 48 : index
        %parallel_loop3A_385 = tpu.vector_load %arg5[%parallel_loop3A_382, %parallel_loop3A_383, %parallel_loop3A_384] {strides = array<i32>} : memref<2x32x128xf32, #tpu.memory_space<vmem>>, vector<16xf32>,
        tpu.vector_store %arg5[%parallel_loop3A_382, %parallel_loop3A_383, %parallel_loop3A_384], %parallel_loop3A_380 {strides = array<i32>} : memref<2x32x128xf32, #tpu.memory_space<vmem>>, vector<16xf32>,
        %parallel_loop3A_386 = arith.constant 0 : i32
        %parallel_loop3A_387 = vector.broadcast %parallel_loop3A_386 : i32 to vector<16xi32>
        %parallel_loop3A_388 = arith.addi %iota3A, %parallel_loop3A_387 : vector<16xi32>
        %parallel_loop3A_389 = arith.constant 2 : i32
        %parallel_loop3A_390 = vector.broadcast %parallel_loop3A_389 : i32 to vector<16xi32>
        %parallel_loop3A_391 = arith.constant 4 : i32
        %parallel_loop3A_392 = arith.muli %parallel_loop3A_391, %parallel_loop3A_309 : i32
        %parallel_loop3A_393 = vector.broadcast %parallel_loop3A_392 : i32 to vector<16xi32>
        %parallel_loop3A_394 = arith.addi %parallel_loop3A_390, %parallel_loop3A_393 : vector<16xi32>
        %parallel_loop3A_395 = arith.constant 0 : i32
        %parallel_loop3A_396 = arith.constant 0 : i32
        %parallel_loop3A_397 = tpu.memref_slice %arg4[%parallel_loop3A_114, %parallel_loop3A_395, %parallel_loop3A_396] : memref<4x32x129xf32, #tpu.memory_space<vmem>> -> memref<1x32x129xf32, #tpu.memory_space<vmem>>
        %parallel_loop3A_398 = tpu.memref_squeeze %parallel_loop3A_397 : memref<1x32x129xf32, #tpu.memory_space<vmem>> -> memref<32x129xf32, #tpu.memory_space<vmem>>
        %parallel_loop3A_399 = tpu.vector_load_idx %parallel_loop3A_398[%parallel_loop3A_388, %parallel_loop3A_394] : memref<32x129xf32, #tpu.memory_space<vmem>>[vector<16xi32>, vector<16xi32>], vector<16xf32>,
        %parallel_loop3A_400 = arith.constant 0 : i32
        %parallel_loop3A_401 = arith.index_cast %parallel_loop3A_400 : i32 to index
        %parallel_loop3A_402 = arith.index_cast %parallel_loop3A_309 : i32 to index
        %parallel_loop3A_403 = arith.constant 64 : index
        %parallel_loop3A_404 = tpu.vector_load %arg5[%parallel_loop3A_401, %parallel_loop3A_402, %parallel_loop3A_403] {strides = array<i32>} : memref<2x32x128xf32, #tpu.memory_space<vmem>>, vector<16xf32>,
        tpu.vector_store %arg5[%parallel_loop3A_401, %parallel_loop3A_402, %parallel_loop3A_403], %parallel_loop3A_399 {strides = array<i32>} : memref<2x32x128xf32, #tpu.memory_space<vmem>>, vector<16xf32>,
        %parallel_loop3A_405 = arith.constant 16 : i32
        %parallel_loop3A_406 = vector.broadcast %parallel_loop3A_405 : i32 to vector<16xi32>
        %parallel_loop3A_407 = arith.addi %iota3A, %parallel_loop3A_406 : vector<16xi32>
        %parallel_loop3A_408 = arith.constant 2 : i32
        %parallel_loop3A_409 = vector.broadcast %parallel_loop3A_408 : i32 to vector<16xi32>
        %parallel_loop3A_410 = arith.constant 4 : i32
        %parallel_loop3A_411 = arith.muli %parallel_loop3A_410, %parallel_loop3A_309 : i32
        %parallel_loop3A_412 = vector.broadcast %parallel_loop3A_411 : i32 to vector<16xi32>
        %parallel_loop3A_413 = arith.addi %parallel_loop3A_409, %parallel_loop3A_412 : vector<16xi32>
        %parallel_loop3A_414 = arith.constant 0 : i32
        %parallel_loop3A_415 = arith.constant 0 : i32
        %parallel_loop3A_416 = tpu.memref_slice %arg4[%parallel_loop3A_114, %parallel_loop3A_414, %parallel_loop3A_415] : memref<4x32x129xf32, #tpu.memory_space<vmem>> -> memref<1x32x129xf32, #tpu.memory_space<vmem>>
        %parallel_loop3A_417 = tpu.memref_squeeze %parallel_loop3A_416 : memref<1x32x129xf32, #tpu.memory_space<vmem>> -> memref<32x129xf32, #tpu.memory_space<vmem>>
        %parallel_loop3A_418 = tpu.vector_load_idx %parallel_loop3A_417[%parallel_loop3A_407, %parallel_loop3A_413] : memref<32x129xf32, #tpu.memory_space<vmem>>[vector<16xi32>, vector<16xi32>], vector<16xf32>,
        %parallel_loop3A_419 = arith.constant 0 : i32
        %parallel_loop3A_420 = arith.index_cast %parallel_loop3A_419 : i32 to index
        %parallel_loop3A_421 = arith.index_cast %parallel_loop3A_309 : i32 to index
        %parallel_loop3A_422 = arith.constant 80 : index
        %parallel_loop3A_423 = tpu.vector_load %arg5[%parallel_loop3A_420, %parallel_loop3A_421, %parallel_loop3A_422] {strides = array<i32>} : memref<2x32x128xf32, #tpu.memory_space<vmem>>, vector<16xf32>,
        tpu.vector_store %arg5[%parallel_loop3A_420, %parallel_loop3A_421, %parallel_loop3A_422], %parallel_loop3A_418 {strides = array<i32>} : memref<2x32x128xf32, #tpu.memory_space<vmem>>, vector<16xf32>,
        %parallel_loop3A_424 = arith.constant 0 : i32
        %parallel_loop3A_425 = vector.broadcast %parallel_loop3A_424 : i32 to vector<16xi32>
        %parallel_loop3A_426 = arith.addi %iota3A, %parallel_loop3A_425 : vector<16xi32>
        %parallel_loop3A_427 = arith.constant 3 : i32
        %parallel_loop3A_428 = vector.broadcast %parallel_loop3A_427 : i32 to vector<16xi32>
        %parallel_loop3A_429 = arith.constant 4 : i32
        %parallel_loop3A_430 = arith.muli %parallel_loop3A_429, %parallel_loop3A_309 : i32
        %parallel_loop3A_431 = vector.broadcast %parallel_loop3A_430 : i32 to vector<16xi32>
        %parallel_loop3A_432 = arith.addi %parallel_loop3A_428, %parallel_loop3A_431 : vector<16xi32>
        %parallel_loop3A_433 = arith.constant 0 : i32
        %parallel_loop3A_434 = arith.constant 0 : i32
        %parallel_loop3A_435 = tpu.memref_slice %arg4[%parallel_loop3A_114, %parallel_loop3A_433, %parallel_loop3A_434] : memref<4x32x129xf32, #tpu.memory_space<vmem>> -> memref<1x32x129xf32, #tpu.memory_space<vmem>>
        %parallel_loop3A_436 = tpu.memref_squeeze %parallel_loop3A_435 : memref<1x32x129xf32, #tpu.memory_space<vmem>> -> memref<32x129xf32, #tpu.memory_space<vmem>>
        %parallel_loop3A_437 = tpu.vector_load_idx %parallel_loop3A_436[%parallel_loop3A_426, %parallel_loop3A_432] : memref<32x129xf32, #tpu.memory_space<vmem>>[vector<16xi32>, vector<16xi32>], vector<16xf32>,
        %parallel_loop3A_438 = arith.constant 0 : i32
        %parallel_loop3A_439 = arith.index_cast %parallel_loop3A_438 : i32 to index
        %parallel_loop3A_440 = arith.index_cast %parallel_loop3A_309 : i32 to index
        %parallel_loop3A_441 = arith.constant 96 : index
        %parallel_loop3A_442 = tpu.vector_load %arg5[%parallel_loop3A_439, %parallel_loop3A_440, %parallel_loop3A_441] {strides = array<i32>} : memref<2x32x128xf32, #tpu.memory_space<vmem>>, vector<16xf32>,
        tpu.vector_store %arg5[%parallel_loop3A_439, %parallel_loop3A_440, %parallel_loop3A_441], %parallel_loop3A_437 {strides = array<i32>} : memref<2x32x128xf32, #tpu.memory_space<vmem>>, vector<16xf32>,
        %parallel_loop3A_443 = arith.constant 16 : i32
        %parallel_loop3A_444 = vector.broadcast %parallel_loop3A_443 : i32 to vector<16xi32>
        %parallel_loop3A_445 = arith.addi %iota3A, %parallel_loop3A_444 : vector<16xi32>
        %parallel_loop3A_446 = arith.constant 3 : i32
        %parallel_loop3A_447 = vector.broadcast %parallel_loop3A_446 : i32 to vector<16xi32>
        %parallel_loop3A_448 = arith.constant 4 : i32
        %parallel_loop3A_449 = arith.muli %parallel_loop3A_448, %parallel_loop3A_309 : i32
        %parallel_loop3A_450 = vector.broadcast %parallel_loop3A_449 : i32 to vector<16xi32>
        %parallel_loop3A_451 = arith.addi %parallel_loop3A_447, %parallel_loop3A_450 : vector<16xi32>
        %parallel_loop3A_452 = arith.constant 0 : i32
        %parallel_loop3A_453 = arith.constant 0 : i32
        %parallel_loop3A_454 = tpu.memref_slice %arg4[%parallel_loop3A_114, %parallel_loop3A_452, %parallel_loop3A_453] : memref<4x32x129xf32, #tpu.memory_space<vmem>> -> memref<1x32x129xf32, #tpu.memory_space<vmem>>
        %parallel_loop3A_455 = tpu.memref_squeeze %parallel_loop3A_454 : memref<1x32x129xf32, #tpu.memory_space<vmem>> -> memref<32x129xf32, #tpu.memory_space<vmem>>
        %parallel_loop3A_456 = tpu.vector_load_idx %parallel_loop3A_455[%parallel_loop3A_445, %parallel_loop3A_451] : memref<32x129xf32, #tpu.memory_space<vmem>>[vector<16xi32>, vector<16xi32>], vector<16xf32>,
        %parallel_loop3A_457 = arith.constant 0 : i32
        %parallel_loop3A_458 = arith.index_cast %parallel_loop3A_457 : i32 to index
        %parallel_loop3A_459 = arith.index_cast %parallel_loop3A_309 : i32 to index
        %parallel_loop3A_460 = arith.constant 112 : index
        %parallel_loop3A_461 = tpu.vector_load %arg5[%parallel_loop3A_458, %parallel_loop3A_459, %parallel_loop3A_460] {strides = array<i32>} : memref<2x32x128xf32, #tpu.memory_space<vmem>>, vector<16xf32>,
        tpu.vector_store %arg5[%parallel_loop3A_458, %parallel_loop3A_459, %parallel_loop3A_460], %parallel_loop3A_456 {strides = array<i32>} : memref<2x32x128xf32, #tpu.memory_space<vmem>>, vector<16xf32>,
      } {sc.loop_unroll_factor = 4 : i64, sc.parallel_access}
      %add3A_115 = arith.constant 0 : i32
      %add3A_116 = arith.addi %add3A_90, %add3A_115 : i32
      %mul3A_117 = arith.constant 32 : i32
      %mul3A_118 = arith.muli %add3A_116, %mul3A_117 : i32
      %add3A_119 = arith.addi %add3A, %mul3A_118 : i32
      %mul3A_120 = arith.constant 32 : i32
      %mul3A_121 = arith.muli %add3A_119, %mul3A_120 : i32
      %dma_start3A_122 = arith.constant 0 : i32
      %dma_start3A_123 = arith.constant 0 : i32
      %dma_start3A_124 = arith.constant 0 : i32
      %dma_start3A_125 = tpu.memref_slice %arg5[%dma_start3A_122, %dma_start3A_123, %dma_start3A_124] : memref<2x32x128xf32, #tpu.memory_space<vmem>> -> memref<1x32x128xf32, #tpu.memory_space<vmem>>
      %dma_start3A_126 = tpu.memref_squeeze %dma_start3A_125 : memref<1x32x128xf32, #tpu.memory_space<vmem>> -> memref<32x128xf32, #tpu.memory_space<vmem>>
      %dma_start3A_127 = arith.constant 0 : i32
      %dma_start3A_128 = tpu.memref_slice %arg3[%mul3A_121, %dma_start3A_127] : memref<250016x128xf32, #tpu.memory_space<hbm>> -> memref<32x128xf32, #tpu.memory_space<hbm>>
      %dma_start3A_129 = arith.constant 0 : i32
      %dma_start3A_130 = tpu.memref_slice %arg3[%mul3A_121, %dma_start3A_129] : memref<250016x128xf32, #tpu.memory_space<hbm>> -> memref<32x128xf32, #tpu.memory_space<hbm>>
      %dma_start3A_131 = arith.constant 0 : i32
      %dma_start3A_132 = arith.constant 0 : i32
      %dma_start3A_133 = tpu.memref_slice %arg5[%dma_start3A_122, %dma_start3A_131, %dma_start3A_132] : memref<2x32x128xf32, #tpu.memory_space<vmem>> -> memref<1x32x128xf32, #tpu.memory_space<vmem>>
      %dma_start3A_134 = tpu.memref_squeeze %dma_start3A_133 : memref<1x32x128xf32, #tpu.memory_space<vmem>> -> memref<32x128xf32, #tpu.memory_space<vmem>>
      tpu.enqueue_dma source(%dma_start3A_134 : memref<32x128xf32, #tpu.memory_space<vmem>>) target(%dma_start3A_130 : memref<32x128xf32, #tpu.memory_space<hbm>>) target_semaphore(%arg10 : memref<!tpu.dma_semaphore, #tpu.memory_space<semaphore_mem>>)
      %add3A_135 = arith.constant 0 : i32
      %add3A_136 = arith.addi %add3A_90, %add3A_135 : i32
      %add3A_137 = arith.constant 3 : i32
      %add3A_138 = arith.addi %add3A_136, %add3A_137 : i32
      %lt3A_139 = arith.constant 244 : i32
      %lt3A_140 = arith.cmpi slt, %add3A_138, %lt3A_139 : i32
      %convert_element_type3A_141 = arith.extui %lt3A_140 : i1 to i32
      %cond3A_142 = arith.constant 0 : i32
      %cond3A_143 = arith.cmpi ne, %convert_element_type3A_141, %cond3A_142 : i32
      scf.if %cond3A_143 {
        %add3A_309 = arith.constant 0 : i32
        %add3A_310 = arith.addi %add3A_90, %add3A_309 : i32
        %add3A_311 = arith.constant 3 : i32
        %add3A_312 = arith.addi %add3A_310, %add3A_311 : i32
        %mul3A_313 = arith.constant 32 : i32
        %mul3A_314 = arith.muli %add3A_312, %mul3A_313 : i32
        %add3A_315 = arith.addi %add3A, %mul3A_314 : i32
        %mul3A_316 = arith.constant 128 : i32
        %mul3A_317 = arith.muli %add3A_315, %mul3A_316 : i32
        %dma_start3A_318 = arith.constant 3 : i32
        %dma_start3A_319 = arith.constant 0 : i32
        %dma_start3A_320 = arith.constant 0 : i32
        %dma_start3A_321 = tpu.memref_slice %arg4[%dma_start3A_318, %dma_start3A_319, %dma_start3A_320] : memref<4x32x129xf32, #tpu.memory_space<vmem>> -> memref<1x32x128xf32, #tpu.memory_space<vmem>>
        %dma_start3A_322 = tpu.memref_squeeze %dma_start3A_321 : memref<1x32x128xf32, #tpu.memory_space<vmem>> -> memref<32x128xf32, #tpu.memory_space<vmem>>
        %dma_start3A_323 = arith.constant 0 : i32
        %dma_start3A_324 = tpu.memref_slice %arg2[%dma_start3A_323, %mul3A_317] : memref<32x1000000xf32, #tpu.memory_space<hbm>> -> memref<32x128xf32, #tpu.memory_space<hbm>>
        %dma_start3A_325 = arith.constant 0 : i32
        %dma_start3A_326 = arith.constant 0 : i32
        %dma_start3A_327 = tpu.memref_slice %arg4[%dma_start3A_318, %dma_start3A_325, %dma_start3A_326] : memref<4x32x129xf32, #tpu.memory_space<vmem>> -> memref<1x32x128xf32, #tpu.memory_space<vmem>>
        %dma_start3A_328 = tpu.memref_squeeze %dma_start3A_327 : memref<1x32x128xf32, #tpu.memory_space<vmem>> -> memref<32x128xf32, #tpu.memory_space<vmem>>
        %dma_start3A_329 = arith.constant 0 : i32
        %dma_start3A_330 = tpu.memref_slice %arg2[%dma_start3A_329, %mul3A_317] : memref<32x1000000xf32, #tpu.memory_space<hbm>> -> memref<32x128xf32, #tpu.memory_space<hbm>>
        tpu.enqueue_dma source(%dma_start3A_330 : memref<32x128xf32, #tpu.memory_space<hbm>>) target(%dma_start3A_328 : memref<32x128xf32, #tpu.memory_space<vmem>>) target_semaphore(%arg9 : memref<!tpu.dma_semaphore, #tpu.memory_space<semaphore_mem>>)
      } else {
      }
      %dma_wait3A_144 = arith.constant 1 : i32
      %dma_wait3A_145 = arith.constant 0 : i32
      %dma_wait3A_146 = arith.constant 0 : i32
      %dma_wait3A_147 = tpu.memref_slice %arg4[%dma_wait3A_144, %dma_wait3A_145, %dma_wait3A_146] : memref<4x32x129xf32, #tpu.memory_space<vmem>> -> memref<1x32x128xf32, #tpu.memory_space<vmem>>
      %dma_wait3A_148 = tpu.memref_squeeze %dma_wait3A_147 : memref<1x32x128xf32, #tpu.memory_space<vmem>> -> memref<32x128xf32, #tpu.memory_space<vmem>>
      %dma_wait3A_149 = arith.constant 0 : i32
      %dma_wait3A_150 = arith.constant 0 : i32
      %dma_wait3A_151 = tpu.memref_slice %arg2[%dma_wait3A_149, %dma_wait3A_150] : memref<32x1000000xf32, #tpu.memory_space<hbm>> -> memref<32x128xf32, #tpu.memory_space<hbm>>
      %dma_wait3A_152 = arith.constant 0 : i32
      %dma_wait3A_153 = arith.constant 0 : i32
      %dma_wait3A_154 = tpu.memref_slice %arg4[%dma_wait3A_144, %dma_wait3A_152, %dma_wait3A_153] : memref<4x32x129xf32, #tpu.memory_space<vmem>> -> memref<1x32x128xf32, #tpu.memory_space<vmem>>
      %dma_wait3A_155 = tpu.memref_squeeze %dma_wait3A_154 : memref<1x32x128xf32, #tpu.memory_space<vmem>> -> memref<32x128xf32, #tpu.memory_space<vmem>>
      %dma_wait3A_156 = arith.constant 0 : i32
      %dma_wait3A_157 = arith.constant 0 : i32
      %dma_wait3A_158 = tpu.memref_slice %arg2[%dma_wait3A_156, %dma_wait3A_157] : memref<32x1000000xf32, #tpu.memory_space<hbm>> -> memref<32x128xf32, #tpu.memory_space<hbm>>
      tpu.wait_dma2 semaphore(%arg7 : memref<!tpu.dma_semaphore, #tpu.memory_space<semaphore_mem>>) src(%dma_wait3A_158 : memref<32x128xf32, #tpu.memory_space<hbm>>) dst(%dma_wait3A_155 : memref<32x128xf32, #tpu.memory_space<vmem>>)
      %add3A_159 = arith.constant 1 : i32
      %add3A_160 = arith.addi %add3A_90, %add3A_159 : i32
      %ge3A_161 = arith.constant 2 : i32
      %ge3A_162 = arith.cmpi sge, %add3A_160, %ge3A_161 : i32
      %convert_element_type3A_163 = arith.extui %ge3A_162 : i1 to i32
      %cond3A_164 = arith.constant 0 : i32
      %cond3A_165 = arith.cmpi ne, %convert_element_type3A_163, %cond3A_164 : i32
      scf.if %cond3A_165 {
        %dma_wait3A_309 = arith.constant 1 : i32
        %dma_wait3A_310 = arith.constant 0 : i32
        %dma_wait3A_311 = arith.constant 0 : i32
        %dma_wait3A_312 = tpu.memref_slice %arg5[%dma_wait3A_309, %dma_wait3A_310, %dma_wait3A_311] : memref<2x32x128xf32, #tpu.memory_space<vmem>> -> memref<1x32x128xf32, #tpu.memory_space<vmem>>
        %dma_wait3A_313 = tpu.memref_squeeze %dma_wait3A_312 : memref<1x32x128xf32, #tpu.memory_space<vmem>> -> memref<32x128xf32, #tpu.memory_space<vmem>>
        %dma_wait3A_314 = arith.constant 0 : i32
        %dma_wait3A_315 = arith.constant 0 : i32
        %dma_wait3A_316 = tpu.memref_slice %arg3[%dma_wait3A_314, %dma_wait3A_315] : memref<250016x128xf32, #tpu.memory_space<hbm>> -> memref<32x128xf32, #tpu.memory_space<hbm>>
        %dma_wait3A_317 = arith.constant 0 : i32
        %dma_wait3A_318 = arith.constant 0 : i32
        %dma_wait3A_319 = tpu.memref_slice %arg3[%dma_wait3A_317, %dma_wait3A_318] : memref<250016x128xf32, #tpu.memory_space<hbm>> -> memref<32x128xf32, #tpu.memory_space<hbm>>
        %dma_wait3A_320 = arith.constant 0 : i32
        %dma_wait3A_321 = arith.constant 0 : i32
        %dma_wait3A_322 = tpu.memref_slice %arg5[%dma_wait3A_309, %dma_wait3A_320, %dma_wait3A_321] : memref<2x32x128xf32, #tpu.memory_space<vmem>> -> memref<1x32x128xf32, #tpu.memory_space<vmem>>
        %dma_wait3A_323 = tpu.memref_squeeze %dma_wait3A_322 : memref<1x32x128xf32, #tpu.memory_space<vmem>> -> memref<32x128xf32, #tpu.memory_space<vmem>>
        tpu.wait_dma2 semaphore(%arg11 : memref<!tpu.dma_semaphore, #tpu.memory_space<semaphore_mem>>) src(%dma_wait3A_323 : memref<32x128xf32, #tpu.memory_space<vmem>>) dst(%dma_wait3A_319 : memref<32x128xf32, #tpu.memory_space<hbm>>)
      } else {
      }
      %parallel_loop3A_166 = arith.constant 0 : i32
      %parallel_loop3A_167 = arith.constant 32 : i32
      %parallel_loop3A_168 = arith.constant 1 : i32
      %parallel_loop3A_169 = arith.constant 1 : i32
      scf.for %parallel_loop3A_309 = %parallel_loop3A_166 to %parallel_loop3A_167 step %parallel_loop3A_168  : i32 {
        %parallel_loop3A_310 = arith.constant 0 : i32
        %parallel_loop3A_311 = vector.broadcast %parallel_loop3A_310 : i32 to vector<16xi32>
        %parallel_loop3A_312 = arith.addi %iota3A, %parallel_loop3A_311 : vector<16xi32>
        %parallel_loop3A_313 = arith.constant 0 : i32
        %parallel_loop3A_314 = vector.broadcast %parallel_loop3A_313 : i32 to vector<16xi32>
        %parallel_loop3A_315 = arith.constant 4 : i32
        %parallel_loop3A_316 = arith.muli %parallel_loop3A_315, %parallel_loop3A_309 : i32
        %parallel_loop3A_317 = vector.broadcast %parallel_loop3A_316 : i32 to vector<16xi32>
        %parallel_loop3A_318 = arith.addi %parallel_loop3A_314, %parallel_loop3A_317 : vector<16xi32>
        %parallel_loop3A_319 = arith.constant 0 : i32
        %parallel_loop3A_320 = arith.constant 0 : i32
        %parallel_loop3A_321 = tpu.memref_slice %arg4[%parallel_loop3A_169, %parallel_loop3A_319, %parallel_loop3A_320] : memref<4x32x129xf32, #tpu.memory_space<vmem>> -> memref<1x32x129xf32, #tpu.memory_space<vmem>>
        %parallel_loop3A_322 = tpu.memref_squeeze %parallel_loop3A_321 : memref<1x32x129xf32, #tpu.memory_space<vmem>> -> memref<32x129xf32, #tpu.memory_space<vmem>>
        %parallel_loop3A_323 = tpu.vector_load_idx %parallel_loop3A_322[%parallel_loop3A_312, %parallel_loop3A_318] : memref<32x129xf32, #tpu.memory_space<vmem>>[vector<16xi32>, vector<16xi32>], vector<16xf32>,
        %parallel_loop3A_324 = arith.constant 1 : i32
        %parallel_loop3A_325 = arith.index_cast %parallel_loop3A_324 : i32 to index
        %parallel_loop3A_326 = arith.index_cast %parallel_loop3A_309 : i32 to index
        %parallel_loop3A_327 = arith.constant 0 : index
        %parallel_loop3A_328 = tpu.vector_load %arg5[%parallel_loop3A_325, %parallel_loop3A_326, %parallel_loop3A_327] {strides = array<i32>} : memref<2x32x128xf32, #tpu.memory_space<vmem>>, vector<16xf32>,
        tpu.vector_store %arg5[%parallel_loop3A_325, %parallel_loop3A_326, %parallel_loop3A_327], %parallel_loop3A_323 {strides = array<i32>} : memref<2x32x128xf32, #tpu.memory_space<vmem>>, vector<16xf32>,
        %parallel_loop3A_329 = arith.constant 16 : i32
        %parallel_loop3A_330 = vector.broadcast %parallel_loop3A_329 : i32 to vector<16xi32>
        %parallel_loop3A_331 = arith.addi %iota3A, %parallel_loop3A_330 : vector<16xi32>
        %parallel_loop3A_332 = arith.constant 0 : i32
        %parallel_loop3A_333 = vector.broadcast %parallel_loop3A_332 : i32 to vector<16xi32>
        %parallel_loop3A_334 = arith.constant 4 : i32
        %parallel_loop3A_335 = arith.muli %parallel_loop3A_334, %parallel_loop3A_309 : i32
        %parallel_loop3A_336 = vector.broadcast %parallel_loop3A_335 : i32 to vector<16xi32>
        %parallel_loop3A_337 = arith.addi %parallel_loop3A_333, %parallel_loop3A_336 : vector<16xi32>
        %parallel_loop3A_338 = arith.constant 0 : i32
        %parallel_loop3A_339 = arith.constant 0 : i32
        %parallel_loop3A_340 = tpu.memref_slice %arg4[%parallel_loop3A_169, %parallel_loop3A_338, %parallel_loop3A_339] : memref<4x32x129xf32, #tpu.memory_space<vmem>> -> memref<1x32x129xf32, #tpu.memory_space<vmem>>
        %parallel_loop3A_341 = tpu.memref_squeeze %parallel_loop3A_340 : memref<1x32x129xf32, #tpu.memory_space<vmem>> -> memref<32x129xf32, #tpu.memory_space<vmem>>
        %parallel_loop3A_342 = tpu.vector_load_idx %parallel_loop3A_341[%parallel_loop3A_331, %parallel_loop3A_337] : memref<32x129xf32, #tpu.memory_space<vmem>>[vector<16xi32>, vector<16xi32>], vector<16xf32>,
        %parallel_loop3A_343 = arith.constant 1 : i32
        %parallel_loop3A_344 = arith.index_cast %parallel_loop3A_343 : i32 to index
        %parallel_loop3A_345 = arith.index_cast %parallel_loop3A_309 : i32 to index
        %parallel_loop3A_346 = arith.constant 16 : index
        %parallel_loop3A_347 = tpu.vector_load %arg5[%parallel_loop3A_344, %parallel_loop3A_345, %parallel_loop3A_346] {strides = array<i32>} : memref<2x32x128xf32, #tpu.memory_space<vmem>>, vector<16xf32>,
        tpu.vector_store %arg5[%parallel_loop3A_344, %parallel_loop3A_345, %parallel_loop3A_346], %parallel_loop3A_342 {strides = array<i32>} : memref<2x32x128xf32, #tpu.memory_space<vmem>>, vector<16xf32>,
        %parallel_loop3A_348 = arith.constant 0 : i32
        %parallel_loop3A_349 = vector.broadcast %parallel_loop3A_348 : i32 to vector<16xi32>
        %parallel_loop3A_350 = arith.addi %iota3A, %parallel_loop3A_349 : vector<16xi32>
        %parallel_loop3A_351 = arith.constant 1 : i32
        %parallel_loop3A_352 = vector.broadcast %parallel_loop3A_351 : i32 to vector<16xi32>
        %parallel_loop3A_353 = arith.constant 4 : i32
        %parallel_loop3A_354 = arith.muli %parallel_loop3A_353, %parallel_loop3A_309 : i32
        %parallel_loop3A_355 = vector.broadcast %parallel_loop3A_354 : i32 to vector<16xi32>
        %parallel_loop3A_356 = arith.addi %parallel_loop3A_352, %parallel_loop3A_355 : vector<16xi32>
        %parallel_loop3A_357 = arith.constant 0 : i32
        %parallel_loop3A_358 = arith.constant 0 : i32
        %parallel_loop3A_359 = tpu.memref_slice %arg4[%parallel_loop3A_169, %parallel_loop3A_357, %parallel_loop3A_358] : memref<4x32x129xf32, #tpu.memory_space<vmem>> -> memref<1x32x129xf32, #tpu.memory_space<vmem>>
        %parallel_loop3A_360 = tpu.memref_squeeze %parallel_loop3A_359 : memref<1x32x129xf32, #tpu.memory_space<vmem>> -> memref<32x129xf32, #tpu.memory_space<vmem>>
        %parallel_loop3A_361 = tpu.vector_load_idx %parallel_loop3A_360[%parallel_loop3A_350, %parallel_loop3A_356] : memref<32x129xf32, #tpu.memory_space<vmem>>[vector<16xi32>, vector<16xi32>], vector<16xf32>,
        %parallel_loop3A_362 = arith.constant 1 : i32
        %parallel_loop3A_363 = arith.index_cast %parallel_loop3A_362 : i32 to index
        %parallel_loop3A_364 = arith.index_cast %parallel_loop3A_309 : i32 to index
        %parallel_loop3A_365 = arith.constant 32 : index
        %parallel_loop3A_366 = tpu.vector_load %arg5[%parallel_loop3A_363, %parallel_loop3A_364, %parallel_loop3A_365] {strides = array<i32>} : memref<2x32x128xf32, #tpu.memory_space<vmem>>, vector<16xf32>,
        tpu.vector_store %arg5[%parallel_loop3A_363, %parallel_loop3A_364, %parallel_loop3A_365], %parallel_loop3A_361 {strides = array<i32>} : memref<2x32x128xf32, #tpu.memory_space<vmem>>, vector<16xf32>,
        %parallel_loop3A_367 = arith.constant 16 : i32
        %parallel_loop3A_368 = vector.broadcast %parallel_loop3A_367 : i32 to vector<16xi32>
        %parallel_loop3A_369 = arith.addi %iota3A, %parallel_loop3A_368 : vector<16xi32>
        %parallel_loop3A_370 = arith.constant 1 : i32
        %parallel_loop3A_371 = vector.broadcast %parallel_loop3A_370 : i32 to vector<16xi32>
        %parallel_loop3A_372 = arith.constant 4 : i32
        %parallel_loop3A_373 = arith.muli %parallel_loop3A_372, %parallel_loop3A_309 : i32
        %parallel_loop3A_374 = vector.broadcast %parallel_loop3A_373 : i32 to vector<16xi32>
        %parallel_loop3A_375 = arith.addi %parallel_loop3A_371, %parallel_loop3A_374 : vector<16xi32>
        %parallel_loop3A_376 = arith.constant 0 : i32
        %parallel_loop3A_377 = arith.constant 0 : i32
        %parallel_loop3A_378 = tpu.memref_slice %arg4[%parallel_loop3A_169, %parallel_loop3A_376, %parallel_loop3A_377] : memref<4x32x129xf32, #tpu.memory_space<vmem>> -> memref<1x32x129xf32, #tpu.memory_space<vmem>>
        %parallel_loop3A_379 = tpu.memref_squeeze %parallel_loop3A_378 : memref<1x32x129xf32, #tpu.memory_space<vmem>> -> memref<32x129xf32, #tpu.memory_space<vmem>>
        %parallel_loop3A_380 = tpu.vector_load_idx %parallel_loop3A_379[%parallel_loop3A_369, %parallel_loop3A_375] : memref<32x129xf32, #tpu.memory_space<vmem>>[vector<16xi32>, vector<16xi32>], vector<16xf32>,
        %parallel_loop3A_381 = arith.constant 1 : i32
        %parallel_loop3A_382 = arith.index_cast %parallel_loop3A_381 : i32 to index
        %parallel_loop3A_383 = arith.index_cast %parallel_loop3A_309 : i32 to index
        %parallel_loop3A_384 = arith.constant 48 : index
        %parallel_loop3A_385 = tpu.vector_load %arg5[%parallel_loop3A_382, %parallel_loop3A_383, %parallel_loop3A_384] {strides = array<i32>} : memref<2x32x128xf32, #tpu.memory_space<vmem>>, vector<16xf32>,
        tpu.vector_store %arg5[%parallel_loop3A_382, %parallel_loop3A_383, %parallel_loop3A_384], %parallel_loop3A_380 {strides = array<i32>} : memref<2x32x128xf32, #tpu.memory_space<vmem>>, vector<16xf32>,
        %parallel_loop3A_386 = arith.constant 0 : i32
        %parallel_loop3A_387 = vector.broadcast %parallel_loop3A_386 : i32 to vector<16xi32>
        %parallel_loop3A_388 = arith.addi %iota3A, %parallel_loop3A_387 : vector<16xi32>
        %parallel_loop3A_389 = arith.constant 2 : i32
        %parallel_loop3A_390 = vector.broadcast %parallel_loop3A_389 : i32 to vector<16xi32>
        %parallel_loop3A_391 = arith.constant 4 : i32
        %parallel_loop3A_392 = arith.muli %parallel_loop3A_391, %parallel_loop3A_309 : i32
        %parallel_loop3A_393 = vector.broadcast %parallel_loop3A_392 : i32 to vector<16xi32>
        %parallel_loop3A_394 = arith.addi %parallel_loop3A_390, %parallel_loop3A_393 : vector<16xi32>
        %parallel_loop3A_395 = arith.constant 0 : i32
        %parallel_loop3A_396 = arith.constant 0 : i32
        %parallel_loop3A_397 = tpu.memref_slice %arg4[%parallel_loop3A_169, %parallel_loop3A_395, %parallel_loop3A_396] : memref<4x32x129xf32, #tpu.memory_space<vmem>> -> memref<1x32x129xf32, #tpu.memory_space<vmem>>
        %parallel_loop3A_398 = tpu.memref_squeeze %parallel_loop3A_397 : memref<1x32x129xf32, #tpu.memory_space<vmem>> -> memref<32x129xf32, #tpu.memory_space<vmem>>
        %parallel_loop3A_399 = tpu.vector_load_idx %parallel_loop3A_398[%parallel_loop3A_388, %parallel_loop3A_394] : memref<32x129xf32, #tpu.memory_space<vmem>>[vector<16xi32>, vector<16xi32>], vector<16xf32>,
        %parallel_loop3A_400 = arith.constant 1 : i32
        %parallel_loop3A_401 = arith.index_cast %parallel_loop3A_400 : i32 to index
        %parallel_loop3A_402 = arith.index_cast %parallel_loop3A_309 : i32 to index
        %parallel_loop3A_403 = arith.constant 64 : index
        %parallel_loop3A_404 = tpu.vector_load %arg5[%parallel_loop3A_401, %parallel_loop3A_402, %parallel_loop3A_403] {strides = array<i32>} : memref<2x32x128xf32, #tpu.memory_space<vmem>>, vector<16xf32>,
        tpu.vector_store %arg5[%parallel_loop3A_401, %parallel_loop3A_402, %parallel_loop3A_403], %parallel_loop3A_399 {strides = array<i32>} : memref<2x32x128xf32, #tpu.memory_space<vmem>>, vector<16xf32>,
        %parallel_loop3A_405 = arith.constant 16 : i32
        %parallel_loop3A_406 = vector.broadcast %parallel_loop3A_405 : i32 to vector<16xi32>
        %parallel_loop3A_407 = arith.addi %iota3A, %parallel_loop3A_406 : vector<16xi32>
        %parallel_loop3A_408 = arith.constant 2 : i32
        %parallel_loop3A_409 = vector.broadcast %parallel_loop3A_408 : i32 to vector<16xi32>
        %parallel_loop3A_410 = arith.constant 4 : i32
        %parallel_loop3A_411 = arith.muli %parallel_loop3A_410, %parallel_loop3A_309 : i32
        %parallel_loop3A_412 = vector.broadcast %parallel_loop3A_411 : i32 to vector<16xi32>
        %parallel_loop3A_413 = arith.addi %parallel_loop3A_409, %parallel_loop3A_412 : vector<16xi32>
        %parallel_loop3A_414 = arith.constant 0 : i32
        %parallel_loop3A_415 = arith.constant 0 : i32
        %parallel_loop3A_416 = tpu.memref_slice %arg4[%parallel_loop3A_169, %parallel_loop3A_414, %parallel_loop3A_415] : memref<4x32x129xf32, #tpu.memory_space<vmem>> -> memref<1x32x129xf32, #tpu.memory_space<vmem>>
        %parallel_loop3A_417 = tpu.memref_squeeze %parallel_loop3A_416 : memref<1x32x129xf32, #tpu.memory_space<vmem>> -> memref<32x129xf32, #tpu.memory_space<vmem>>
        %parallel_loop3A_418 = tpu.vector_load_idx %parallel_loop3A_417[%parallel_loop3A_407, %parallel_loop3A_413] : memref<32x129xf32, #tpu.memory_space<vmem>>[vector<16xi32>, vector<16xi32>], vector<16xf32>,
        %parallel_loop3A_419 = arith.constant 1 : i32
        %parallel_loop3A_420 = arith.index_cast %parallel_loop3A_419 : i32 to index
        %parallel_loop3A_421 = arith.index_cast %parallel_loop3A_309 : i32 to index
        %parallel_loop3A_422 = arith.constant 80 : index
        %parallel_loop3A_423 = tpu.vector_load %arg5[%parallel_loop3A_420, %parallel_loop3A_421, %parallel_loop3A_422] {strides = array<i32>} : memref<2x32x128xf32, #tpu.memory_space<vmem>>, vector<16xf32>,
        tpu.vector_store %arg5[%parallel_loop3A_420, %parallel_loop3A_421, %parallel_loop3A_422], %parallel_loop3A_418 {strides = array<i32>} : memref<2x32x128xf32, #tpu.memory_space<vmem>>, vector<16xf32>,
        %parallel_loop3A_424 = arith.constant 0 : i32
        %parallel_loop3A_425 = vector.broadcast %parallel_loop3A_424 : i32 to vector<16xi32>
        %parallel_loop3A_426 = arith.addi %iota3A, %parallel_loop3A_425 : vector<16xi32>
        %parallel_loop3A_427 = arith.constant 3 : i32
        %parallel_loop3A_428 = vector.broadcast %parallel_loop3A_427 : i32 to vector<16xi32>
        %parallel_loop3A_429 = arith.constant 4 : i32
        %parallel_loop3A_430 = arith.muli %parallel_loop3A_429, %parallel_loop3A_309 : i32
        %parallel_loop3A_431 = vector.broadcast %parallel_loop3A_430 : i32 to vector<16xi32>
        %parallel_loop3A_432 = arith.addi %parallel_loop3A_428, %parallel_loop3A_431 : vector<16xi32>
        %parallel_loop3A_433 = arith.constant 0 : i32
        %parallel_loop3A_434 = arith.constant 0 : i32
        %parallel_loop3A_435 = tpu.memref_slice %arg4[%parallel_loop3A_169, %parallel_loop3A_433, %parallel_loop3A_434] : memref<4x32x129xf32, #tpu.memory_space<vmem>> -> memref<1x32x129xf32, #tpu.memory_space<vmem>>
        %parallel_loop3A_436 = tpu.memref_squeeze %parallel_loop3A_435 : memref<1x32x129xf32, #tpu.memory_space<vmem>> -> memref<32x129xf32, #tpu.memory_space<vmem>>
        %parallel_loop3A_437 = tpu.vector_load_idx %parallel_loop3A_436[%parallel_loop3A_426, %parallel_loop3A_432] : memref<32x129xf32, #tpu.memory_space<vmem>>[vector<16xi32>, vector<16xi32>], vector<16xf32>,
        %parallel_loop3A_438 = arith.constant 1 : i32
        %parallel_loop3A_439 = arith.index_cast %parallel_loop3A_438 : i32 to index
        %parallel_loop3A_440 = arith.index_cast %parallel_loop3A_309 : i32 to index
        %parallel_loop3A_441 = arith.constant 96 : index
        %parallel_loop3A_442 = tpu.vector_load %arg5[%parallel_loop3A_439, %parallel_loop3A_440, %parallel_loop3A_441] {strides = array<i32>} : memref<2x32x128xf32, #tpu.memory_space<vmem>>, vector<16xf32>,
        tpu.vector_store %arg5[%parallel_loop3A_439, %parallel_loop3A_440, %parallel_loop3A_441], %parallel_loop3A_437 {strides = array<i32>} : memref<2x32x128xf32, #tpu.memory_space<vmem>>, vector<16xf32>,
        %parallel_loop3A_443 = arith.constant 16 : i32
        %parallel_loop3A_444 = vector.broadcast %parallel_loop3A_443 : i32 to vector<16xi32>
        %parallel_loop3A_445 = arith.addi %iota3A, %parallel_loop3A_444 : vector<16xi32>
        %parallel_loop3A_446 = arith.constant 3 : i32
        %parallel_loop3A_447 = vector.broadcast %parallel_loop3A_446 : i32 to vector<16xi32>
        %parallel_loop3A_448 = arith.constant 4 : i32
        %parallel_loop3A_449 = arith.muli %parallel_loop3A_448, %parallel_loop3A_309 : i32
        %parallel_loop3A_450 = vector.broadcast %parallel_loop3A_449 : i32 to vector<16xi32>
        %parallel_loop3A_451 = arith.addi %parallel_loop3A_447, %parallel_loop3A_450 : vector<16xi32>
        %parallel_loop3A_452 = arith.constant 0 : i32
        %parallel_loop3A_453 = arith.constant 0 : i32
        %parallel_loop3A_454 = tpu.memref_slice %arg4[%parallel_loop3A_169, %parallel_loop3A_452, %parallel_loop3A_453] : memref<4x32x129xf32, #tpu.memory_space<vmem>> -> memref<1x32x129xf32, #tpu.memory_space<vmem>>
        %parallel_loop3A_455 = tpu.memref_squeeze %parallel_loop3A_454 : memref<1x32x129xf32, #tpu.memory_space<vmem>> -> memref<32x129xf32, #tpu.memory_space<vmem>>
        %parallel_loop3A_456 = tpu.vector_load_idx %parallel_loop3A_455[%parallel_loop3A_445, %parallel_loop3A_451] : memref<32x129xf32, #tpu.memory_space<vmem>>[vector<16xi32>, vector<16xi32>], vector<16xf32>,
        %parallel_loop3A_457 = arith.constant 1 : i32
        %parallel_loop3A_458 = arith.index_cast %parallel_loop3A_457 : i32 to index
        %parallel_loop3A_459 = arith.index_cast %parallel_loop3A_309 : i32 to index
        %parallel_loop3A_460 = arith.constant 112 : index
        %parallel_loop3A_461 = tpu.vector_load %arg5[%parallel_loop3A_458, %parallel_loop3A_459, %parallel_loop3A_460] {strides = array<i32>} : memref<2x32x128xf32, #tpu.memory_space<vmem>>, vector<16xf32>,
        tpu.vector_store %arg5[%parallel_loop3A_458, %parallel_loop3A_459, %parallel_loop3A_460], %parallel_loop3A_456 {strides = array<i32>} : memref<2x32x128xf32, #tpu.memory_space<vmem>>, vector<16xf32>,
      } {sc.loop_unroll_factor = 4 : i64, sc.parallel_access}
      %add3A_170 = arith.constant 1 : i32
      %add3A_171 = arith.addi %add3A_90, %add3A_170 : i32
      %mul3A_172 = arith.constant 32 : i32
      %mul3A_173 = arith.muli %add3A_171, %mul3A_172 : i32
      %add3A_174 = arith.addi %add3A, %mul3A_173 : i32
      %mul3A_175 = arith.constant 32 : i32
      %mul3A_176 = arith.muli %add3A_174, %mul3A_175 : i32
      %dma_start3A_177 = arith.constant 1 : i32
      %dma_start3A_178 = arith.constant 0 : i32
      %dma_start3A_179 = arith.constant 0 : i32
      %dma_start3A_180 = tpu.memref_slice %arg5[%dma_start3A_177, %dma_start3A_178, %dma_start3A_179] : memref<2x32x128xf32, #tpu.memory_space<vmem>> -> memref<1x32x128xf32, #tpu.memory_space<vmem>>
      %dma_start3A_181 = tpu.memref_squeeze %dma_start3A_180 : memref<1x32x128xf32, #tpu.memory_space<vmem>> -> memref<32x128xf32, #tpu.memory_space<vmem>>
      %dma_start3A_182 = arith.constant 0 : i32
      %dma_start3A_183 = tpu.memref_slice %arg3[%mul3A_176, %dma_start3A_182] : memref<250016x128xf32, #tpu.memory_space<hbm>> -> memref<32x128xf32, #tpu.memory_space<hbm>>
      %dma_start3A_184 = arith.constant 0 : i32
      %dma_start3A_185 = tpu.memref_slice %arg3[%mul3A_176, %dma_start3A_184] : memref<250016x128xf32, #tpu.memory_space<hbm>> -> memref<32x128xf32, #tpu.memory_space<hbm>>
      %dma_start3A_186 = arith.constant 0 : i32
      %dma_start3A_187 = arith.constant 0 : i32
      %dma_start3A_188 = tpu.memref_slice %arg5[%dma_start3A_177, %dma_start3A_186, %dma_start3A_187] : memref<2x32x128xf32, #tpu.memory_space<vmem>> -> memref<1x32x128xf32, #tpu.memory_space<vmem>>
      %dma_start3A_189 = tpu.memref_squeeze %dma_start3A_188 : memref<1x32x128xf32, #tpu.memory_space<vmem>> -> memref<32x128xf32, #tpu.memory_space<vmem>>
      tpu.enqueue_dma source(%dma_start3A_189 : memref<32x128xf32, #tpu.memory_space<vmem>>) target(%dma_start3A_185 : memref<32x128xf32, #tpu.memory_space<hbm>>) target_semaphore(%arg11 : memref<!tpu.dma_semaphore, #tpu.memory_space<semaphore_mem>>)
      %add3A_190 = arith.constant 1 : i32
      %add3A_191 = arith.addi %add3A_90, %add3A_190 : i32
      %add3A_192 = arith.constant 3 : i32
      %add3A_193 = arith.addi %add3A_191, %add3A_192 : i32
      %lt3A_194 = arith.constant 244 : i32
      %lt3A_195 = arith.cmpi slt, %add3A_193, %lt3A_194 : i32
      %convert_element_type3A_196 = arith.extui %lt3A_195 : i1 to i32
      %cond3A_197 = arith.constant 0 : i32
      %cond3A_198 = arith.cmpi ne, %convert_element_type3A_196, %cond3A_197 : i32
      scf.if %cond3A_198 {
        %add3A_309 = arith.constant 1 : i32
        %add3A_310 = arith.addi %add3A_90, %add3A_309 : i32
        %add3A_311 = arith.constant 3 : i32
        %add3A_312 = arith.addi %add3A_310, %add3A_311 : i32
        %mul3A_313 = arith.constant 32 : i32
        %mul3A_314 = arith.muli %add3A_312, %mul3A_313 : i32
        %add3A_315 = arith.addi %add3A, %mul3A_314 : i32
        %mul3A_316 = arith.constant 128 : i32
        %mul3A_317 = arith.muli %add3A_315, %mul3A_316 : i32
        %dma_start3A_318 = arith.constant 0 : i32
        %dma_start3A_319 = arith.constant 0 : i32
        %dma_start3A_320 = arith.constant 0 : i32
        %dma_start3A_321 = tpu.memref_slice %arg4[%dma_start3A_318, %dma_start3A_319, %dma_start3A_320] : memref<4x32x129xf32, #tpu.memory_space<vmem>> -> memref<1x32x128xf32, #tpu.memory_space<vmem>>
        %dma_start3A_322 = tpu.memref_squeeze %dma_start3A_321 : memref<1x32x128xf32, #tpu.memory_space<vmem>> -> memref<32x128xf32, #tpu.memory_space<vmem>>
        %dma_start3A_323 = arith.constant 0 : i32
        %dma_start3A_324 = tpu.memref_slice %arg2[%dma_start3A_323, %mul3A_317] : memref<32x1000000xf32, #tpu.memory_space<hbm>> -> memref<32x128xf32, #tpu.memory_space<hbm>>
        %dma_start3A_325 = arith.constant 0 : i32
        %dma_start3A_326 = arith.constant 0 : i32
        %dma_start3A_327 = tpu.memref_slice %arg4[%dma_start3A_318, %dma_start3A_325, %dma_start3A_326] : memref<4x32x129xf32, #tpu.memory_space<vmem>> -> memref<1x32x128xf32, #tpu.memory_space<vmem>>
        %dma_start3A_328 = tpu.memref_squeeze %dma_start3A_327 : memref<1x32x128xf32, #tpu.memory_space<vmem>> -> memref<32x128xf32, #tpu.memory_space<vmem>>
        %dma_start3A_329 = arith.constant 0 : i32
        %dma_start3A_330 = tpu.memref_slice %arg2[%dma_start3A_329, %mul3A_317] : memref<32x1000000xf32, #tpu.memory_space<hbm>> -> memref<32x128xf32, #tpu.memory_space<hbm>>
        tpu.enqueue_dma source(%dma_start3A_330 : memref<32x128xf32, #tpu.memory_space<hbm>>) target(%dma_start3A_328 : memref<32x128xf32, #tpu.memory_space<vmem>>) target_semaphore(%arg6 : memref<!tpu.dma_semaphore, #tpu.memory_space<semaphore_mem>>)
      } else {
      }
      %dma_wait3A_199 = arith.constant 2 : i32
      %dma_wait3A_200 = arith.constant 0 : i32
      %dma_wait3A_201 = arith.constant 0 : i32
      %dma_wait3A_202 = tpu.memref_slice %arg4[%dma_wait3A_199, %dma_wait3A_200, %dma_wait3A_201] : memref<4x32x129xf32, #tpu.memory_space<vmem>> -> memref<1x32x128xf32, #tpu.memory_space<vmem>>
      %dma_wait3A_203 = tpu.memref_squeeze %dma_wait3A_202 : memref<1x32x128xf32, #tpu.memory_space<vmem>> -> memref<32x128xf32, #tpu.memory_space<vmem>>
      %dma_wait3A_204 = arith.constant 0 : i32
      %dma_wait3A_205 = arith.constant 0 : i32
      %dma_wait3A_206 = tpu.memref_slice %arg2[%dma_wait3A_204, %dma_wait3A_205] : memref<32x1000000xf32, #tpu.memory_space<hbm>> -> memref<32x128xf32, #tpu.memory_space<hbm>>
      %dma_wait3A_207 = arith.constant 0 : i32
      %dma_wait3A_208 = arith.constant 0 : i32
      %dma_wait3A_209 = tpu.memref_slice %arg4[%dma_wait3A_199, %dma_wait3A_207, %dma_wait3A_208] : memref<4x32x129xf32, #tpu.memory_space<vmem>> -> memref<1x32x128xf32, #tpu.memory_space<vmem>>
      %dma_wait3A_210 = tpu.memref_squeeze %dma_wait3A_209 : memref<1x32x128xf32, #tpu.memory_space<vmem>> -> memref<32x128xf32, #tpu.memory_space<vmem>>
      %dma_wait3A_211 = arith.constant 0 : i32
      %dma_wait3A_212 = arith.constant 0 : i32
      %dma_wait3A_213 = tpu.memref_slice %arg2[%dma_wait3A_211, %dma_wait3A_212] : memref<32x1000000xf32, #tpu.memory_space<hbm>> -> memref<32x128xf32, #tpu.memory_space<hbm>>
      tpu.wait_dma2 semaphore(%arg8 : memref<!tpu.dma_semaphore, #tpu.memory_space<semaphore_mem>>) src(%dma_wait3A_213 : memref<32x128xf32, #tpu.memory_space<hbm>>) dst(%dma_wait3A_210 : memref<32x128xf32, #tpu.memory_space<vmem>>)
      %add3A_214 = arith.constant 2 : i32
      %add3A_215 = arith.addi %add3A_90, %add3A_214 : i32
      %ge3A_216 = arith.constant 2 : i32
      %ge3A_217 = arith.cmpi sge, %add3A_215, %ge3A_216 : i32
      %convert_element_type3A_218 = arith.extui %ge3A_217 : i1 to i32
      %cond3A_219 = arith.constant 0 : i32
      %cond3A_220 = arith.cmpi ne, %convert_element_type3A_218, %cond3A_219 : i32
      scf.if %cond3A_220 {
        %dma_wait3A_309 = arith.constant 0 : i32
        %dma_wait3A_310 = arith.constant 0 : i32
        %dma_wait3A_311 = arith.constant 0 : i32
        %dma_wait3A_312 = tpu.memref_slice %arg5[%dma_wait3A_309, %dma_wait3A_310, %dma_wait3A_311] : memref<2x32x128xf32, #tpu.memory_space<vmem>> -> memref<1x32x128xf32, #tpu.memory_space<vmem>>
        %dma_wait3A_313 = tpu.memref_squeeze %dma_wait3A_312 : memref<1x32x128xf32, #tpu.memory_space<vmem>> -> memref<32x128xf32, #tpu.memory_space<vmem>>
        %dma_wait3A_314 = arith.constant 0 : i32
        %dma_wait3A_315 = arith.constant 0 : i32
        %dma_wait3A_316 = tpu.memref_slice %arg3[%dma_wait3A_314, %dma_wait3A_315] : memref<250016x128xf32, #tpu.memory_space<hbm>> -> memref<32x128xf32, #tpu.memory_space<hbm>>
        %dma_wait3A_317 = arith.constant 0 : i32
        %dma_wait3A_318 = arith.constant 0 : i32
        %dma_wait3A_319 = tpu.memref_slice %arg3[%dma_wait3A_317, %dma_wait3A_318] : memref<250016x128xf32, #tpu.memory_space<hbm>> -> memref<32x128xf32, #tpu.memory_space<hbm>>
        %dma_wait3A_320 = arith.constant 0 : i32
        %dma_wait3A_321 = arith.constant 0 : i32
        %dma_wait3A_322 = tpu.memref_slice %arg5[%dma_wait3A_309, %dma_wait3A_320, %dma_wait3A_321] : memref<2x32x128xf32, #tpu.memory_space<vmem>> -> memref<1x32x128xf32, #tpu.memory_space<vmem>>
        %dma_wait3A_323 = tpu.memref_squeeze %dma_wait3A_322 : memref<1x32x128xf32, #tpu.memory_space<vmem>> -> memref<32x128xf32, #tpu.memory_space<vmem>>
        tpu.wait_dma2 semaphore(%arg10 : memref<!tpu.dma_semaphore, #tpu.memory_space<semaphore_mem>>) src(%dma_wait3A_323 : memref<32x128xf32, #tpu.memory_space<vmem>>) dst(%dma_wait3A_319 : memref<32x128xf32, #tpu.memory_space<hbm>>)
      } else {
      }
      %parallel_loop3A_221 = arith.constant 0 : i32
      %parallel_loop3A_222 = arith.constant 32 : i32
      %parallel_loop3A_223 = arith.constant 1 : i32
      %parallel_loop3A_224 = arith.constant 2 : i32
      scf.for %parallel_loop3A_309 = %parallel_loop3A_221 to %parallel_loop3A_222 step %parallel_loop3A_223  : i32 {
        %parallel_loop3A_310 = arith.constant 0 : i32
        %parallel_loop3A_311 = vector.broadcast %parallel_loop3A_310 : i32 to vector<16xi32>
        %parallel_loop3A_312 = arith.addi %iota3A, %parallel_loop3A_311 : vector<16xi32>
        %parallel_loop3A_313 = arith.constant 0 : i32
        %parallel_loop3A_314 = vector.broadcast %parallel_loop3A_313 : i32 to vector<16xi32>
        %parallel_loop3A_315 = arith.constant 4 : i32
        %parallel_loop3A_316 = arith.muli %parallel_loop3A_315, %parallel_loop3A_309 : i32
        %parallel_loop3A_317 = vector.broadcast %parallel_loop3A_316 : i32 to vector<16xi32>
        %parallel_loop3A_318 = arith.addi %parallel_loop3A_314, %parallel_loop3A_317 : vector<16xi32>
        %parallel_loop3A_319 = arith.constant 0 : i32
        %parallel_loop3A_320 = arith.constant 0 : i32
        %parallel_loop3A_321 = tpu.memref_slice %arg4[%parallel_loop3A_224, %parallel_loop3A_319, %parallel_loop3A_320] : memref<4x32x129xf32, #tpu.memory_space<vmem>> -> memref<1x32x129xf32, #tpu.memory_space<vmem>>
        %parallel_loop3A_322 = tpu.memref_squeeze %parallel_loop3A_321 : memref<1x32x129xf32, #tpu.memory_space<vmem>> -> memref<32x129xf32, #tpu.memory_space<vmem>>
        %parallel_loop3A_323 = tpu.vector_load_idx %parallel_loop3A_322[%parallel_loop3A_312, %parallel_loop3A_318] : memref<32x129xf32, #tpu.memory_space<vmem>>[vector<16xi32>, vector<16xi32>], vector<16xf32>,
        %parallel_loop3A_324 = arith.constant 0 : i32
        %parallel_loop3A_325 = arith.index_cast %parallel_loop3A_324 : i32 to index
        %parallel_loop3A_326 = arith.index_cast %parallel_loop3A_309 : i32 to index
        %parallel_loop3A_327 = arith.constant 0 : index
        %parallel_loop3A_328 = tpu.vector_load %arg5[%parallel_loop3A_325, %parallel_loop3A_326, %parallel_loop3A_327] {strides = array<i32>} : memref<2x32x128xf32, #tpu.memory_space<vmem>>, vector<16xf32>,
        tpu.vector_store %arg5[%parallel_loop3A_325, %parallel_loop3A_326, %parallel_loop3A_327], %parallel_loop3A_323 {strides = array<i32>} : memref<2x32x128xf32, #tpu.memory_space<vmem>>, vector<16xf32>,
        %parallel_loop3A_329 = arith.constant 16 : i32
        %parallel_loop3A_330 = vector.broadcast %parallel_loop3A_329 : i32 to vector<16xi32>
        %parallel_loop3A_331 = arith.addi %iota3A, %parallel_loop3A_330 : vector<16xi32>
        %parallel_loop3A_332 = arith.constant 0 : i32
        %parallel_loop3A_333 = vector.broadcast %parallel_loop3A_332 : i32 to vector<16xi32>
        %parallel_loop3A_334 = arith.constant 4 : i32
        %parallel_loop3A_335 = arith.muli %parallel_loop3A_334, %parallel_loop3A_309 : i32
        %parallel_loop3A_336 = vector.broadcast %parallel_loop3A_335 : i32 to vector<16xi32>
        %parallel_loop3A_337 = arith.addi %parallel_loop3A_333, %parallel_loop3A_336 : vector<16xi32>
        %parallel_loop3A_338 = arith.constant 0 : i32
        %parallel_loop3A_339 = arith.constant 0 : i32
        %parallel_loop3A_340 = tpu.memref_slice %arg4[%parallel_loop3A_224, %parallel_loop3A_338, %parallel_loop3A_339] : memref<4x32x129xf32, #tpu.memory_space<vmem>> -> memref<1x32x129xf32, #tpu.memory_space<vmem>>
        %parallel_loop3A_341 = tpu.memref_squeeze %parallel_loop3A_340 : memref<1x32x129xf32, #tpu.memory_space<vmem>> -> memref<32x129xf32, #tpu.memory_space<vmem>>
        %parallel_loop3A_342 = tpu.vector_load_idx %parallel_loop3A_341[%parallel_loop3A_331, %parallel_loop3A_337] : memref<32x129xf32, #tpu.memory_space<vmem>>[vector<16xi32>, vector<16xi32>], vector<16xf32>,
        %parallel_loop3A_343 = arith.constant 0 : i32
        %parallel_loop3A_344 = arith.index_cast %parallel_loop3A_343 : i32 to index
        %parallel_loop3A_345 = arith.index_cast %parallel_loop3A_309 : i32 to index
        %parallel_loop3A_346 = arith.constant 16 : index
        %parallel_loop3A_347 = tpu.vector_load %arg5[%parallel_loop3A_344, %parallel_loop3A_345, %parallel_loop3A_346] {strides = array<i32>} : memref<2x32x128xf32, #tpu.memory_space<vmem>>, vector<16xf32>,
        tpu.vector_store %arg5[%parallel_loop3A_344, %parallel_loop3A_345, %parallel_loop3A_346], %parallel_loop3A_342 {strides = array<i32>} : memref<2x32x128xf32, #tpu.memory_space<vmem>>, vector<16xf32>,
        %parallel_loop3A_348 = arith.constant 0 : i32
        %parallel_loop3A_349 = vector.broadcast %parallel_loop3A_348 : i32 to vector<16xi32>
        %parallel_loop3A_350 = arith.addi %iota3A, %parallel_loop3A_349 : vector<16xi32>
        %parallel_loop3A_351 = arith.constant 1 : i32
        %parallel_loop3A_352 = vector.broadcast %parallel_loop3A_351 : i32 to vector<16xi32>
        %parallel_loop3A_353 = arith.constant 4 : i32
        %parallel_loop3A_354 = arith.muli %parallel_loop3A_353, %parallel_loop3A_309 : i32
        %parallel_loop3A_355 = vector.broadcast %parallel_loop3A_354 : i32 to vector<16xi32>
        %parallel_loop3A_356 = arith.addi %parallel_loop3A_352, %parallel_loop3A_355 : vector<16xi32>
        %parallel_loop3A_357 = arith.constant 0 : i32
        %parallel_loop3A_358 = arith.constant 0 : i32
        %parallel_loop3A_359 = tpu.memref_slice %arg4[%parallel_loop3A_224, %parallel_loop3A_357, %parallel_loop3A_358] : memref<4x32x129xf32, #tpu.memory_space<vmem>> -> memref<1x32x129xf32, #tpu.memory_space<vmem>>
        %parallel_loop3A_360 = tpu.memref_squeeze %parallel_loop3A_359 : memref<1x32x129xf32, #tpu.memory_space<vmem>> -> memref<32x129xf32, #tpu.memory_space<vmem>>
        %parallel_loop3A_361 = tpu.vector_load_idx %parallel_loop3A_360[%parallel_loop3A_350, %parallel_loop3A_356] : memref<32x129xf32, #tpu.memory_space<vmem>>[vector<16xi32>, vector<16xi32>], vector<16xf32>,
        %parallel_loop3A_362 = arith.constant 0 : i32
        %parallel_loop3A_363 = arith.index_cast %parallel_loop3A_362 : i32 to index
        %parallel_loop3A_364 = arith.index_cast %parallel_loop3A_309 : i32 to index
        %parallel_loop3A_365 = arith.constant 32 : index
        %parallel_loop3A_366 = tpu.vector_load %arg5[%parallel_loop3A_363, %parallel_loop3A_364, %parallel_loop3A_365] {strides = array<i32>} : memref<2x32x128xf32, #tpu.memory_space<vmem>>, vector<16xf32>,
        tpu.vector_store %arg5[%parallel_loop3A_363, %parallel_loop3A_364, %parallel_loop3A_365], %parallel_loop3A_361 {strides = array<i32>} : memref<2x32x128xf32, #tpu.memory_space<vmem>>, vector<16xf32>,
        %parallel_loop3A_367 = arith.constant 16 : i32
        %parallel_loop3A_368 = vector.broadcast %parallel_loop3A_367 : i32 to vector<16xi32>
        %parallel_loop3A_369 = arith.addi %iota3A, %parallel_loop3A_368 : vector<16xi32>
        %parallel_loop3A_370 = arith.constant 1 : i32
        %parallel_loop3A_371 = vector.broadcast %parallel_loop3A_370 : i32 to vector<16xi32>
        %parallel_loop3A_372 = arith.constant 4 : i32
        %parallel_loop3A_373 = arith.muli %parallel_loop3A_372, %parallel_loop3A_309 : i32
        %parallel_loop3A_374 = vector.broadcast %parallel_loop3A_373 : i32 to vector<16xi32>
        %parallel_loop3A_375 = arith.addi %parallel_loop3A_371, %parallel_loop3A_374 : vector<16xi32>
        %parallel_loop3A_376 = arith.constant 0 : i32
        %parallel_loop3A_377 = arith.constant 0 : i32
        %parallel_loop3A_378 = tpu.memref_slice %arg4[%parallel_loop3A_224, %parallel_loop3A_376, %parallel_loop3A_377] : memref<4x32x129xf32, #tpu.memory_space<vmem>> -> memref<1x32x129xf32, #tpu.memory_space<vmem>>
        %parallel_loop3A_379 = tpu.memref_squeeze %parallel_loop3A_378 : memref<1x32x129xf32, #tpu.memory_space<vmem>> -> memref<32x129xf32, #tpu.memory_space<vmem>>
        %parallel_loop3A_380 = tpu.vector_load_idx %parallel_loop3A_379[%parallel_loop3A_369, %parallel_loop3A_375] : memref<32x129xf32, #tpu.memory_space<vmem>>[vector<16xi32>, vector<16xi32>], vector<16xf32>,
        %parallel_loop3A_381 = arith.constant 0 : i32
        %parallel_loop3A_382 = arith.index_cast %parallel_loop3A_381 : i32 to index
        %parallel_loop3A_383 = arith.index_cast %parallel_loop3A_309 : i32 to index
        %parallel_loop3A_384 = arith.constant 48 : index
        %parallel_loop3A_385 = tpu.vector_load %arg5[%parallel_loop3A_382, %parallel_loop3A_383, %parallel_loop3A_384] {strides = array<i32>} : memref<2x32x128xf32, #tpu.memory_space<vmem>>, vector<16xf32>,
        tpu.vector_store %arg5[%parallel_loop3A_382, %parallel_loop3A_383, %parallel_loop3A_384], %parallel_loop3A_380 {strides = array<i32>} : memref<2x32x128xf32, #tpu.memory_space<vmem>>, vector<16xf32>,
        %parallel_loop3A_386 = arith.constant 0 : i32
        %parallel_loop3A_387 = vector.broadcast %parallel_loop3A_386 : i32 to vector<16xi32>
        %parallel_loop3A_388 = arith.addi %iota3A, %parallel_loop3A_387 : vector<16xi32>
        %parallel_loop3A_389 = arith.constant 2 : i32
        %parallel_loop3A_390 = vector.broadcast %parallel_loop3A_389 : i32 to vector<16xi32>
        %parallel_loop3A_391 = arith.constant 4 : i32
        %parallel_loop3A_392 = arith.muli %parallel_loop3A_391, %parallel_loop3A_309 : i32
        %parallel_loop3A_393 = vector.broadcast %parallel_loop3A_392 : i32 to vector<16xi32>
        %parallel_loop3A_394 = arith.addi %parallel_loop3A_390, %parallel_loop3A_393 : vector<16xi32>
        %parallel_loop3A_395 = arith.constant 0 : i32
        %parallel_loop3A_396 = arith.constant 0 : i32
        %parallel_loop3A_397 = tpu.memref_slice %arg4[%parallel_loop3A_224, %parallel_loop3A_395, %parallel_loop3A_396] : memref<4x32x129xf32, #tpu.memory_space<vmem>> -> memref<1x32x129xf32, #tpu.memory_space<vmem>>
        %parallel_loop3A_398 = tpu.memref_squeeze %parallel_loop3A_397 : memref<1x32x129xf32, #tpu.memory_space<vmem>> -> memref<32x129xf32, #tpu.memory_space<vmem>>
        %parallel_loop3A_399 = tpu.vector_load_idx %parallel_loop3A_398[%parallel_loop3A_388, %parallel_loop3A_394] : memref<32x129xf32, #tpu.memory_space<vmem>>[vector<16xi32>, vector<16xi32>], vector<16xf32>,
        %parallel_loop3A_400 = arith.constant 0 : i32
        %parallel_loop3A_401 = arith.index_cast %parallel_loop3A_400 : i32 to index
        %parallel_loop3A_402 = arith.index_cast %parallel_loop3A_309 : i32 to index
        %parallel_loop3A_403 = arith.constant 64 : index
        %parallel_loop3A_404 = tpu.vector_load %arg5[%parallel_loop3A_401, %parallel_loop3A_402, %parallel_loop3A_403] {strides = array<i32>} : memref<2x32x128xf32, #tpu.memory_space<vmem>>, vector<16xf32>,
        tpu.vector_store %arg5[%parallel_loop3A_401, %parallel_loop3A_402, %parallel_loop3A_403], %parallel_loop3A_399 {strides = array<i32>} : memref<2x32x128xf32, #tpu.memory_space<vmem>>, vector<16xf32>,
        %parallel_loop3A_405 = arith.constant 16 : i32
        %parallel_loop3A_406 = vector.broadcast %parallel_loop3A_405 : i32 to vector<16xi32>
        %parallel_loop3A_407 = arith.addi %iota3A, %parallel_loop3A_406 : vector<16xi32>
        %parallel_loop3A_408 = arith.constant 2 : i32
        %parallel_loop3A_409 = vector.broadcast %parallel_loop3A_408 : i32 to vector<16xi32>
        %parallel_loop3A_410 = arith.constant 4 : i32
        %parallel_loop3A_411 = arith.muli %parallel_loop3A_410, %parallel_loop3A_309 : i32
        %parallel_loop3A_412 = vector.broadcast %parallel_loop3A_411 : i32 to vector<16xi32>
        %parallel_loop3A_413 = arith.addi %parallel_loop3A_409, %parallel_loop3A_412 : vector<16xi32>
        %parallel_loop3A_414 = arith.constant 0 : i32
        %parallel_loop3A_415 = arith.constant 0 : i32
        %parallel_loop3A_416 = tpu.memref_slice %arg4[%parallel_loop3A_224, %parallel_loop3A_414, %parallel_loop3A_415] : memref<4x32x129xf32, #tpu.memory_space<vmem>> -> memref<1x32x129xf32, #tpu.memory_space<vmem>>
        %parallel_loop3A_417 = tpu.memref_squeeze %parallel_loop3A_416 : memref<1x32x129xf32, #tpu.memory_space<vmem>> -> memref<32x129xf32, #tpu.memory_space<vmem>>
        %parallel_loop3A_418 = tpu.vector_load_idx %parallel_loop3A_417[%parallel_loop3A_407, %parallel_loop3A_413] : memref<32x129xf32, #tpu.memory_space<vmem>>[vector<16xi32>, vector<16xi32>], vector<16xf32>,
        %parallel_loop3A_419 = arith.constant 0 : i32
        %parallel_loop3A_420 = arith.index_cast %parallel_loop3A_419 : i32 to index
        %parallel_loop3A_421 = arith.index_cast %parallel_loop3A_309 : i32 to index
        %parallel_loop3A_422 = arith.constant 80 : index
        %parallel_loop3A_423 = tpu.vector_load %arg5[%parallel_loop3A_420, %parallel_loop3A_421, %parallel_loop3A_422] {strides = array<i32>} : memref<2x32x128xf32, #tpu.memory_space<vmem>>, vector<16xf32>,
        tpu.vector_store %arg5[%parallel_loop3A_420, %parallel_loop3A_421, %parallel_loop3A_422], %parallel_loop3A_418 {strides = array<i32>} : memref<2x32x128xf32, #tpu.memory_space<vmem>>, vector<16xf32>,
        %parallel_loop3A_424 = arith.constant 0 : i32
        %parallel_loop3A_425 = vector.broadcast %parallel_loop3A_424 : i32 to vector<16xi32>
        %parallel_loop3A_426 = arith.addi %iota3A, %parallel_loop3A_425 : vector<16xi32>
        %parallel_loop3A_427 = arith.constant 3 : i32
        %parallel_loop3A_428 = vector.broadcast %parallel_loop3A_427 : i32 to vector<16xi32>
        %parallel_loop3A_429 = arith.constant 4 : i32
        %parallel_loop3A_430 = arith.muli %parallel_loop3A_429, %parallel_loop3A_309 : i32
        %parallel_loop3A_431 = vector.broadcast %parallel_loop3A_430 : i32 to vector<16xi32>
        %parallel_loop3A_432 = arith.addi %parallel_loop3A_428, %parallel_loop3A_431 : vector<16xi32>
        %parallel_loop3A_433 = arith.constant 0 : i32
        %parallel_loop3A_434 = arith.constant 0 : i32
        %parallel_loop3A_435 = tpu.memref_slice %arg4[%parallel_loop3A_224, %parallel_loop3A_433, %parallel_loop3A_434] : memref<4x32x129xf32, #tpu.memory_space<vmem>> -> memref<1x32x129xf32, #tpu.memory_space<vmem>>
        %parallel_loop3A_436 = tpu.memref_squeeze %parallel_loop3A_435 : memref<1x32x129xf32, #tpu.memory_space<vmem>> -> memref<32x129xf32, #tpu.memory_space<vmem>>
        %parallel_loop3A_437 = tpu.vector_load_idx %parallel_loop3A_436[%parallel_loop3A_426, %parallel_loop3A_432] : memref<32x129xf32, #tpu.memory_space<vmem>>[vector<16xi32>, vector<16xi32>], vector<16xf32>,
        %parallel_loop3A_438 = arith.constant 0 : i32
        %parallel_loop3A_439 = arith.index_cast %parallel_loop3A_438 : i32 to index
        %parallel_loop3A_440 = arith.index_cast %parallel_loop3A_309 : i32 to index
        %parallel_loop3A_441 = arith.constant 96 : index
        %parallel_loop3A_442 = tpu.vector_load %arg5[%parallel_loop3A_439, %parallel_loop3A_440, %parallel_loop3A_441] {strides = array<i32>} : memref<2x32x128xf32, #tpu.memory_space<vmem>>, vector<16xf32>,
        tpu.vector_store %arg5[%parallel_loop3A_439, %parallel_loop3A_440, %parallel_loop3A_441], %parallel_loop3A_437 {strides = array<i32>} : memref<2x32x128xf32, #tpu.memory_space<vmem>>, vector<16xf32>,
        %parallel_loop3A_443 = arith.constant 16 : i32
        %parallel_loop3A_444 = vector.broadcast %parallel_loop3A_443 : i32 to vector<16xi32>
        %parallel_loop3A_445 = arith.addi %iota3A, %parallel_loop3A_444 : vector<16xi32>
        %parallel_loop3A_446 = arith.constant 3 : i32
        %parallel_loop3A_447 = vector.broadcast %parallel_loop3A_446 : i32 to vector<16xi32>
        %parallel_loop3A_448 = arith.constant 4 : i32
        %parallel_loop3A_449 = arith.muli %parallel_loop3A_448, %parallel_loop3A_309 : i32
        %parallel_loop3A_450 = vector.broadcast %parallel_loop3A_449 : i32 to vector<16xi32>
        %parallel_loop3A_451 = arith.addi %parallel_loop3A_447, %parallel_loop3A_450 : vector<16xi32>
        %parallel_loop3A_452 = arith.constant 0 : i32
        %parallel_loop3A_453 = arith.constant 0 : i32
        %parallel_loop3A_454 = tpu.memref_slice %arg4[%parallel_loop3A_224, %parallel_loop3A_452, %parallel_loop3A_453] : memref<4x32x129xf32, #tpu.memory_space<vmem>> -> memref<1x32x129xf32, #tpu.memory_space<vmem>>
        %parallel_loop3A_455 = tpu.memref_squeeze %parallel_loop3A_454 : memref<1x32x129xf32, #tpu.memory_space<vmem>> -> memref<32x129xf32, #tpu.memory_space<vmem>>
        %parallel_loop3A_456 = tpu.vector_load_idx %parallel_loop3A_455[%parallel_loop3A_445, %parallel_loop3A_451] : memref<32x129xf32, #tpu.memory_space<vmem>>[vector<16xi32>, vector<16xi32>], vector<16xf32>,
        %parallel_loop3A_457 = arith.constant 0 : i32
        %parallel_loop3A_458 = arith.index_cast %parallel_loop3A_457 : i32 to index
        %parallel_loop3A_459 = arith.index_cast %parallel_loop3A_309 : i32 to index
        %parallel_loop3A_460 = arith.constant 112 : index
        %parallel_loop3A_461 = tpu.vector_load %arg5[%parallel_loop3A_458, %parallel_loop3A_459, %parallel_loop3A_460] {strides = array<i32>} : memref<2x32x128xf32, #tpu.memory_space<vmem>>, vector<16xf32>,
        tpu.vector_store %arg5[%parallel_loop3A_458, %parallel_loop3A_459, %parallel_loop3A_460], %parallel_loop3A_456 {strides = array<i32>} : memref<2x32x128xf32, #tpu.memory_space<vmem>>, vector<16xf32>,
      } {sc.loop_unroll_factor = 4 : i64, sc.parallel_access}
      %add3A_225 = arith.constant 2 : i32
      %add3A_226 = arith.addi %add3A_90, %add3A_225 : i32
      %mul3A_227 = arith.constant 32 : i32
      %mul3A_228 = arith.muli %add3A_226, %mul3A_227 : i32
      %add3A_229 = arith.addi %add3A, %mul3A_228 : i32
      %mul3A_230 = arith.constant 32 : i32
      %mul3A_231 = arith.muli %add3A_229, %mul3A_230 : i32
      %dma_start3A_232 = arith.constant 0 : i32
      %dma_start3A_233 = arith.constant 0 : i32
      %dma_start3A_234 = arith.constant 0 : i32
      %dma_start3A_235 = tpu.memref_slice %arg5[%dma_start3A_232, %dma_start3A_233, %dma_start3A_234] : memref<2x32x128xf32, #tpu.memory_space<vmem>> -> memref<1x32x128xf32, #tpu.memory_space<vmem>>
      %dma_start3A_236 = tpu.memref_squeeze %dma_start3A_235 : memref<1x32x128xf32, #tpu.memory_space<vmem>> -> memref<32x128xf32, #tpu.memory_space<vmem>>
      %dma_start3A_237 = arith.constant 0 : i32
      %dma_start3A_238 = tpu.memref_slice %arg3[%mul3A_231, %dma_start3A_237] : memref<250016x128xf32, #tpu.memory_space<hbm>> -> memref<32x128xf32, #tpu.memory_space<hbm>>
      %dma_start3A_239 = arith.constant 0 : i32
      %dma_start3A_240 = tpu.memref_slice %arg3[%mul3A_231, %dma_start3A_239] : memref<250016x128xf32, #tpu.memory_space<hbm>> -> memref<32x128xf32, #tpu.memory_space<hbm>>
      %dma_start3A_241 = arith.constant 0 : i32
      %dma_start3A_242 = arith.constant 0 : i32
      %dma_start3A_243 = tpu.memref_slice %arg5[%dma_start3A_232, %dma_start3A_241, %dma_start3A_242] : memref<2x32x128xf32, #tpu.memory_space<vmem>> -> memref<1x32x128xf32, #tpu.memory_space<vmem>>
      %dma_start3A_244 = tpu.memref_squeeze %dma_start3A_243 : memref<1x32x128xf32, #tpu.memory_space<vmem>> -> memref<32x128xf32, #tpu.memory_space<vmem>>
      tpu.enqueue_dma source(%dma_start3A_244 : memref<32x128xf32, #tpu.memory_space<vmem>>) target(%dma_start3A_240 : memref<32x128xf32, #tpu.memory_space<hbm>>) target_semaphore(%arg10 : memref<!tpu.dma_semaphore, #tpu.memory_space<semaphore_mem>>)
      %add3A_245 = arith.constant 2 : i32
      %add3A_246 = arith.addi %add3A_90, %add3A_245 : i32
      %add3A_247 = arith.constant 3 : i32
      %add3A_248 = arith.addi %add3A_246, %add3A_247 : i32
      %lt3A_249 = arith.constant 244 : i32
      %lt3A_250 = arith.cmpi slt, %add3A_248, %lt3A_249 : i32
      %convert_element_type3A_251 = arith.extui %lt3A_250 : i1 to i32
      %cond3A_252 = arith.constant 0 : i32
      %cond3A_253 = arith.cmpi ne, %convert_element_type3A_251, %cond3A_252 : i32
      scf.if %cond3A_253 {
        %add3A_309 = arith.constant 2 : i32
        %add3A_310 = arith.addi %add3A_90, %add3A_309 : i32
        %add3A_311 = arith.constant 3 : i32
        %add3A_312 = arith.addi %add3A_310, %add3A_311 : i32
        %mul3A_313 = arith.constant 32 : i32
        %mul3A_314 = arith.muli %add3A_312, %mul3A_313 : i32
        %add3A_315 = arith.addi %add3A, %mul3A_314 : i32
        %mul3A_316 = arith.constant 128 : i32
        %mul3A_317 = arith.muli %add3A_315, %mul3A_316 : i32
        %dma_start3A_318 = arith.constant 1 : i32
        %dma_start3A_319 = arith.constant 0 : i32
        %dma_start3A_320 = arith.constant 0 : i32
        %dma_start3A_321 = tpu.memref_slice %arg4[%dma_start3A_318, %dma_start3A_319, %dma_start3A_320] : memref<4x32x129xf32, #tpu.memory_space<vmem>> -> memref<1x32x128xf32, #tpu.memory_space<vmem>>
        %dma_start3A_322 = tpu.memref_squeeze %dma_start3A_321 : memref<1x32x128xf32, #tpu.memory_space<vmem>> -> memref<32x128xf32, #tpu.memory_space<vmem>>
        %dma_start3A_323 = arith.constant 0 : i32
        %dma_start3A_324 = tpu.memref_slice %arg2[%dma_start3A_323, %mul3A_317] : memref<32x1000000xf32, #tpu.memory_space<hbm>> -> memref<32x128xf32, #tpu.memory_space<hbm>>
        %dma_start3A_325 = arith.constant 0 : i32
        %dma_start3A_326 = arith.constant 0 : i32
        %dma_start3A_327 = tpu.memref_slice %arg4[%dma_start3A_318, %dma_start3A_325, %dma_start3A_326] : memref<4x32x129xf32, #tpu.memory_space<vmem>> -> memref<1x32x128xf32, #tpu.memory_space<vmem>>
        %dma_start3A_328 = tpu.memref_squeeze %dma_start3A_327 : memref<1x32x128xf32, #tpu.memory_space<vmem>> -> memref<32x128xf32, #tpu.memory_space<vmem>>
        %dma_start3A_329 = arith.constant 0 : i32
        %dma_start3A_330 = tpu.memref_slice %arg2[%dma_start3A_329, %mul3A_317] : memref<32x1000000xf32, #tpu.memory_space<hbm>> -> memref<32x128xf32, #tpu.memory_space<hbm>>
        tpu.enqueue_dma source(%dma_start3A_330 : memref<32x128xf32, #tpu.memory_space<hbm>>) target(%dma_start3A_328 : memref<32x128xf32, #tpu.memory_space<vmem>>) target_semaphore(%arg7 : memref<!tpu.dma_semaphore, #tpu.memory_space<semaphore_mem>>)
      } else {
      }
      %dma_wait3A_254 = arith.constant 3 : i32
      %dma_wait3A_255 = arith.constant 0 : i32
      %dma_wait3A_256 = arith.constant 0 : i32
      %dma_wait3A_257 = tpu.memref_slice %arg4[%dma_wait3A_254, %dma_wait3A_255, %dma_wait3A_256] : memref<4x32x129xf32, #tpu.memory_space<vmem>> -> memref<1x32x128xf32, #tpu.memory_space<vmem>>
      %dma_wait3A_258 = tpu.memref_squeeze %dma_wait3A_257 : memref<1x32x128xf32, #tpu.memory_space<vmem>> -> memref<32x128xf32, #tpu.memory_space<vmem>>
      %dma_wait3A_259 = arith.constant 0 : i32
      %dma_wait3A_260 = arith.constant 0 : i32
      %dma_wait3A_261 = tpu.memref_slice %arg2[%dma_wait3A_259, %dma_wait3A_260] : memref<32x1000000xf32, #tpu.memory_space<hbm>> -> memref<32x128xf32, #tpu.memory_space<hbm>>
      %dma_wait3A_262 = arith.constant 0 : i32
      %dma_wait3A_263 = arith.constant 0 : i32
      %dma_wait3A_264 = tpu.memref_slice %arg4[%dma_wait3A_254, %dma_wait3A_262, %dma_wait3A_263] : memref<4x32x129xf32, #tpu.memory_space<vmem>> -> memref<1x32x128xf32, #tpu.memory_space<vmem>>
      %dma_wait3A_265 = tpu.memref_squeeze %dma_wait3A_264 : memref<1x32x128xf32, #tpu.memory_space<vmem>> -> memref<32x128xf32, #tpu.memory_space<vmem>>
      %dma_wait3A_266 = arith.constant 0 : i32
      %dma_wait3A_267 = arith.constant 0 : i32
      %dma_wait3A_268 = tpu.memref_slice %arg2[%dma_wait3A_266, %dma_wait3A_267] : memref<32x1000000xf32, #tpu.memory_space<hbm>> -> memref<32x128xf32, #tpu.memory_space<hbm>>
      tpu.wait_dma2 semaphore(%arg9 : memref<!tpu.dma_semaphore, #tpu.memory_space<semaphore_mem>>) src(%dma_wait3A_268 : memref<32x128xf32, #tpu.memory_space<hbm>>) dst(%dma_wait3A_265 : memref<32x128xf32, #tpu.memory_space<vmem>>)
      %add3A_269 = arith.constant 3 : i32
      %add3A_270 = arith.addi %add3A_90, %add3A_269 : i32
      %ge3A_271 = arith.constant 2 : i32
      %ge3A_272 = arith.cmpi sge, %add3A_270, %ge3A_271 : i32
      %convert_element_type3A_273 = arith.extui %ge3A_272 : i1 to i32
      %cond3A_274 = arith.constant 0 : i32
      %cond3A_275 = arith.cmpi ne, %convert_element_type3A_273, %cond3A_274 : i32
      scf.if %cond3A_275 {
        %dma_wait3A_309 = arith.constant 1 : i32
        %dma_wait3A_310 = arith.constant 0 : i32
        %dma_wait3A_311 = arith.constant 0 : i32
        %dma_wait3A_312 = tpu.memref_slice %arg5[%dma_wait3A_309, %dma_wait3A_310, %dma_wait3A_311] : memref<2x32x128xf32, #tpu.memory_space<vmem>> -> memref<1x32x128xf32, #tpu.memory_space<vmem>>
        %dma_wait3A_313 = tpu.memref_squeeze %dma_wait3A_312 : memref<1x32x128xf32, #tpu.memory_space<vmem>> -> memref<32x128xf32, #tpu.memory_space<vmem>>
        %dma_wait3A_314 = arith.constant 0 : i32
        %dma_wait3A_315 = arith.constant 0 : i32
        %dma_wait3A_316 = tpu.memref_slice %arg3[%dma_wait3A_314, %dma_wait3A_315] : memref<250016x128xf32, #tpu.memory_space<hbm>> -> memref<32x128xf32, #tpu.memory_space<hbm>>
        %dma_wait3A_317 = arith.constant 0 : i32
        %dma_wait3A_318 = arith.constant 0 : i32
        %dma_wait3A_319 = tpu.memref_slice %arg3[%dma_wait3A_317, %dma_wait3A_318] : memref<250016x128xf32, #tpu.memory_space<hbm>> -> memref<32x128xf32, #tpu.memory_space<hbm>>
        %dma_wait3A_320 = arith.constant 0 : i32
        %dma_wait3A_321 = arith.constant 0 : i32
        %dma_wait3A_322 = tpu.memref_slice %arg5[%dma_wait3A_309, %dma_wait3A_320, %dma_wait3A_321] : memref<2x32x128xf32, #tpu.memory_space<vmem>> -> memref<1x32x128xf32, #tpu.memory_space<vmem>>
        %dma_wait3A_323 = tpu.memref_squeeze %dma_wait3A_322 : memref<1x32x128xf32, #tpu.memory_space<vmem>> -> memref<32x128xf32, #tpu.memory_space<vmem>>
        tpu.wait_dma2 semaphore(%arg11 : memref<!tpu.dma_semaphore, #tpu.memory_space<semaphore_mem>>) src(%dma_wait3A_323 : memref<32x128xf32, #tpu.memory_space<vmem>>) dst(%dma_wait3A_319 : memref<32x128xf32, #tpu.memory_space<hbm>>)
      } else {
      }
      %parallel_loop3A_276 = arith.constant 0 : i32
      %parallel_loop3A_277 = arith.constant 32 : i32
      %parallel_loop3A_278 = arith.constant 1 : i32
      %parallel_loop3A_279 = arith.constant 3 : i32
      scf.for %parallel_loop3A_309 = %parallel_loop3A_276 to %parallel_loop3A_277 step %parallel_loop3A_278  : i32 {
        %parallel_loop3A_310 = arith.constant 0 : i32
        %parallel_loop3A_311 = vector.broadcast %parallel_loop3A_310 : i32 to vector<16xi32>
        %parallel_loop3A_312 = arith.addi %iota3A, %parallel_loop3A_311 : vector<16xi32>
        %parallel_loop3A_313 = arith.constant 0 : i32
        %parallel_loop3A_314 = vector.broadcast %parallel_loop3A_313 : i32 to vector<16xi32>
        %parallel_loop3A_315 = arith.constant 4 : i32
        %parallel_loop3A_316 = arith.muli %parallel_loop3A_315, %parallel_loop3A_309 : i32
        %parallel_loop3A_317 = vector.broadcast %parallel_loop3A_316 : i32 to vector<16xi32>
        %parallel_loop3A_318 = arith.addi %parallel_loop3A_314, %parallel_loop3A_317 : vector<16xi32>
        %parallel_loop3A_319 = arith.constant 0 : i32
        %parallel_loop3A_320 = arith.constant 0 : i32
        %parallel_loop3A_321 = tpu.memref_slice %arg4[%parallel_loop3A_279, %parallel_loop3A_319, %parallel_loop3A_320] : memref<4x32x129xf32, #tpu.memory_space<vmem>> -> memref<1x32x129xf32, #tpu.memory_space<vmem>>
        %parallel_loop3A_322 = tpu.memref_squeeze %parallel_loop3A_321 : memref<1x32x129xf32, #tpu.memory_space<vmem>> -> memref<32x129xf32, #tpu.memory_space<vmem>>
        %parallel_loop3A_323 = tpu.vector_load_idx %parallel_loop3A_322[%parallel_loop3A_312, %parallel_loop3A_318] : memref<32x129xf32, #tpu.memory_space<vmem>>[vector<16xi32>, vector<16xi32>], vector<16xf32>,
        %parallel_loop3A_324 = arith.constant 1 : i32
        %parallel_loop3A_325 = arith.index_cast %parallel_loop3A_324 : i32 to index
        %parallel_loop3A_326 = arith.index_cast %parallel_loop3A_309 : i32 to index
        %parallel_loop3A_327 = arith.constant 0 : index
        %parallel_loop3A_328 = tpu.vector_load %arg5[%parallel_loop3A_325, %parallel_loop3A_326, %parallel_loop3A_327] {strides = array<i32>} : memref<2x32x128xf32, #tpu.memory_space<vmem>>, vector<16xf32>,
        tpu.vector_store %arg5[%parallel_loop3A_325, %parallel_loop3A_326, %parallel_loop3A_327], %parallel_loop3A_323 {strides = array<i32>} : memref<2x32x128xf32, #tpu.memory_space<vmem>>, vector<16xf32>,
        %parallel_loop3A_329 = arith.constant 16 : i32
        %parallel_loop3A_330 = vector.broadcast %parallel_loop3A_329 : i32 to vector<16xi32>
        %parallel_loop3A_331 = arith.addi %iota3A, %parallel_loop3A_330 : vector<16xi32>
        %parallel_loop3A_332 = arith.constant 0 : i32
        %parallel_loop3A_333 = vector.broadcast %parallel_loop3A_332 : i32 to vector<16xi32>
        %parallel_loop3A_334 = arith.constant 4 : i32
        %parallel_loop3A_335 = arith.muli %parallel_loop3A_334, %parallel_loop3A_309 : i32
        %parallel_loop3A_336 = vector.broadcast %parallel_loop3A_335 : i32 to vector<16xi32>
        %parallel_loop3A_337 = arith.addi %parallel_loop3A_333, %parallel_loop3A_336 : vector<16xi32>
        %parallel_loop3A_338 = arith.constant 0 : i32
        %parallel_loop3A_339 = arith.constant 0 : i32
        %parallel_loop3A_340 = tpu.memref_slice %arg4[%parallel_loop3A_279, %parallel_loop3A_338, %parallel_loop3A_339] : memref<4x32x129xf32, #tpu.memory_space<vmem>> -> memref<1x32x129xf32, #tpu.memory_space<vmem>>
        %parallel_loop3A_341 = tpu.memref_squeeze %parallel_loop3A_340 : memref<1x32x129xf32, #tpu.memory_space<vmem>> -> memref<32x129xf32, #tpu.memory_space<vmem>>
        %parallel_loop3A_342 = tpu.vector_load_idx %parallel_loop3A_341[%parallel_loop3A_331, %parallel_loop3A_337] : memref<32x129xf32, #tpu.memory_space<vmem>>[vector<16xi32>, vector<16xi32>], vector<16xf32>,
        %parallel_loop3A_343 = arith.constant 1 : i32
        %parallel_loop3A_344 = arith.index_cast %parallel_loop3A_343 : i32 to index
        %parallel_loop3A_345 = arith.index_cast %parallel_loop3A_309 : i32 to index
        %parallel_loop3A_346 = arith.constant 16 : index
        %parallel_loop3A_347 = tpu.vector_load %arg5[%parallel_loop3A_344, %parallel_loop3A_345, %parallel_loop3A_346] {strides = array<i32>} : memref<2x32x128xf32, #tpu.memory_space<vmem>>, vector<16xf32>,
        tpu.vector_store %arg5[%parallel_loop3A_344, %parallel_loop3A_345, %parallel_loop3A_346], %parallel_loop3A_342 {strides = array<i32>} : memref<2x32x128xf32, #tpu.memory_space<vmem>>, vector<16xf32>,
        %parallel_loop3A_348 = arith.constant 0 : i32
        %parallel_loop3A_349 = vector.broadcast %parallel_loop3A_348 : i32 to vector<16xi32>
        %parallel_loop3A_350 = arith.addi %iota3A, %parallel_loop3A_349 : vector<16xi32>
        %parallel_loop3A_351 = arith.constant 1 : i32
        %parallel_loop3A_352 = vector.broadcast %parallel_loop3A_351 : i32 to vector<16xi32>
        %parallel_loop3A_353 = arith.constant 4 : i32
        %parallel_loop3A_354 = arith.muli %parallel_loop3A_353, %parallel_loop3A_309 : i32
        %parallel_loop3A_355 = vector.broadcast %parallel_loop3A_354 : i32 to vector<16xi32>
        %parallel_loop3A_356 = arith.addi %parallel_loop3A_352, %parallel_loop3A_355 : vector<16xi32>
        %parallel_loop3A_357 = arith.constant 0 : i32
        %parallel_loop3A_358 = arith.constant 0 : i32
        %parallel_loop3A_359 = tpu.memref_slice %arg4[%parallel_loop3A_279, %parallel_loop3A_357, %parallel_loop3A_358] : memref<4x32x129xf32, #tpu.memory_space<vmem>> -> memref<1x32x129xf32, #tpu.memory_space<vmem>>
        %parallel_loop3A_360 = tpu.memref_squeeze %parallel_loop3A_359 : memref<1x32x129xf32, #tpu.memory_space<vmem>> -> memref<32x129xf32, #tpu.memory_space<vmem>>
        %parallel_loop3A_361 = tpu.vector_load_idx %parallel_loop3A_360[%parallel_loop3A_350, %parallel_loop3A_356] : memref<32x129xf32, #tpu.memory_space<vmem>>[vector<16xi32>, vector<16xi32>], vector<16xf32>,
        %parallel_loop3A_362 = arith.constant 1 : i32
        %parallel_loop3A_363 = arith.index_cast %parallel_loop3A_362 : i32 to index
        %parallel_loop3A_364 = arith.index_cast %parallel_loop3A_309 : i32 to index
        %parallel_loop3A_365 = arith.constant 32 : index
        %parallel_loop3A_366 = tpu.vector_load %arg5[%parallel_loop3A_363, %parallel_loop3A_364, %parallel_loop3A_365] {strides = array<i32>} : memref<2x32x128xf32, #tpu.memory_space<vmem>>, vector<16xf32>,
        tpu.vector_store %arg5[%parallel_loop3A_363, %parallel_loop3A_364, %parallel_loop3A_365], %parallel_loop3A_361 {strides = array<i32>} : memref<2x32x128xf32, #tpu.memory_space<vmem>>, vector<16xf32>,
        %parallel_loop3A_367 = arith.constant 16 : i32
        %parallel_loop3A_368 = vector.broadcast %parallel_loop3A_367 : i32 to vector<16xi32>
        %parallel_loop3A_369 = arith.addi %iota3A, %parallel_loop3A_368 : vector<16xi32>
        %parallel_loop3A_370 = arith.constant 1 : i32
        %parallel_loop3A_371 = vector.broadcast %parallel_loop3A_370 : i32 to vector<16xi32>
        %parallel_loop3A_372 = arith.constant 4 : i32
        %parallel_loop3A_373 = arith.muli %parallel_loop3A_372, %parallel_loop3A_309 : i32
        %parallel_loop3A_374 = vector.broadcast %parallel_loop3A_373 : i32 to vector<16xi32>
        %parallel_loop3A_375 = arith.addi %parallel_loop3A_371, %parallel_loop3A_374 : vector<16xi32>
        %parallel_loop3A_376 = arith.constant 0 : i32
        %parallel_loop3A_377 = arith.constant 0 : i32
        %parallel_loop3A_378 = tpu.memref_slice %arg4[%parallel_loop3A_279, %parallel_loop3A_376, %parallel_loop3A_377] : memref<4x32x129xf32, #tpu.memory_space<vmem>> -> memref<1x32x129xf32, #tpu.memory_space<vmem>>
        %parallel_loop3A_379 = tpu.memref_squeeze %parallel_loop3A_378 : memref<1x32x129xf32, #tpu.memory_space<vmem>> -> memref<32x129xf32, #tpu.memory_space<vmem>>
        %parallel_loop3A_380 = tpu.vector_load_idx %parallel_loop3A_379[%parallel_loop3A_369, %parallel_loop3A_375] : memref<32x129xf32, #tpu.memory_space<vmem>>[vector<16xi32>, vector<16xi32>], vector<16xf32>,
        %parallel_loop3A_381 = arith.constant 1 : i32
        %parallel_loop3A_382 = arith.index_cast %parallel_loop3A_381 : i32 to index
        %parallel_loop3A_383 = arith.index_cast %parallel_loop3A_309 : i32 to index
        %parallel_loop3A_384 = arith.constant 48 : index
        %parallel_loop3A_385 = tpu.vector_load %arg5[%parallel_loop3A_382, %parallel_loop3A_383, %parallel_loop3A_384] {strides = array<i32>} : memref<2x32x128xf32, #tpu.memory_space<vmem>>, vector<16xf32>,
        tpu.vector_store %arg5[%parallel_loop3A_382, %parallel_loop3A_383, %parallel_loop3A_384], %parallel_loop3A_380 {strides = array<i32>} : memref<2x32x128xf32, #tpu.memory_space<vmem>>, vector<16xf32>,
        %parallel_loop3A_386 = arith.constant 0 : i32
        %parallel_loop3A_387 = vector.broadcast %parallel_loop3A_386 : i32 to vector<16xi32>
        %parallel_loop3A_388 = arith.addi %iota3A, %parallel_loop3A_387 : vector<16xi32>
        %parallel_loop3A_389 = arith.constant 2 : i32
        %parallel_loop3A_390 = vector.broadcast %parallel_loop3A_389 : i32 to vector<16xi32>
        %parallel_loop3A_391 = arith.constant 4 : i32
        %parallel_loop3A_392 = arith.muli %parallel_loop3A_391, %parallel_loop3A_309 : i32
        %parallel_loop3A_393 = vector.broadcast %parallel_loop3A_392 : i32 to vector<16xi32>
        %parallel_loop3A_394 = arith.addi %parallel_loop3A_390, %parallel_loop3A_393 : vector<16xi32>
        %parallel_loop3A_395 = arith.constant 0 : i32
        %parallel_loop3A_396 = arith.constant 0 : i32
        %parallel_loop3A_397 = tpu.memref_slice %arg4[%parallel_loop3A_279, %parallel_loop3A_395, %parallel_loop3A_396] : memref<4x32x129xf32, #tpu.memory_space<vmem>> -> memref<1x32x129xf32, #tpu.memory_space<vmem>>
        %parallel_loop3A_398 = tpu.memref_squeeze %parallel_loop3A_397 : memref<1x32x129xf32, #tpu.memory_space<vmem>> -> memref<32x129xf32, #tpu.memory_space<vmem>>
        %parallel_loop3A_399 = tpu.vector_load_idx %parallel_loop3A_398[%parallel_loop3A_388, %parallel_loop3A_394] : memref<32x129xf32, #tpu.memory_space<vmem>>[vector<16xi32>, vector<16xi32>], vector<16xf32>,
        %parallel_loop3A_400 = arith.constant 1 : i32
        %parallel_loop3A_401 = arith.index_cast %parallel_loop3A_400 : i32 to index
        %parallel_loop3A_402 = arith.index_cast %parallel_loop3A_309 : i32 to index
        %parallel_loop3A_403 = arith.constant 64 : index
        %parallel_loop3A_404 = tpu.vector_load %arg5[%parallel_loop3A_401, %parallel_loop3A_402, %parallel_loop3A_403] {strides = array<i32>} : memref<2x32x128xf32, #tpu.memory_space<vmem>>, vector<16xf32>,
        tpu.vector_store %arg5[%parallel_loop3A_401, %parallel_loop3A_402, %parallel_loop3A_403], %parallel_loop3A_399 {strides = array<i32>} : memref<2x32x128xf32, #tpu.memory_space<vmem>>, vector<16xf32>,
        %parallel_loop3A_405 = arith.constant 16 : i32
        %parallel_loop3A_406 = vector.broadcast %parallel_loop3A_405 : i32 to vector<16xi32>
        %parallel_loop3A_407 = arith.addi %iota3A, %parallel_loop3A_406 : vector<16xi32>
        %parallel_loop3A_408 = arith.constant 2 : i32
        %parallel_loop3A_409 = vector.broadcast %parallel_loop3A_408 : i32 to vector<16xi32>
        %parallel_loop3A_410 = arith.constant 4 : i32
        %parallel_loop3A_411 = arith.muli %parallel_loop3A_410, %parallel_loop3A_309 : i32
        %parallel_loop3A_412 = vector.broadcast %parallel_loop3A_411 : i32 to vector<16xi32>
        %parallel_loop3A_413 = arith.addi %parallel_loop3A_409, %parallel_loop3A_412 : vector<16xi32>
        %parallel_loop3A_414 = arith.constant 0 : i32
        %parallel_loop3A_415 = arith.constant 0 : i32
        %parallel_loop3A_416 = tpu.memref_slice %arg4[%parallel_loop3A_279, %parallel_loop3A_414, %parallel_loop3A_415] : memref<4x32x129xf32, #tpu.memory_space<vmem>> -> memref<1x32x129xf32, #tpu.memory_space<vmem>>
        %parallel_loop3A_417 = tpu.memref_squeeze %parallel_loop3A_416 : memref<1x32x129xf32, #tpu.memory_space<vmem>> -> memref<32x129xf32, #tpu.memory_space<vmem>>
        %parallel_loop3A_418 = tpu.vector_load_idx %parallel_loop3A_417[%parallel_loop3A_407, %parallel_loop3A_413] : memref<32x129xf32, #tpu.memory_space<vmem>>[vector<16xi32>, vector<16xi32>], vector<16xf32>,
        %parallel_loop3A_419 = arith.constant 1 : i32
        %parallel_loop3A_420 = arith.index_cast %parallel_loop3A_419 : i32 to index
        %parallel_loop3A_421 = arith.index_cast %parallel_loop3A_309 : i32 to index
        %parallel_loop3A_422 = arith.constant 80 : index
        %parallel_loop3A_423 = tpu.vector_load %arg5[%parallel_loop3A_420, %parallel_loop3A_421, %parallel_loop3A_422] {strides = array<i32>} : memref<2x32x128xf32, #tpu.memory_space<vmem>>, vector<16xf32>,
        tpu.vector_store %arg5[%parallel_loop3A_420, %parallel_loop3A_421, %parallel_loop3A_422], %parallel_loop3A_418 {strides = array<i32>} : memref<2x32x128xf32, #tpu.memory_space<vmem>>, vector<16xf32>,
        %parallel_loop3A_424 = arith.constant 0 : i32
        %parallel_loop3A_425 = vector.broadcast %parallel_loop3A_424 : i32 to vector<16xi32>
        %parallel_loop3A_426 = arith.addi %iota3A, %parallel_loop3A_425 : vector<16xi32>
        %parallel_loop3A_427 = arith.constant 3 : i32
        %parallel_loop3A_428 = vector.broadcast %parallel_loop3A_427 : i32 to vector<16xi32>
        %parallel_loop3A_429 = arith.constant 4 : i32
        %parallel_loop3A_430 = arith.muli %parallel_loop3A_429, %parallel_loop3A_309 : i32
        %parallel_loop3A_431 = vector.broadcast %parallel_loop3A_430 : i32 to vector<16xi32>
        %parallel_loop3A_432 = arith.addi %parallel_loop3A_428, %parallel_loop3A_431 : vector<16xi32>
        %parallel_loop3A_433 = arith.constant 0 : i32
        %parallel_loop3A_434 = arith.constant 0 : i32
        %parallel_loop3A_435 = tpu.memref_slice %arg4[%parallel_loop3A_279, %parallel_loop3A_433, %parallel_loop3A_434] : memref<4x32x129xf32, #tpu.memory_space<vmem>> -> memref<1x32x129xf32, #tpu.memory_space<vmem>>
        %parallel_loop3A_436 = tpu.memref_squeeze %parallel_loop3A_435 : memref<1x32x129xf32, #tpu.memory_space<vmem>> -> memref<32x129xf32, #tpu.memory_space<vmem>>
        %parallel_loop3A_437 = tpu.vector_load_idx %parallel_loop3A_436[%parallel_loop3A_426, %parallel_loop3A_432] : memref<32x129xf32, #tpu.memory_space<vmem>>[vector<16xi32>, vector<16xi32>], vector<16xf32>,
        %parallel_loop3A_438 = arith.constant 1 : i32
        %parallel_loop3A_439 = arith.index_cast %parallel_loop3A_438 : i32 to index
        %parallel_loop3A_440 = arith.index_cast %parallel_loop3A_309 : i32 to index
        %parallel_loop3A_441 = arith.constant 96 : index
        %parallel_loop3A_442 = tpu.vector_load %arg5[%parallel_loop3A_439, %parallel_loop3A_440, %parallel_loop3A_441] {strides = array<i32>} : memref<2x32x128xf32, #tpu.memory_space<vmem>>, vector<16xf32>,
        tpu.vector_store %arg5[%parallel_loop3A_439, %parallel_loop3A_440, %parallel_loop3A_441], %parallel_loop3A_437 {strides = array<i32>} : memref<2x32x128xf32, #tpu.memory_space<vmem>>, vector<16xf32>,
        %parallel_loop3A_443 = arith.constant 16 : i32
        %parallel_loop3A_444 = vector.broadcast %parallel_loop3A_443 : i32 to vector<16xi32>
        %parallel_loop3A_445 = arith.addi %iota3A, %parallel_loop3A_444 : vector<16xi32>
        %parallel_loop3A_446 = arith.constant 3 : i32
        %parallel_loop3A_447 = vector.broadcast %parallel_loop3A_446 : i32 to vector<16xi32>
        %parallel_loop3A_448 = arith.constant 4 : i32
        %parallel_loop3A_449 = arith.muli %parallel_loop3A_448, %parallel_loop3A_309 : i32
        %parallel_loop3A_450 = vector.broadcast %parallel_loop3A_449 : i32 to vector<16xi32>
        %parallel_loop3A_451 = arith.addi %parallel_loop3A_447, %parallel_loop3A_450 : vector<16xi32>
        %parallel_loop3A_452 = arith.constant 0 : i32
        %parallel_loop3A_453 = arith.constant 0 : i32
        %parallel_loop3A_454 = tpu.memref_slice %arg4[%parallel_loop3A_279, %parallel_loop3A_452, %parallel_loop3A_453] : memref<4x32x129xf32, #tpu.memory_space<vmem>> -> memref<1x32x129xf32, #tpu.memory_space<vmem>>
        %parallel_loop3A_455 = tpu.memref_squeeze %parallel_loop3A_454 : memref<1x32x129xf32, #tpu.memory_space<vmem>> -> memref<32x129xf32, #tpu.memory_space<vmem>>
        %parallel_loop3A_456 = tpu.vector_load_idx %parallel_loop3A_455[%parallel_loop3A_445, %parallel_loop3A_451] : memref<32x129xf32, #tpu.memory_space<vmem>>[vector<16xi32>, vector<16xi32>], vector<16xf32>,
        %parallel_loop3A_457 = arith.constant 1 : i32
        %parallel_loop3A_458 = arith.index_cast %parallel_loop3A_457 : i32 to index
        %parallel_loop3A_459 = arith.index_cast %parallel_loop3A_309 : i32 to index
        %parallel_loop3A_460 = arith.constant 112 : index
        %parallel_loop3A_461 = tpu.vector_load %arg5[%parallel_loop3A_458, %parallel_loop3A_459, %parallel_loop3A_460] {strides = array<i32>} : memref<2x32x128xf32, #tpu.memory_space<vmem>>, vector<16xf32>,
        tpu.vector_store %arg5[%parallel_loop3A_458, %parallel_loop3A_459, %parallel_loop3A_460], %parallel_loop3A_456 {strides = array<i32>} : memref<2x32x128xf32, #tpu.memory_space<vmem>>, vector<16xf32>,
      } {sc.loop_unroll_factor = 4 : i64, sc.parallel_access}
      %add3A_280 = arith.constant 3 : i32
      %add3A_281 = arith.addi %add3A_90, %add3A_280 : i32
      %mul3A_282 = arith.constant 32 : i32
      %mul3A_283 = arith.muli %add3A_281, %mul3A_282 : i32
      %add3A_284 = arith.addi %add3A, %mul3A_283 : i32
      %mul3A_285 = arith.constant 32 : i32
      %mul3A_286 = arith.muli %add3A_284, %mul3A_285 : i32
      %dma_start3A_287 = arith.constant 1 : i32
      %dma_start3A_288 = arith.constant 0 : i32
      %dma_start3A_289 = arith.constant 0 : i32
      %dma_start3A_290 = tpu.memref_slice %arg5[%dma_start3A_287, %dma_start3A_288, %dma_start3A_289] : memref<2x32x128xf32, #tpu.memory_space<vmem>> -> memref<1x32x128xf32, #tpu.memory_space<vmem>>
      %dma_start3A_291 = tpu.memref_squeeze %dma_start3A_290 : memref<1x32x128xf32, #tpu.memory_space<vmem>> -> memref<32x128xf32, #tpu.memory_space<vmem>>
      %dma_start3A_292 = arith.constant 0 : i32
      %dma_start3A_293 = tpu.memref_slice %arg3[%mul3A_286, %dma_start3A_292] : memref<250016x128xf32, #tpu.memory_space<hbm>> -> memref<32x128xf32, #tpu.memory_space<hbm>>
      %dma_start3A_294 = arith.constant 0 : i32
      %dma_start3A_295 = tpu.memref_slice %arg3[%mul3A_286, %dma_start3A_294] : memref<250016x128xf32, #tpu.memory_space<hbm>> -> memref<32x128xf32, #tpu.memory_space<hbm>>
      %dma_start3A_296 = arith.constant 0 : i32
      %dma_start3A_297 = arith.constant 0 : i32
      %dma_start3A_298 = tpu.memref_slice %arg5[%dma_start3A_287, %dma_start3A_296, %dma_start3A_297] : memref<2x32x128xf32, #tpu.memory_space<vmem>> -> memref<1x32x128xf32, #tpu.memory_space<vmem>>
      %dma_start3A_299 = tpu.memref_squeeze %dma_start3A_298 : memref<1x32x128xf32, #tpu.memory_space<vmem>> -> memref<32x128xf32, #tpu.memory_space<vmem>>
      tpu.enqueue_dma source(%dma_start3A_299 : memref<32x128xf32, #tpu.memory_space<vmem>>) target(%dma_start3A_295 : memref<32x128xf32, #tpu.memory_space<hbm>>) target_semaphore(%arg11 : memref<!tpu.dma_semaphore, #tpu.memory_space<semaphore_mem>>)
      %add3A_300 = arith.constant 3 : i32
      %add3A_301 = arith.addi %add3A_90, %add3A_300 : i32
      %add3A_302 = arith.constant 3 : i32
      %add3A_303 = arith.addi %add3A_301, %add3A_302 : i32
      %lt3A_304 = arith.constant 244 : i32
      %lt3A_305 = arith.cmpi slt, %add3A_303, %lt3A_304 : i32
      %convert_element_type3A_306 = arith.extui %lt3A_305 : i1 to i32
      %cond3A_307 = arith.constant 0 : i32
      %cond3A_308 = arith.cmpi ne, %convert_element_type3A_306, %cond3A_307 : i32
      scf.if %cond3A_308 {
        %add3A_309 = arith.constant 3 : i32
        %add3A_310 = arith.addi %add3A_90, %add3A_309 : i32
        %add3A_311 = arith.constant 3 : i32
        %add3A_312 = arith.addi %add3A_310, %add3A_311 : i32
        %mul3A_313 = arith.constant 32 : i32
        %mul3A_314 = arith.muli %add3A_312, %mul3A_313 : i32
        %add3A_315 = arith.addi %add3A, %mul3A_314 : i32
        %mul3A_316 = arith.constant 128 : i32
        %mul3A_317 = arith.muli %add3A_315, %mul3A_316 : i32
        %dma_start3A_318 = arith.constant 2 : i32
        %dma_start3A_319 = arith.constant 0 : i32
        %dma_start3A_320 = arith.constant 0 : i32
        %dma_start3A_321 = tpu.memref_slice %arg4[%dma_start3A_318, %dma_start3A_319, %dma_start3A_320] : memref<4x32x129xf32, #tpu.memory_space<vmem>> -> memref<1x32x128xf32, #tpu.memory_space<vmem>>
        %dma_start3A_322 = tpu.memref_squeeze %dma_start3A_321 : memref<1x32x128xf32, #tpu.memory_space<vmem>> -> memref<32x128xf32, #tpu.memory_space<vmem>>
        %dma_start3A_323 = arith.constant 0 : i32
        %dma_start3A_324 = tpu.memref_slice %arg2[%dma_start3A_323, %mul3A_317] : memref<32x1000000xf32, #tpu.memory_space<hbm>> -> memref<32x128xf32, #tpu.memory_space<hbm>>
        %dma_start3A_325 = arith.constant 0 : i32
        %dma_start3A_326 = arith.constant 0 : i32
        %dma_start3A_327 = tpu.memref_slice %arg4[%dma_start3A_318, %dma_start3A_325, %dma_start3A_326] : memref<4x32x129xf32, #tpu.memory_space<vmem>> -> memref<1x32x128xf32, #tpu.memory_space<vmem>>
        %dma_start3A_328 = tpu.memref_squeeze %dma_start3A_327 : memref<1x32x128xf32, #tpu.memory_space<vmem>> -> memref<32x128xf32, #tpu.memory_space<vmem>>
        %dma_start3A_329 = arith.constant 0 : i32
        %dma_start3A_330 = tpu.memref_slice %arg2[%dma_start3A_329, %mul3A_317] : memref<32x1000000xf32, #tpu.memory_space<hbm>> -> memref<32x128xf32, #tpu.memory_space<hbm>>
        tpu.enqueue_dma source(%dma_start3A_330 : memref<32x128xf32, #tpu.memory_space<hbm>>) target(%dma_start3A_328 : memref<32x128xf32, #tpu.memory_space<vmem>>) target_semaphore(%arg8 : memref<!tpu.dma_semaphore, #tpu.memory_space<semaphore_mem>>)
      } else {
      }
    }
    %scan3A_54 = arith.constant 61 : i32
    %dma_wait3A = arith.constant 0 : i32
    %dma_wait3A_55 = arith.constant 0 : i32
    %dma_wait3A_56 = arith.constant 0 : i32
    %dma_wait3A_57 = tpu.memref_slice %arg5[%dma_wait3A, %dma_wait3A_55, %dma_wait3A_56] : memref<2x32x128xf32, #tpu.memory_space<vmem>> -> memref<1x32x128xf32, #tpu.memory_space<vmem>>
    %dma_wait3A_58 = tpu.memref_squeeze %dma_wait3A_57 : memref<1x32x128xf32, #tpu.memory_space<vmem>> -> memref<32x128xf32, #tpu.memory_space<vmem>>
    %dma_wait3A_59 = arith.constant 0 : i32
    %dma_wait3A_60 = arith.constant 0 : i32
    %dma_wait3A_61 = tpu.memref_slice %arg3[%dma_wait3A_59, %dma_wait3A_60] : memref<250016x128xf32, #tpu.memory_space<hbm>> -> memref<32x128xf32, #tpu.memory_space<hbm>>
    %dma_wait3A_62 = arith.constant 0 : i32
    %dma_wait3A_63 = arith.constant 0 : i32
    %dma_wait3A_64 = tpu.memref_slice %arg3[%dma_wait3A_62, %dma_wait3A_63] : memref<250016x128xf32, #tpu.memory_space<hbm>> -> memref<32x128xf32, #tpu.memory_space<hbm>>
    %dma_wait3A_65 = arith.constant 0 : i32
    %dma_wait3A_66 = arith.constant 0 : i32
    %dma_wait3A_67 = tpu.memref_slice %arg5[%dma_wait3A, %dma_wait3A_65, %dma_wait3A_66] : memref<2x32x128xf32, #tpu.memory_space<vmem>> -> memref<1x32x128xf32, #tpu.memory_space<vmem>>
    %dma_wait3A_68 = tpu.memref_squeeze %dma_wait3A_67 : memref<1x32x128xf32, #tpu.memory_space<vmem>> -> memref<32x128xf32, #tpu.memory_space<vmem>>
    tpu.wait_dma2 semaphore(%arg10 : memref<!tpu.dma_semaphore, #tpu.memory_space<semaphore_mem>>) src(%dma_wait3A_68 : memref<32x128xf32, #tpu.memory_space<vmem>>) dst(%dma_wait3A_64 : memref<32x128xf32, #tpu.memory_space<hbm>>)
    %dma_wait3A_69 = arith.constant 1 : i32
    %dma_wait3A_70 = arith.constant 0 : i32
    %dma_wait3A_71 = arith.constant 0 : i32
    %dma_wait3A_72 = tpu.memref_slice %arg5[%dma_wait3A_69, %dma_wait3A_70, %dma_wait3A_71] : memref<2x32x128xf32, #tpu.memory_space<vmem>> -> memref<1x32x128xf32, #tpu.memory_space<vmem>>
    %dma_wait3A_73 = tpu.memref_squeeze %dma_wait3A_72 : memref<1x32x128xf32, #tpu.memory_space<vmem>> -> memref<32x128xf32, #tpu.memory_space<vmem>>
    %dma_wait3A_74 = arith.constant 0 : i32
    %dma_wait3A_75 = arith.constant 0 : i32
    %dma_wait3A_76 = tpu.memref_slice %arg3[%dma_wait3A_74, %dma_wait3A_75] : memref<250016x128xf32, #tpu.memory_space<hbm>> -> memref<32x128xf32, #tpu.memory_space<hbm>>
    %dma_wait3A_77 = arith.constant 0 : i32
    %dma_wait3A_78 = arith.constant 0 : i32
    %dma_wait3A_79 = tpu.memref_slice %arg3[%dma_wait3A_77, %dma_wait3A_78] : memref<250016x128xf32, #tpu.memory_space<hbm>> -> memref<32x128xf32, #tpu.memory_space<hbm>>
    %dma_wait3A_80 = arith.constant 0 : i32
    %dma_wait3A_81 = arith.constant 0 : i32
    %dma_wait3A_82 = tpu.memref_slice %arg5[%dma_wait3A_69, %dma_wait3A_80, %dma_wait3A_81] : memref<2x32x128xf32, #tpu.memory_space<vmem>> -> memref<1x32x128xf32, #tpu.memory_space<vmem>>
    %dma_wait3A_83 = tpu.memref_squeeze %dma_wait3A_82 : memref<1x32x128xf32, #tpu.memory_space<vmem>> -> memref<32x128xf32, #tpu.memory_space<vmem>>
    tpu.wait_dma2 semaphore(%arg11 : memref<!tpu.dma_semaphore, #tpu.memory_space<semaphore_mem>>) src(%dma_wait3A_83 : memref<32x128xf32, #tpu.memory_space<vmem>>) dst(%dma_wait3A_79 : memref<32x128xf32, #tpu.memory_space<hbm>>)
    %lt3A = arith.constant 5 : i32
    %lt3A_84 = arith.cmpi slt, %add3A, %lt3A : i32
    %convert_element_type3A = arith.extui %lt3A_84 : i1 to i32
    %cond3A = arith.constant 0 : i32
    %cond3A_85 = arith.cmpi ne, %convert_element_type3A, %cond3A : i32
    scf.if %cond3A_85 {
      %add3A_86 = arith.constant 7808 : i32
      %add3A_87 = arith.addi %add3A, %add3A_86 : i32
      %mul3A_88 = arith.constant 128 : i32
      %mul3A_89 = arith.muli %add3A_87, %mul3A_88 : i32
      %dma_start3A_90 = arith.constant 0 : i32
      %dma_start3A_91 = arith.constant 0 : i32
      %dma_start3A_92 = arith.constant 0 : i32
      %dma_start3A_93 = tpu.memref_slice %arg4[%dma_start3A_90, %dma_start3A_91, %dma_start3A_92] : memref<4x32x129xf32, #tpu.memory_space<vmem>> -> memref<1x32x128xf32, #tpu.memory_space<vmem>>
      %dma_start3A_94 = tpu.memref_squeeze %dma_start3A_93 : memref<1x32x128xf32, #tpu.memory_space<vmem>> -> memref<32x128xf32, #tpu.memory_space<vmem>>
      %dma_start3A_95 = arith.constant 0 : i32
      %dma_start3A_96 = tpu.memref_slice %arg2[%dma_start3A_95, %mul3A_89] : memref<32x1000000xf32, #tpu.memory_space<hbm>> -> memref<32x128xf32, #tpu.memory_space<hbm>>
      %dma_start3A_97 = arith.constant 0 : i32
      %dma_start3A_98 = arith.constant 0 : i32
      %dma_start3A_99 = tpu.memref_slice %arg4[%dma_start3A_90, %dma_start3A_97, %dma_start3A_98] : memref<4x32x129xf32, #tpu.memory_space<vmem>> -> memref<1x32x128xf32, #tpu.memory_space<vmem>>
      %dma_start3A_100 = tpu.memref_squeeze %dma_start3A_99 : memref<1x32x128xf32, #tpu.memory_space<vmem>> -> memref<32x128xf32, #tpu.memory_space<vmem>>
      %dma_start3A_101 = arith.constant 0 : i32
      %dma_start3A_102 = tpu.memref_slice %arg2[%dma_start3A_101, %mul3A_89] : memref<32x1000000xf32, #tpu.memory_space<hbm>> -> memref<32x128xf32, #tpu.memory_space<hbm>>
      tpu.enqueue_dma source(%dma_start3A_102 : memref<32x128xf32, #tpu.memory_space<hbm>>) target(%dma_start3A_100 : memref<32x128xf32, #tpu.memory_space<vmem>>) target_semaphore(%arg6 : memref<!tpu.dma_semaphore, #tpu.memory_space<semaphore_mem>>)
      %dma_wait3A_103 = arith.constant 0 : i32
      %dma_wait3A_104 = arith.constant 0 : i32
      %dma_wait3A_105 = arith.constant 0 : i32
      %dma_wait3A_106 = tpu.memref_slice %arg4[%dma_wait3A_103, %dma_wait3A_104, %dma_wait3A_105] : memref<4x32x129xf32, #tpu.memory_space<vmem>> -> memref<1x32x128xf32, #tpu.memory_space<vmem>>
      %dma_wait3A_107 = tpu.memref_squeeze %dma_wait3A_106 : memref<1x32x128xf32, #tpu.memory_space<vmem>> -> memref<32x128xf32, #tpu.memory_space<vmem>>
      %dma_wait3A_108 = arith.constant 0 : i32
      %dma_wait3A_109 = arith.constant 0 : i32
      %dma_wait3A_110 = tpu.memref_slice %arg2[%dma_wait3A_108, %dma_wait3A_109] : memref<32x1000000xf32, #tpu.memory_space<hbm>> -> memref<32x128xf32, #tpu.memory_space<hbm>>
      %dma_wait3A_111 = arith.constant 0 : i32
      %dma_wait3A_112 = arith.constant 0 : i32
      %dma_wait3A_113 = tpu.memref_slice %arg4[%dma_wait3A_103, %dma_wait3A_111, %dma_wait3A_112] : memref<4x32x129xf32, #tpu.memory_space<vmem>> -> memref<1x32x128xf32, #tpu.memory_space<vmem>>
      %dma_wait3A_114 = tpu.memref_squeeze %dma_wait3A_113 : memref<1x32x128xf32, #tpu.memory_space<vmem>> -> memref<32x128xf32, #tpu.memory_space<vmem>>
      %dma_wait3A_115 = arith.constant 0 : i32
      %dma_wait3A_116 = arith.constant 0 : i32
      %dma_wait3A_117 = tpu.memref_slice %arg2[%dma_wait3A_115, %dma_wait3A_116] : memref<32x1000000xf32, #tpu.memory_space<hbm>> -> memref<32x128xf32, #tpu.memory_space<hbm>>
      tpu.wait_dma2 semaphore(%arg6 : memref<!tpu.dma_semaphore, #tpu.memory_space<semaphore_mem>>) src(%dma_wait3A_117 : memref<32x128xf32, #tpu.memory_space<hbm>>) dst(%dma_wait3A_114 : memref<32x128xf32, #tpu.memory_space<vmem>>)
      %parallel_loop3A = arith.constant 0 : i32
      %parallel_loop3A_118 = arith.constant 32 : i32
      %parallel_loop3A_119 = arith.constant 1 : i32
      %parallel_loop3A_120 = arith.constant 0 : i32
      scf.for %parallel_loop3A_153 = %parallel_loop3A to %parallel_loop3A_118 step %parallel_loop3A_119  : i32 {
        %parallel_loop3A_154 = arith.constant 0 : i32
        %parallel_loop3A_155 = vector.broadcast %parallel_loop3A_154 : i32 to vector<16xi32>
        %parallel_loop3A_156 = arith.addi %iota3A, %parallel_loop3A_155 : vector<16xi32>
        %parallel_loop3A_157 = arith.constant 0 : i32
        %parallel_loop3A_158 = vector.broadcast %parallel_loop3A_157 : i32 to vector<16xi32>
        %parallel_loop3A_159 = arith.constant 4 : i32
        %parallel_loop3A_160 = arith.muli %parallel_loop3A_159, %parallel_loop3A_153 : i32
        %parallel_loop3A_161 = vector.broadcast %parallel_loop3A_160 : i32 to vector<16xi32>
        %parallel_loop3A_162 = arith.addi %parallel_loop3A_158, %parallel_loop3A_161 : vector<16xi32>
        %parallel_loop3A_163 = arith.constant 0 : i32
        %parallel_loop3A_164 = arith.constant 0 : i32
        %parallel_loop3A_165 = tpu.memref_slice %arg4[%parallel_loop3A_120, %parallel_loop3A_163, %parallel_loop3A_164] : memref<4x32x129xf32, #tpu.memory_space<vmem>> -> memref<1x32x129xf32, #tpu.memory_space<vmem>>
        %parallel_loop3A_166 = tpu.memref_squeeze %parallel_loop3A_165 : memref<1x32x129xf32, #tpu.memory_space<vmem>> -> memref<32x129xf32, #tpu.memory_space<vmem>>
        %parallel_loop3A_167 = tpu.vector_load_idx %parallel_loop3A_166[%parallel_loop3A_156, %parallel_loop3A_162] : memref<32x129xf32, #tpu.memory_space<vmem>>[vector<16xi32>, vector<16xi32>], vector<16xf32>,
        %parallel_loop3A_168 = arith.constant 0 : i32
        %parallel_loop3A_169 = arith.index_cast %parallel_loop3A_168 : i32 to index
        %parallel_loop3A_170 = arith.index_cast %parallel_loop3A_153 : i32 to index
        %parallel_loop3A_171 = arith.constant 0 : index
        %parallel_loop3A_172 = tpu.vector_load %arg5[%parallel_loop3A_169, %parallel_loop3A_170, %parallel_loop3A_171] {strides = array<i32>} : memref<2x32x128xf32, #tpu.memory_space<vmem>>, vector<16xf32>,
        tpu.vector_store %arg5[%parallel_loop3A_169, %parallel_loop3A_170, %parallel_loop3A_171], %parallel_loop3A_167 {strides = array<i32>} : memref<2x32x128xf32, #tpu.memory_space<vmem>>, vector<16xf32>,
        %parallel_loop3A_173 = arith.constant 16 : i32
        %parallel_loop3A_174 = vector.broadcast %parallel_loop3A_173 : i32 to vector<16xi32>
        %parallel_loop3A_175 = arith.addi %iota3A, %parallel_loop3A_174 : vector<16xi32>
        %parallel_loop3A_176 = arith.constant 0 : i32
        %parallel_loop3A_177 = vector.broadcast %parallel_loop3A_176 : i32 to vector<16xi32>
        %parallel_loop3A_178 = arith.constant 4 : i32
        %parallel_loop3A_179 = arith.muli %parallel_loop3A_178, %parallel_loop3A_153 : i32
        %parallel_loop3A_180 = vector.broadcast %parallel_loop3A_179 : i32 to vector<16xi32>
        %parallel_loop3A_181 = arith.addi %parallel_loop3A_177, %parallel_loop3A_180 : vector<16xi32>
        %parallel_loop3A_182 = arith.constant 0 : i32
        %parallel_loop3A_183 = arith.constant 0 : i32
        %parallel_loop3A_184 = tpu.memref_slice %arg4[%parallel_loop3A_120, %parallel_loop3A_182, %parallel_loop3A_183] : memref<4x32x129xf32, #tpu.memory_space<vmem>> -> memref<1x32x129xf32, #tpu.memory_space<vmem>>
        %parallel_loop3A_185 = tpu.memref_squeeze %parallel_loop3A_184 : memref<1x32x129xf32, #tpu.memory_space<vmem>> -> memref<32x129xf32, #tpu.memory_space<vmem>>
        %parallel_loop3A_186 = tpu.vector_load_idx %parallel_loop3A_185[%parallel_loop3A_175, %parallel_loop3A_181] : memref<32x129xf32, #tpu.memory_space<vmem>>[vector<16xi32>, vector<16xi32>], vector<16xf32>,
        %parallel_loop3A_187 = arith.constant 0 : i32
        %parallel_loop3A_188 = arith.index_cast %parallel_loop3A_187 : i32 to index
        %parallel_loop3A_189 = arith.index_cast %parallel_loop3A_153 : i32 to index
        %parallel_loop3A_190 = arith.constant 16 : index
        %parallel_loop3A_191 = tpu.vector_load %arg5[%parallel_loop3A_188, %parallel_loop3A_189, %parallel_loop3A_190] {strides = array<i32>} : memref<2x32x128xf32, #tpu.memory_space<vmem>>, vector<16xf32>,
        tpu.vector_store %arg5[%parallel_loop3A_188, %parallel_loop3A_189, %parallel_loop3A_190], %parallel_loop3A_186 {strides = array<i32>} : memref<2x32x128xf32, #tpu.memory_space<vmem>>, vector<16xf32>,
        %parallel_loop3A_192 = arith.constant 0 : i32
        %parallel_loop3A_193 = vector.broadcast %parallel_loop3A_192 : i32 to vector<16xi32>
        %parallel_loop3A_194 = arith.addi %iota3A, %parallel_loop3A_193 : vector<16xi32>
        %parallel_loop3A_195 = arith.constant 1 : i32
        %parallel_loop3A_196 = vector.broadcast %parallel_loop3A_195 : i32 to vector<16xi32>
        %parallel_loop3A_197 = arith.constant 4 : i32
        %parallel_loop3A_198 = arith.muli %parallel_loop3A_197, %parallel_loop3A_153 : i32
        %parallel_loop3A_199 = vector.broadcast %parallel_loop3A_198 : i32 to vector<16xi32>
        %parallel_loop3A_200 = arith.addi %parallel_loop3A_196, %parallel_loop3A_199 : vector<16xi32>
        %parallel_loop3A_201 = arith.constant 0 : i32
        %parallel_loop3A_202 = arith.constant 0 : i32
        %parallel_loop3A_203 = tpu.memref_slice %arg4[%parallel_loop3A_120, %parallel_loop3A_201, %parallel_loop3A_202] : memref<4x32x129xf32, #tpu.memory_space<vmem>> -> memref<1x32x129xf32, #tpu.memory_space<vmem>>
        %parallel_loop3A_204 = tpu.memref_squeeze %parallel_loop3A_203 : memref<1x32x129xf32, #tpu.memory_space<vmem>> -> memref<32x129xf32, #tpu.memory_space<vmem>>
        %parallel_loop3A_205 = tpu.vector_load_idx %parallel_loop3A_204[%parallel_loop3A_194, %parallel_loop3A_200] : memref<32x129xf32, #tpu.memory_space<vmem>>[vector<16xi32>, vector<16xi32>], vector<16xf32>,
        %parallel_loop3A_206 = arith.constant 0 : i32
        %parallel_loop3A_207 = arith.index_cast %parallel_loop3A_206 : i32 to index
        %parallel_loop3A_208 = arith.index_cast %parallel_loop3A_153 : i32 to index
        %parallel_loop3A_209 = arith.constant 32 : index
        %parallel_loop3A_210 = tpu.vector_load %arg5[%parallel_loop3A_207, %parallel_loop3A_208, %parallel_loop3A_209] {strides = array<i32>} : memref<2x32x128xf32, #tpu.memory_space<vmem>>, vector<16xf32>,
        tpu.vector_store %arg5[%parallel_loop3A_207, %parallel_loop3A_208, %parallel_loop3A_209], %parallel_loop3A_205 {strides = array<i32>} : memref<2x32x128xf32, #tpu.memory_space<vmem>>, vector<16xf32>,
        %parallel_loop3A_211 = arith.constant 16 : i32
        %parallel_loop3A_212 = vector.broadcast %parallel_loop3A_211 : i32 to vector<16xi32>
        %parallel_loop3A_213 = arith.addi %iota3A, %parallel_loop3A_212 : vector<16xi32>
        %parallel_loop3A_214 = arith.constant 1 : i32
        %parallel_loop3A_215 = vector.broadcast %parallel_loop3A_214 : i32 to vector<16xi32>
        %parallel_loop3A_216 = arith.constant 4 : i32
        %parallel_loop3A_217 = arith.muli %parallel_loop3A_216, %parallel_loop3A_153 : i32
        %parallel_loop3A_218 = vector.broadcast %parallel_loop3A_217 : i32 to vector<16xi32>
        %parallel_loop3A_219 = arith.addi %parallel_loop3A_215, %parallel_loop3A_218 : vector<16xi32>
        %parallel_loop3A_220 = arith.constant 0 : i32
        %parallel_loop3A_221 = arith.constant 0 : i32
        %parallel_loop3A_222 = tpu.memref_slice %arg4[%parallel_loop3A_120, %parallel_loop3A_220, %parallel_loop3A_221] : memref<4x32x129xf32, #tpu.memory_space<vmem>> -> memref<1x32x129xf32, #tpu.memory_space<vmem>>
        %parallel_loop3A_223 = tpu.memref_squeeze %parallel_loop3A_222 : memref<1x32x129xf32, #tpu.memory_space<vmem>> -> memref<32x129xf32, #tpu.memory_space<vmem>>
        %parallel_loop3A_224 = tpu.vector_load_idx %parallel_loop3A_223[%parallel_loop3A_213, %parallel_loop3A_219] : memref<32x129xf32, #tpu.memory_space<vmem>>[vector<16xi32>, vector<16xi32>], vector<16xf32>,
        %parallel_loop3A_225 = arith.constant 0 : i32
        %parallel_loop3A_226 = arith.index_cast %parallel_loop3A_225 : i32 to index
        %parallel_loop3A_227 = arith.index_cast %parallel_loop3A_153 : i32 to index
        %parallel_loop3A_228 = arith.constant 48 : index
        %parallel_loop3A_229 = tpu.vector_load %arg5[%parallel_loop3A_226, %parallel_loop3A_227, %parallel_loop3A_228] {strides = array<i32>} : memref<2x32x128xf32, #tpu.memory_space<vmem>>, vector<16xf32>,
        tpu.vector_store %arg5[%parallel_loop3A_226, %parallel_loop3A_227, %parallel_loop3A_228], %parallel_loop3A_224 {strides = array<i32>} : memref<2x32x128xf32, #tpu.memory_space<vmem>>, vector<16xf32>,
        %parallel_loop3A_230 = arith.constant 0 : i32
        %parallel_loop3A_231 = vector.broadcast %parallel_loop3A_230 : i32 to vector<16xi32>
        %parallel_loop3A_232 = arith.addi %iota3A, %parallel_loop3A_231 : vector<16xi32>
        %parallel_loop3A_233 = arith.constant 2 : i32
        %parallel_loop3A_234 = vector.broadcast %parallel_loop3A_233 : i32 to vector<16xi32>
        %parallel_loop3A_235 = arith.constant 4 : i32
        %parallel_loop3A_236 = arith.muli %parallel_loop3A_235, %parallel_loop3A_153 : i32
        %parallel_loop3A_237 = vector.broadcast %parallel_loop3A_236 : i32 to vector<16xi32>
        %parallel_loop3A_238 = arith.addi %parallel_loop3A_234, %parallel_loop3A_237 : vector<16xi32>
        %parallel_loop3A_239 = arith.constant 0 : i32
        %parallel_loop3A_240 = arith.constant 0 : i32
        %parallel_loop3A_241 = tpu.memref_slice %arg4[%parallel_loop3A_120, %parallel_loop3A_239, %parallel_loop3A_240] : memref<4x32x129xf32, #tpu.memory_space<vmem>> -> memref<1x32x129xf32, #tpu.memory_space<vmem>>
        %parallel_loop3A_242 = tpu.memref_squeeze %parallel_loop3A_241 : memref<1x32x129xf32, #tpu.memory_space<vmem>> -> memref<32x129xf32, #tpu.memory_space<vmem>>
        %parallel_loop3A_243 = tpu.vector_load_idx %parallel_loop3A_242[%parallel_loop3A_232, %parallel_loop3A_238] : memref<32x129xf32, #tpu.memory_space<vmem>>[vector<16xi32>, vector<16xi32>], vector<16xf32>,
        %parallel_loop3A_244 = arith.constant 0 : i32
        %parallel_loop3A_245 = arith.index_cast %parallel_loop3A_244 : i32 to index
        %parallel_loop3A_246 = arith.index_cast %parallel_loop3A_153 : i32 to index
        %parallel_loop3A_247 = arith.constant 64 : index
        %parallel_loop3A_248 = tpu.vector_load %arg5[%parallel_loop3A_245, %parallel_loop3A_246, %parallel_loop3A_247] {strides = array<i32>} : memref<2x32x128xf32, #tpu.memory_space<vmem>>, vector<16xf32>,
        tpu.vector_store %arg5[%parallel_loop3A_245, %parallel_loop3A_246, %parallel_loop3A_247], %parallel_loop3A_243 {strides = array<i32>} : memref<2x32x128xf32, #tpu.memory_space<vmem>>, vector<16xf32>,
        %parallel_loop3A_249 = arith.constant 16 : i32
        %parallel_loop3A_250 = vector.broadcast %parallel_loop3A_249 : i32 to vector<16xi32>
        %parallel_loop3A_251 = arith.addi %iota3A, %parallel_loop3A_250 : vector<16xi32>
        %parallel_loop3A_252 = arith.constant 2 : i32
        %parallel_loop3A_253 = vector.broadcast %parallel_loop3A_252 : i32 to vector<16xi32>
        %parallel_loop3A_254 = arith.constant 4 : i32
        %parallel_loop3A_255 = arith.muli %parallel_loop3A_254, %parallel_loop3A_153 : i32
        %parallel_loop3A_256 = vector.broadcast %parallel_loop3A_255 : i32 to vector<16xi32>
        %parallel_loop3A_257 = arith.addi %parallel_loop3A_253, %parallel_loop3A_256 : vector<16xi32>
        %parallel_loop3A_258 = arith.constant 0 : i32
        %parallel_loop3A_259 = arith.constant 0 : i32
        %parallel_loop3A_260 = tpu.memref_slice %arg4[%parallel_loop3A_120, %parallel_loop3A_258, %parallel_loop3A_259] : memref<4x32x129xf32, #tpu.memory_space<vmem>> -> memref<1x32x129xf32, #tpu.memory_space<vmem>>
        %parallel_loop3A_261 = tpu.memref_squeeze %parallel_loop3A_260 : memref<1x32x129xf32, #tpu.memory_space<vmem>> -> memref<32x129xf32, #tpu.memory_space<vmem>>
        %parallel_loop3A_262 = tpu.vector_load_idx %parallel_loop3A_261[%parallel_loop3A_251, %parallel_loop3A_257] : memref<32x129xf32, #tpu.memory_space<vmem>>[vector<16xi32>, vector<16xi32>], vector<16xf32>,
        %parallel_loop3A_263 = arith.constant 0 : i32
        %parallel_loop3A_264 = arith.index_cast %parallel_loop3A_263 : i32 to index
        %parallel_loop3A_265 = arith.index_cast %parallel_loop3A_153 : i32 to index
        %parallel_loop3A_266 = arith.constant 80 : index
        %parallel_loop3A_267 = tpu.vector_load %arg5[%parallel_loop3A_264, %parallel_loop3A_265, %parallel_loop3A_266] {strides = array<i32>} : memref<2x32x128xf32, #tpu.memory_space<vmem>>, vector<16xf32>,
        tpu.vector_store %arg5[%parallel_loop3A_264, %parallel_loop3A_265, %parallel_loop3A_266], %parallel_loop3A_262 {strides = array<i32>} : memref<2x32x128xf32, #tpu.memory_space<vmem>>, vector<16xf32>,
        %parallel_loop3A_268 = arith.constant 0 : i32
        %parallel_loop3A_269 = vector.broadcast %parallel_loop3A_268 : i32 to vector<16xi32>
        %parallel_loop3A_270 = arith.addi %iota3A, %parallel_loop3A_269 : vector<16xi32>
        %parallel_loop3A_271 = arith.constant 3 : i32
        %parallel_loop3A_272 = vector.broadcast %parallel_loop3A_271 : i32 to vector<16xi32>
        %parallel_loop3A_273 = arith.constant 4 : i32
        %parallel_loop3A_274 = arith.muli %parallel_loop3A_273, %parallel_loop3A_153 : i32
        %parallel_loop3A_275 = vector.broadcast %parallel_loop3A_274 : i32 to vector<16xi32>
        %parallel_loop3A_276 = arith.addi %parallel_loop3A_272, %parallel_loop3A_275 : vector<16xi32>
        %parallel_loop3A_277 = arith.constant 0 : i32
        %parallel_loop3A_278 = arith.constant 0 : i32
        %parallel_loop3A_279 = tpu.memref_slice %arg4[%parallel_loop3A_120, %parallel_loop3A_277, %parallel_loop3A_278] : memref<4x32x129xf32, #tpu.memory_space<vmem>> -> memref<1x32x129xf32, #tpu.memory_space<vmem>>
        %parallel_loop3A_280 = tpu.memref_squeeze %parallel_loop3A_279 : memref<1x32x129xf32, #tpu.memory_space<vmem>> -> memref<32x129xf32, #tpu.memory_space<vmem>>
        %parallel_loop3A_281 = tpu.vector_load_idx %parallel_loop3A_280[%parallel_loop3A_270, %parallel_loop3A_276] : memref<32x129xf32, #tpu.memory_space<vmem>>[vector<16xi32>, vector<16xi32>], vector<16xf32>,
        %parallel_loop3A_282 = arith.constant 0 : i32
        %parallel_loop3A_283 = arith.index_cast %parallel_loop3A_282 : i32 to index
        %parallel_loop3A_284 = arith.index_cast %parallel_loop3A_153 : i32 to index
        %parallel_loop3A_285 = arith.constant 96 : index
        %parallel_loop3A_286 = tpu.vector_load %arg5[%parallel_loop3A_283, %parallel_loop3A_284, %parallel_loop3A_285] {strides = array<i32>} : memref<2x32x128xf32, #tpu.memory_space<vmem>>, vector<16xf32>,
        tpu.vector_store %arg5[%parallel_loop3A_283, %parallel_loop3A_284, %parallel_loop3A_285], %parallel_loop3A_281 {strides = array<i32>} : memref<2x32x128xf32, #tpu.memory_space<vmem>>, vector<16xf32>,
        %parallel_loop3A_287 = arith.constant 16 : i32
        %parallel_loop3A_288 = vector.broadcast %parallel_loop3A_287 : i32 to vector<16xi32>
        %parallel_loop3A_289 = arith.addi %iota3A, %parallel_loop3A_288 : vector<16xi32>
        %parallel_loop3A_290 = arith.constant 3 : i32
        %parallel_loop3A_291 = vector.broadcast %parallel_loop3A_290 : i32 to vector<16xi32>
        %parallel_loop3A_292 = arith.constant 4 : i32
        %parallel_loop3A_293 = arith.muli %parallel_loop3A_292, %parallel_loop3A_153 : i32
        %parallel_loop3A_294 = vector.broadcast %parallel_loop3A_293 : i32 to vector<16xi32>
        %parallel_loop3A_295 = arith.addi %parallel_loop3A_291, %parallel_loop3A_294 : vector<16xi32>
        %parallel_loop3A_296 = arith.constant 0 : i32
        %parallel_loop3A_297 = arith.constant 0 : i32
        %parallel_loop3A_298 = tpu.memref_slice %arg4[%parallel_loop3A_120, %parallel_loop3A_296, %parallel_loop3A_297] : memref<4x32x129xf32, #tpu.memory_space<vmem>> -> memref<1x32x129xf32, #tpu.memory_space<vmem>>
        %parallel_loop3A_299 = tpu.memref_squeeze %parallel_loop3A_298 : memref<1x32x129xf32, #tpu.memory_space<vmem>> -> memref<32x129xf32, #tpu.memory_space<vmem>>
        %parallel_loop3A_300 = tpu.vector_load_idx %parallel_loop3A_299[%parallel_loop3A_289, %parallel_loop3A_295] : memref<32x129xf32, #tpu.memory_space<vmem>>[vector<16xi32>, vector<16xi32>], vector<16xf32>,
        %parallel_loop3A_301 = arith.constant 0 : i32
        %parallel_loop3A_302 = arith.index_cast %parallel_loop3A_301 : i32 to index
        %parallel_loop3A_303 = arith.index_cast %parallel_loop3A_153 : i32 to index
        %parallel_loop3A_304 = arith.constant 112 : index
        %parallel_loop3A_305 = tpu.vector_load %arg5[%parallel_loop3A_302, %parallel_loop3A_303, %parallel_loop3A_304] {strides = array<i32>} : memref<2x32x128xf32, #tpu.memory_space<vmem>>, vector<16xf32>,
        tpu.vector_store %arg5[%parallel_loop3A_302, %parallel_loop3A_303, %parallel_loop3A_304], %parallel_loop3A_300 {strides = array<i32>} : memref<2x32x128xf32, #tpu.memory_space<vmem>>, vector<16xf32>,
      } {sc.loop_unroll_factor = 4 : i64, sc.parallel_access}
      %add3A_121 = arith.constant 7808 : i32
      %add3A_122 = arith.addi %add3A, %add3A_121 : i32
      %mul3A_123 = arith.constant 32 : i32
      %mul3A_124 = arith.muli %add3A_122, %mul3A_123 : i32
      %dma_start3A_125 = arith.constant 0 : i32
      %dma_start3A_126 = arith.constant 0 : i32
      %dma_start3A_127 = arith.constant 0 : i32
      %dma_start3A_128 = tpu.memref_slice %arg5[%dma_start3A_125, %dma_start3A_126, %dma_start3A_127] : memref<2x32x128xf32, #tpu.memory_space<vmem>> -> memref<1x32x128xf32, #tpu.memory_space<vmem>>
      %dma_start3A_129 = tpu.memref_squeeze %dma_start3A_128 : memref<1x32x128xf32, #tpu.memory_space<vmem>> -> memref<32x128xf32, #tpu.memory_space<vmem>>
      %dma_start3A_130 = arith.constant 0 : i32
      %dma_start3A_131 = tpu.memref_slice %arg3[%mul3A_124, %dma_start3A_130] : memref<250016x128xf32, #tpu.memory_space<hbm>> -> memref<32x128xf32, #tpu.memory_space<hbm>>
      %dma_start3A_132 = arith.constant 0 : i32
      %dma_start3A_133 = tpu.memref_slice %arg3[%mul3A_124, %dma_start3A_132] : memref<250016x128xf32, #tpu.memory_space<hbm>> -> memref<32x128xf32, #tpu.memory_space<hbm>>
      %dma_start3A_134 = arith.constant 0 : i32
      %dma_start3A_135 = arith.constant 0 : i32
      %dma_start3A_136 = tpu.memref_slice %arg5[%dma_start3A_125, %dma_start3A_134, %dma_start3A_135] : memref<2x32x128xf32, #tpu.memory_space<vmem>> -> memref<1x32x128xf32, #tpu.memory_space<vmem>>
      %dma_start3A_137 = tpu.memref_squeeze %dma_start3A_136 : memref<1x32x128xf32, #tpu.memory_space<vmem>> -> memref<32x128xf32, #tpu.memory_space<vmem>>
      tpu.enqueue_dma source(%dma_start3A_137 : memref<32x128xf32, #tpu.memory_space<vmem>>) target(%dma_start3A_133 : memref<32x128xf32, #tpu.memory_space<hbm>>) target_semaphore(%arg10 : memref<!tpu.dma_semaphore, #tpu.memory_space<semaphore_mem>>)
      %dma_wait3A_138 = arith.constant 0 : i32
      %dma_wait3A_139 = arith.constant 0 : i32
      %dma_wait3A_140 = arith.constant 0 : i32
      %dma_wait3A_141 = tpu.memref_slice %arg5[%dma_wait3A_138, %dma_wait3A_139, %dma_wait3A_140] : memref<2x32x128xf32, #tpu.memory_space<vmem>> -> memref<1x32x128xf32, #tpu.memory_space<vmem>>
      %dma_wait3A_142 = tpu.memref_squeeze %dma_wait3A_141 : memref<1x32x128xf32, #tpu.memory_space<vmem>> -> memref<32x128xf32, #tpu.memory_space<vmem>>
      %dma_wait3A_143 = arith.constant 0 : i32
      %dma_wait3A_144 = arith.constant 0 : i32
      %dma_wait3A_145 = tpu.memref_slice %arg3[%dma_wait3A_143, %dma_wait3A_144] : memref<250016x128xf32, #tpu.memory_space<hbm>> -> memref<32x128xf32, #tpu.memory_space<hbm>>
      %dma_wait3A_146 = arith.constant 0 : i32
      %dma_wait3A_147 = arith.constant 0 : i32
      %dma_wait3A_148 = tpu.memref_slice %arg3[%dma_wait3A_146, %dma_wait3A_147] : memref<250016x128xf32, #tpu.memory_space<hbm>> -> memref<32x128xf32, #tpu.memory_space<hbm>>
      %dma_wait3A_149 = arith.constant 0 : i32
      %dma_wait3A_150 = arith.constant 0 : i32
      %dma_wait3A_151 = tpu.memref_slice %arg5[%dma_wait3A_138, %dma_wait3A_149, %dma_wait3A_150] : memref<2x32x128xf32, #tpu.memory_space<vmem>> -> memref<1x32x128xf32, #tpu.memory_space<vmem>>
      %dma_wait3A_152 = tpu.memref_squeeze %dma_wait3A_151 : memref<1x32x128xf32, #tpu.memory_space<vmem>> -> memref<32x128xf32, #tpu.memory_space<vmem>>
      tpu.wait_dma2 semaphore(%arg10 : memref<!tpu.dma_semaphore, #tpu.memory_space<semaphore_mem>>) src(%dma_wait3A_152 : memref<32x128xf32, #tpu.memory_space<vmem>>) dst(%dma_wait3A_148 : memref<32x128xf32, #tpu.memory_space<hbm>>)
    } else {
    }
    return
  }
}

</mosaic_0001>

<sc_bundles>
// kernel: _relayout.3.cloned.1.call-start
scs
__scs_entry_jumppad:
0x0: {  	(pc) =	sbr.rel $0x88, $3  }
0x1: {  	(tag) =	ssettag $0x0;
	lr =	simm.s32 $0x1  }
0x2: {  	[smem:$0x3FA0] =	sst lr;
	_ =	strace $0xD0000000  }
0x3: {  	_ = 	snop  }
0x4: {  	_ = 	snop  }
0x5: {  	_ = 	snop  }
0x6: {  	_ = 	snop  }
0x7: {  	_ = 	snop  }
__scs_overlays_trampoline_lowered:
0x8: {  	[smem:$0x3FAF] =	sst s0  }
0x9: {  	[smem:$0x3FB0] =	sst s1  }
0xa: {  	[smem:$0x3FB1] =	sst s2  }
0xb: {  	[smem:$0x3FB2] =	sst s3  }
0xc: {  	[smem:$0x3FB3] =	sst s4  }
0xd: {  	[smem:$0x3FB4] =	sst s5  }
0xe: {  	[smem:$0x3FB5] =	sst s6  }
0xf: {  	[smem:$0x3FB6] =	sst s7  }
0x10: {  	[smem:$0x3FB7] =	sst s8  }
0x11: {  	[smem:$0x3FB8] =	sst s9;
	s0 =	simm.s32 @!p0 $0x0  }
0x12: {  	s1 =	sld [smem:$0x3F9E];
	s0 =	simm.s32 @p0 $0x1  }
0x13: {  	[smem:$0x3FB9] =	sst s0;
	s0 =	simm.s32 @!p1 $0x0  }
0x14: {  	s2 =	sld [smem:$0x3F9D];
	s0 =	simm.s32 @p1 $0x1  }
0x15: {  	[smem:$0x3FBA] =	sst s0;
	s0 =	simm.s32 @!p2 $0x0  }
0x16: {  	s3 =	sld [smem:$0x3FDB];
	s0 =	simm.s32 @p2 $0x1  }
0x17: {  	s4 =	simm.s32 $0x1BF5;
	[smem:$0x3FBC] =	sst s0  }
0x18: {  	s0 =	sld [smem:$0x3F9F];
	_ =	swait.ge [sflag:s4], $0x0  }
0x19: {  	s7 =	sld [smem:$0x3FA0]  }
0x1a: {  	s8 =	sadd.s32 $0xFFFFE003, lr  }
0x1b: {  	s9 =	sadd.s32 $0xFFFFFEF7, lr;
	s5 =	simm.s32 $0xFFFFFFFF;
	p2 =	slt.u32 s8, $0xFFFFF086  }
0x1c: {  	p1 =	slt.u32 s9, $0xF7A;
	s5 =	simm.s32 @!p2 $0x0  }
0x1d: {  	s5 =	simm.s32 @p1 $0x1;
	p0 =	seq.s32 s7, s2  }
0x1e: {  	s7 =	smul.u32 @!p0 $0xF7A, s2;
	p2 =	seq.s32 @!p0 s5, $0x0  }
0x1f: {  	s9 =	smul.u32 $0xF7A, s1;
	s8 =	simm.s32 @!p0 $0x1BF5;
	p2 =	por !p2, p0  }
0x20: {  	[sflag:s8] =	ssyncset.s32 @!p0 $0xFFFFF086;
	s6 =	sadd.s32 @!p0 s3, s7;
	s7 =	simm.s32 @!p0 $0x108  }
0x21: {  	s3 =	sadd.s32 s3, s9;
	s6 =	sadd.s32 @!p0 $0x88, s6;
	s7 =	simm.s32 @p2 $0x1082  }
0x22: {  	[simem:s7], [sflag:s8] =	dma.local @!p0 [hbm:s6], $0xF7A  }
0x23: {  	s9 =	sor.u32 $0xD0000000, s2;
	s6 =	simm.s32 $0x108;
	_ =	swait.ge @!p0 [sflag:s8], $0x0  }
0x24: {  	s3 =	sadd.s32 $0x88, s3;
	s6 =	simm.s32 @!p1 $0x1082;
	[sflag:s4] =	ssyncset.s32 $0xFFFFF086  }
0x25: {  	[simem:s6], [sflag:s4] =	dma.local [hbm:s3], $0xF7A  }
0x26: {  	[smem:$0x3FA0] =	sst s1;
	(tag) =	ssettag s2;
	_ =	strace s9  }
0x27: {  	s1 =	sld [smem:$0x3FB0]  }
0x28: {  	s2 =	sld [smem:$0x3FB1]  }
0x29: {  	s4 =	sld [smem:$0x3FB3]  }
0x2a: {  	p0 =	seq.s32 s5, $0x0;
	s5 =	sld [smem:$0x3FB4]  }
0x2b: {  	s6 =	sld [smem:$0x3FB5]  }
0x2c: {  	s7 =	sld [smem:$0x3FB6]  }
0x2d: {  	s3 =	simm.s32 $0x108;
	s8 =	sld [smem:$0x3FB7]  }
0x2e: {  	s3 =	simm.s32 @!p0 $0x1082;
	s9 =	sld [smem:$0x3FB8]  }
0x2f: {  	lr =	sadd.s32 s0, s3;
	s0 =	sld [smem:$0x3FAF]  }
0x30: {  	s3 =	sld [smem:$0x3FB2]  }
0x31: {  	[smem:$0x3FBB] =	sst s10  }
0x32: {  	s10 =	sld [smem:$0x3FB9];
	_ =	sdelay $0x3  }
0x33: {  	p0 =	seq.s32 s10, $0x1;
	s10 =	sld [smem:$0x3FBB];
	_ =	sdelay $0x3  }
0x34: {  	[smem:$0x3FBB] =	sst s10  }
0x35: {  	s10 =	sld [smem:$0x3FBA];
	_ =	sdelay $0x3  }
0x36: {  	p1 =	seq.s32 s10, $0x1;
	s10 =	sld [smem:$0x3FBB];
	_ =	sdelay $0x3  }
0x37: {  	[smem:$0x3FBB] =	sst s10  }
0x38: {  	s10 =	sld [smem:$0x3FBC]  }
0x39: {  	_ = 	snop;
	(pc) =	sbr.ind lr, $3  }
0x3a: {  	_ = 	snop  }
0x3b: {  	_ = 	snop  }
0x3c: {  	p2 =	seq.s32 s10, $0x1;
	s10 =	sld [smem:$0x3FBB]  }
0x3d: {  	_ =	shalt  }
0x3e: {  	_ =	shalt  }
0x3f: {  	_ =	shalt  }
0x40: {  	_ =	shalt  }
0x41: {  	_ =	shalt  }
0x42: {  	_ =	shalt  }
0x43: {  	_ =	shalt  }
0x44: {  	_ =	shalt  }
0x45: {  	_ =	shalt  }
0x46: {  	_ =	shalt  }
0x47: {  	_ =	shalt  }
0x48: {  	_ =	shalt  }
0x49: {  	_ =	shalt  }
0x4a: {  	_ =	shalt  }
0x4b: {  	_ =	shalt  }
0x4c: {  	_ =	shalt  }
0x4d: {  	_ =	shalt  }
0x4e: {  	_ =	shalt  }
0x4f: {  	_ =	shalt  }
0x50: {  	_ =	shalt  }
0x51: {  	_ =	shalt  }
0x52: {  	_ =	shalt  }
0x53: {  	_ =	shalt  }
0x54: {  	_ =	shalt  }
0x55: {  	_ =	shalt  }
0x56: {  	_ =	shalt  }
0x57: {  	_ =	shalt  }
0x58: {  	_ =	shalt  }
0x59: {  	_ =	shalt  }
0x5a: {  	_ =	shalt  }
0x5b: {  	_ =	shalt  }
0x5c: {  	_ =	shalt  }
0x5d: {  	_ =	shalt  }
0x5e: {  	_ =	shalt  }
0x5f: {  	_ =	shalt  }
0x60: {  	_ =	shalt  }
0x61: {  	_ =	shalt  }
0x62: {  	_ =	shalt  }
0x63: {  	_ =	shalt  }
0x64: {  	_ =	shalt  }
0x65: {  	_ =	shalt  }
0x66: {  	_ =	shalt  }
0x67: {  	_ =	shalt  }
0x68: {  	_ =	shalt  }
0x69: {  	_ =	shalt  }
0x6a: {  	_ =	shalt  }
0x6b: {  	_ =	shalt  }
0x6c: {  	_ =	shalt  }
0x6d: {  	_ =	shalt  }
0x6e: {  	_ =	shalt  }
0x6f: {  	_ =	shalt  }
0x70: {  	_ =	shalt  }
0x71: {  	_ =	shalt  }
0x72: {  	_ =	shalt  }
0x73: {  	_ =	shalt  }
0x74: {  	_ =	shalt  }
0x75: {  	_ =	shalt  }
0x76: {  	_ =	shalt  }
0x77: {  	_ =	shalt  }
0x78: {  	_ =	shalt  }
0x79: {  	_ =	shalt  }
0x7a: {  	_ =	shalt  }
0x7b: {  	_ =	shalt  }
0x7c: {  	_ =	shalt  }
0x7d: {  	_ =	shalt  }
0x7e: {  	_ =	shalt  }
0x7f: {  	_ =	shalt  }
0x80: {  	_ =	shalt  }
0x81: {  	_ =	shalt  }
0x82: {  	_ =	shalt  }
0x83: {  	_ =	shalt  }
0x84: {  	_ =	shalt  }
0x85: {  	_ =	shalt  }
0x86: {  	_ =	shalt  }
0x87: {  	_ =	shalt  }
.Lfunc_end0:
.L_simem_size_0:
called_computation_lowered:
.L_overlay_start_0:
0x88: {  	s2 =	sld [smem:$0x3FD9]  }
0x89: {  	s3 =	sld [smem:$0x3FFE];
	_ =	sdelay $0x1  }
0x8a: {  	s1 =	srdreg.scid  }
0x8b: {  	s0 =	sand.u32 $0x1, s1  }
0x8c: {  	s18 =	sshll.u32 s0, $0xA;
	s2 =	sadd.s32 s3, s2  }
0x8d: {  	s2 =	sadd.s32 s2, s18  }
0x8e: {  	[smem:$0x3FC7] =	sst s2  }
0x8f: {  	_ = 	snop  }
0x90: {  	s2 =	sld [smem:$0x3FC9]  }
0x91: {  	s19 =	sld [smem:$0x3FD0];
	(tm) =	ssettm $0x1  }
0x92: {  	s4 =	sld [smem:$0x3FFB];
	_ =	sdelay $0x3  }
0x93: {  	_ =	strace s4  }
0x94: {  	s4 =	sld [smem:$0x3FFC];
	_ =	sdelay $0x3  }
0x95: {  	_ =	strace s4  }
0x96: {  	s4 =	sld [smem:$0x3FFD];
	_ =	sdelay $0x3  }
0x97: {  	_ =	strace s4  }
0x98: {  	_ =	strace $0x8FFFFFFF  }
0x99: {  	s20 =	sld [smem:$0x3FDB];
	_ =	sdelay $0x1  }
0x9a: {  	s5 =	simm.s32 $_scs_section_size  }
0x9b: {  	s6 =	simm.s32 $_size__tile_overlayer_lowered;
	s7 =	simm.s32 $_tile_overlayer_lowered  }
0x9c: {  	s23 =	simm.s32 $0x1BFF;
	s22 =	sshll.u32 s7, $0x1;
	s4 =	sadd.s32 s5, s20  }
0x9d: {  	s8 =	simm.s32 $0x0;
	s21 =	sshll.u32 s6, $0x1;
	s6 =	sadd.s32 s22, s4  }
0x9e: {  	[timem:s8], [sflag:s23] =	dma.local [hbm:s6], s21  }
0x9f: {  	_ =	swait.ge [sflag:s23], s21  }
0xa0: {  	s5 =	ssub.s32 $0x0, s21;
	[sflag:s23] =	ssyncset.done $0x0  }
0xa1: {  	[sflag:s23] =	ssyncadd.s32 s5;
	_ =	sdelay $0x1  }
0xa2: {  	s24 =	simm.s32 $0x1B8B  }
0xa3: {  	_ =	swait.ge [sflag:s24], $0x1  }
0xa4: {  	[sflag:s24] =	ssyncset.done $0x0  }
0xa5: {  	s25 =	simm.s32 $0x1B8E;
	[sflag:s24] =	ssyncadd.s32 $0xFFFFFFFF  }
0xa6: {  	s26 =	simm.s32 $execute0_lowered;
	[smem:$0x3FD2] =	sst s25  }
0xa7: {  	s5 =	sshll.u32 s26, $0x1;
	_ =	strace $0x80000046;
	[dreg:$0x1] =	wrdreg $0xFFFFFFFF  }
0xa8: {  	s28 =	simm.s32 $_size_execute0_lowered;
	s4 =	sadd.s32 s4, s5;
	[dreg:$0x0] =	wrdreg $0x0  }
0xa9: {  	s5 =	sshll.u32 s28, $0x1;
	[dreg:$0x2] =	wrdreg s4  }
0xaa: {  	[dreg:$0x3] =	wrdreg s5  }
0xab: {  	[dreg:$0x4] =	wrdreg $0xC0  }
0xac: {  	_ =	task [dreg:s8], $0x5FFFF  }
0xad: {  	[dreg:$0x1] =	wrdreg $0xFFFFFFFF  }
0xae: {  	[dreg:$0x0] =	wrdreg $0x60  }
0xaf: {  	[dreg:$0x2] =	wrdreg s2  }
0xb0: {  	[dreg:$0x3] =	wrdreg s19  }
0xb1: {  	[dreg:$0x4] =	wrdreg $0x9  }
0xb2: {  	_ =	task.clear_ibuf [dreg:s8], $0x5FFFF;
	_ =	strace $0x90000046  }
0xb3: {  	s29 =	simm.s32 $0x9;
	_ =	strace $0x80000048  }
0xb4: {  	_ =	swait.ge [sflag:s29], $0x1  }
0xb5: {  	[sflag:s29] =	ssyncadd.s32 $0xFFFFFFFF  }
0xb6: {  	_ =	strace $0x90000048  }
0xb7: {  	_ =	sfence  }
0xb8: {  	s30 =	sld [smem:$0x0];
	_ =	sdelay $0x2  }
0xb9: {  	s31 =	sshll.u32 s1, $0xD;
	s1 =	sshrl.u32 s1, $0x2  }
0xba: {  	s3 =	sand.u32 $0x4000, s31;
	s1 =	sadd.s32 s1, s30  }
0xbb: {  	s0 =	sor.u32 s3, s0;
	s1 =	sshll.u32 s1, $0x11  }
0xbc: {  	s0 =	sor.u32 s1, s0  }
0xbd: {  	s0 =	sadd.s32 $0x8F2B, s0  }
0xbe: {  	[sflag:s0] =	ssyncadd.remote.s32 $0x1  }
0xbf: {  	_ =	sfence.sel $0xFFFF  }
0xc0: {  	[dreg:$0x0] =	wrdreg $0xFFFFFFFF;
	(pc) =	sbr.abs _section_cstart, $3  }
0xc1: {  	[dreg:$0x1] =	wrdreg $0xFFFFFFFF  }
0xc2: {  	_ =	task.clear_ibuf [dreg:s8], $0x2FFFF;
	_ =	strace $0x9FFFFFFF  }
0xc3: {  	(tm) =	ssettm $0x7FFFFFFF  }
tec
execute0_lowered:
.L_overlay_start_1:
0x0: {  	(tag) =	ssettag $0x1  }
0x1: {  	v0 =	vimm.s32 $0xB80;
	vm14 =	vcmask $0x300  }
0x2: {  	v1 =	vimm.s32 $0x1B80;
	vm13 =	vcmask $0x704;
	vm12 =	vcmask $0xB08  }
0x3: {  	vm11 =	vcmask $0xF0C;
	vm10 =	vcmask $0x1310;
	vm9 =	vcmask $0x1714  }
0x4: {  	vm8 =	vcmask $0x1B18;
	vm7 =	vcmask $0x1F1C;
	vm6 =	vcmask $0x2320  }
0x5: {  	vm5 =	vcmask $0x2724;
	vm4 =	vcmask $0x2B28;
	vm3 =	vcmask $0x2F2C  }
0x6: {  	vm2 =	vcmask $0x3330;
	vm1 =	vcmask $0x3734;
	vm0 =	vcmask $0x3B38  }
0x7: {  	v2 =	vimm.s32 $0xB81;
	v3 =	vimm.s32 $0x1B81;
	v4 =	vimm.s32 $0xB82  }
0x8: {  	v5 =	vimm.s32 $0x1B82;
	v6 =	vimm.s32 $0xB83;
	v7 =	vimm.s32 $0x1B83  }
0x9: {  	v0 =	vsel vm14, $0x0, v0;
	v1 =	vsel vm14, $0x1000, v1;
	v2 =	vsel vm14, $0x1, v2  }
0xa: {  	v3 =	vsel vm14, $0x1001, v3;
	v4 =	vsel vm14, $0x2, v4;
	v5 =	vsel vm14, $0x1002, v5  }
0xb: {  	v6 =	vsel vm14, $0x3, v6;
	v7 =	vsel vm14, $0x1003, v7;
	v0 =	vsel vm13, $0x80, v0  }
0xc: {  	v1 =	vsel vm13, $0x1080, v1;
	v2 =	vsel vm13, $0x81, v2;
	v3 =	vsel vm13, $0x1081, v3  }
0xd: {  	v4 =	vsel vm13, $0x82, v4;
	v5 =	vsel vm13, $0x1082, v5;
	v6 =	vsel vm13, $0x83, v6  }
0xe: {  	v7 =	vsel vm13, $0x1083, v7;
	v0 =	vsel vm12, $0x100, v0;
	v1 =	vsel vm12, $0x1100, v1  }
0xf: {  	v2 =	vsel vm12, $0x101, v2;
	v3 =	vsel vm12, $0x1101, v3;
	v4 =	vsel vm12, $0x102, v4  }
0x10: {  	v5 =	vsel vm12, $0x1102, v5;
	v6 =	vsel vm12, $0x103, v6;
	v7 =	vsel vm12, $0x1103, v7  }
0x11: {  	v0 =	vsel vm11, $0x180, v0;
	v1 =	vsel vm11, $0x1180, v1;
	v2 =	vsel vm11, $0x181, v2  }
0x12: {  	v3 =	vsel vm11, $0x1181, v3;
	v4 =	vsel vm11, $0x182, v4;
	v5 =	vsel vm11, $0x1182, v5  }
0x13: {  	v6 =	vsel vm11, $0x183, v6;
	v7 =	vsel vm11, $0x1183, v7;
	v0 =	vsel vm10, $0x200, v0  }
0x14: {  	v1 =	vsel vm10, $0x1200, v1;
	v2 =	vsel vm10, $0x201, v2;
	v3 =	vsel vm10, $0x1201, v3  }
0x15: {  	v4 =	vsel vm10, $0x202, v4;
	v5 =	vsel vm10, $0x1202, v5;
	v6 =	vsel vm10, $0x203, v6  }
0x16: {  	v7 =	vsel vm10, $0x1203, v7;
	v0 =	vsel vm9, $0x280, v0;
	v1 =	vsel vm9, $0x1280, v1  }
0x17: {  	v2 =	vsel vm9, $0x281, v2;
	v3 =	vsel vm9, $0x1281, v3;
	v4 =	vsel vm9, $0x282, v4  }
0x18: {  	v5 =	vsel vm9, $0x1282, v5;
	v6 =	vsel vm9, $0x283, v6;
	v7 =	vsel vm9, $0x1283, v7  }
0x19: {  	s0 =	srdreg.scid;
	s3 =	stileid.u32;
	v0 =	vsel vm8, $0x300, v0;
	v1 =	vsel vm8, $0x1300, v1;
	v2 =	vsel vm8, $0x301, v2  }
0x1a: {  	s1 =	rddreg [dreg:$0x0];
	s2 =	sand.u32 $0x1, s0;
	s10 =	sshll.u32 s3, $0x1;
	v3 =	vsel vm8, $0x1301, v3;
	v4 =	vsel vm8, $0x302, v4;
	v5 =	vsel vm8, $0x1302, v5  }
0x1b: {  	s6 =	rddreg [dreg:$0x1];
	s3 =	simm.s32 $0x0;
	s0 =	sor.u32 s2, s10;
	v6 =	vsel vm8, $0x303, v6;
	v7 =	vsel vm8, $0x1303, v7;
	v0 =	vsel vm7, $0x380, v0  }
0x1c: {  	[smem:$0x7FF] =	sst s3;
	s4 =	sshll.u32 s0, $0x7;
	s8 =	sshll.u32 s0, $0x9;
	v1 =	vsel vm7, $0x1380, v1;
	v2 =	vsel vm7, $0x381, v2;
	v3 =	vsel vm7, $0x1381, v3  }
0x1d: {  	_ =	strace $0x80000047;
	s7 =	sadd.s32 s1, s4;
	[dreg:$0x6] =	wrdreg s8;
	v4 =	vsel vm7, $0x382, v4;
	v5 =	vsel vm7, $0x1382, v5;
	v6 =	vsel vm7, $0x383, v6  }
0x1e: {  	s4 =	sadd.s32 $0x1000, s7;
	[dreg:$0x3] =	wrdreg s7;
	v7 =	vsel vm7, $0x1383, v7;
	v0 =	vsel vm6, $0x800, v0;
	v1 =	vsel vm6, $0x1800, v1  }
0x1f: {  	s11 =	sadd.s32 $0x2000, s7;
	[dreg:$0x4] =	wrdreg s4;
	v2 =	vsel vm6, $0x801, v2;
	v3 =	vsel vm6, $0x1801, v3;
	v4 =	vsel vm6, $0x802, v4  }
0x20: {  	s28 =	simm.s32 $0x2000;
	s12 =	sadd.s32 $0x4000, s7;
	[dreg:$0x5] =	wrdreg s11;
	v5 =	vsel vm6, $0x1802, v5;
	v6 =	vsel vm6, $0x803, v6;
	v7 =	vsel vm6, $0x1803, v7  }
0x21: {  	s31 =	simm.s32 $0x1;
	s13 =	sadd.s32 $0x5000, s7;
	[dreg:$0x7] =	wrdreg s12;
	v0 =	vsel vm5, $0x880, v0;
	v1 =	vsel vm5, $0x1880, v1;
	v2 =	vsel vm5, $0x881, v2  }
0x22: {  	s30 =	simm.s32 $0x8000;
	s14 =	sadd.s32 $0x6000, s7;
	[dreg:$0x8] =	wrdreg s13;
	v3 =	vsel vm5, $0x1881, v3;
	v4 =	vsel vm5, $0x882, v4;
	v5 =	vsel vm5, $0x1882, v5  }
0x23: {  	s2 =	ssub.s32 $0x2, s2;
	s16 =	sadd.s32 $0x1E8500, s7;
	[dreg:$0x9] =	wrdreg s14;
	v6 =	vsel vm5, $0x883, v6;
	v7 =	vsel vm5, $0x1883, v7;
	v0 =	vsel vm4, $0x900, v0  }
0x24: {  	s5 =	sshrl.u32 s2, $0x1;
	s18 =	sadd.s32 $0x2DC780, s7;
	[dreg:$0xa] =	wrdreg s16;
	v1 =	vsel vm4, $0x1900, v1;
	v2 =	vsel vm4, $0x901, v2;
	v3 =	vsel vm4, $0x1901, v3  }
0x25: {  	s15 =	sor.u32 $0x1E80, s0;
	s19 =	sadd.s32 $0xF4280, s7;
	[dreg:$0xb] =	wrdreg s18;
	v4 =	vsel vm4, $0x902, v4;
	v5 =	vsel vm4, $0x1902, v5;
	v6 =	vsel vm4, $0x903, v6  }
0x26: {  	p0 =	sgt.u32 s0, $0x4;
	s20 =	sadd.s32 $0x1E9500, s7;
	[dreg:$0xc] =	wrdreg s19;
	v7 =	vsel vm4, $0x1903, v7;
	v0 =	vsel vm3, $0x980, v0;
	v1 =	vsel vm3, $0x1980, v1  }
0x27: {  	s2 =	ssub.s32 s2, s5;
	s21 =	sadd.s32 $0xF5280, s7;
	[dreg:$0xd] =	wrdreg s20;
	v2 =	vsel vm3, $0x981, v2;
	v3 =	vsel vm3, $0x1981, v3;
	v4 =	vsel vm3, $0x982, v4  }
0x28: {  	s17 =	sshll.u32 s15, $0x9;
	s22 =	sadd.s32 $0x2DD780, s7;
	[dreg:$0xf] =	wrdreg s21;
	v5 =	vsel vm3, $0x1982, v5;
	v6 =	vsel vm3, $0x983, v6;
	v7 =	vsel vm3, $0x1983, v7  }
0x29: {  	s23 =	sadd.s32 s6, s17;
	s24 =	sadd.s32 $0xF6280, s7;
	[dreg:$0x10] =	wrdreg s22;
	v0 =	vsel vm2, $0xA00, v0;
	v1 =	vsel vm2, $0x1A00, v1;
	v2 =	vsel vm2, $0xA01, v2  }
0x2a: {  	s25 =	sadd.s32 $0x1EA500, s7;
	s26 =	smax.u32 s2, $0x1;
	[dreg:$0x11] =	wrdreg s23;
	v3 =	vsel vm2, $0x1A01, v3;
	v4 =	vsel vm2, $0xA02, v4;
	v5 =	vsel vm2, $0x1A02, v5  }
0x2b: {  	s29 =	sadd.s32 $0x2DE780, s7;
	s17 =	simm.s32 $0x6;
	[dreg:$0x12] =	wrdreg s24;
	v6 =	vsel vm2, $0xA03, v6;
	v7 =	vsel vm2, $0x1A03, v7;
	v0 =	vsel vm1, $0xA80, v0  }
.Ltmp0:
0x2c: {  	s2 =	simm.s32 $0x0;
	[dreg:$0x13] =	wrdreg s25;
	v1 =	vsel vm1, $0x1A80, v1;
	v2 =	vsel vm1, $0xA81, v2;
	v3 =	vsel vm1, $0x1A81, v3;
	(pc) =	sbr.rel .LBB2_1-.Ltmp0, $4  }
0x2d: {  	s12 =	sadd.s32 s6, s8;
	s4 =	sshll.u32 s15, $0x7;
	[dreg:$0x14] =	wrdreg s26;
	v4 =	vsel vm1, $0xA82, v4;
	v5 =	vsel vm1, $0x1A82, v5;
	v6 =	vsel vm1, $0xA83, v6  }
0x2e: {  	[dreg:$0x15] =	wrdreg s29;
	s24 =	simm.s32 $0x6000;
	s6 =	simm.s32 $0x2;
	v7 =	vsel vm1, $0x1A83, v7;
	v0 =	vsel vm0, $0xB00, v0;
	v1 =	vsel vm0, $0x1B00, v1  }
0x2f: {  	s13 =	simm.s32 $0x3;
	s14 =	simm.s32 $0x5;
	s1 =	sadd.s32 s1, s4;
	v2 =	vsel vm0, $0xB01, v2;
	v3 =	vsel vm0, $0x1B01, v3;
	v4 =	vsel vm0, $0xB02, v4  }
0x30: {  	s15 =	simm.s32 $0x4;
	[dreg:$0xe] =	wrdreg s1;
	s1 =	simm.s32 $0x4000;
	v5 =	vsel vm0, $0x1B02, v5;
	v6 =	vsel vm0, $0xB03, v6;
	v7 =	vsel vm0, $0x1B03, v7  }
.LBB2_16:
0x31: {  	s2 =	sadd.s32 $0x1, s2;
	s0 =	rddreg [dreg:$0x14]  }
0x32: {  	p1 =	sne.s32 s2, s0  }
.Ltmp1:
0x33: {  	_ = 	snop;
	(pc) =	sbr.rel @!p1 .LBB2_17-.Ltmp1, $1  }
0x34: {  	_ =	sdelay $0x3  }
.LBB2_1:
0x35: {  	[dreg:$0x16] =	wrdreg s2  }
0x36: {  	s0 =	rddreg [dreg:$0x3]  }
0x37: {  	[tilespmem:s3], [sflag:$0x1] =	stream.linear.gather [hbm4b:s0+s3], $0x400, $0x38;
	[tilespmem:$0xA000] =	vst v63  }
0x38: {  	s26 =	rddreg [dreg:$0xc];
	s29 =	simm.s32 $0x800  }
0x39: {  	[tilespmem:s29], [sflag:$0x1] =	stream.linear.gather [hbm4b:s26+s3], $0x400, $0x38;
	[tilespmem:$0xA000] =	vst v63  }
0x3a: {  	s2 =	rddreg [dreg:$0xa];
	s4 =	simm.s32 $0x1000  }
0x3b: {  	[tilespmem:s4], [sflag:$0x1] =	stream.linear.gather [hbm4b:s2+s3], $0x400, $0x38;
	[tilespmem:$0xA000] =	vst v63  }
0x3c: {  	s5 =	rddreg [dreg:$0xb];
	s7 =	simm.s32 $0x1800  }
0x3d: {  	[tilespmem:s7], [sflag:$0x1] =	stream.linear.gather [hbm4b:s5+s3], $0x400, $0x38;
	[tilespmem:$0xA000] =	vst v63  }
0x3e: {  	s8 =	rddreg [dreg:$0x4]  }
0x3f: {  	[tilespmem:s28], [sflag:$0x2] =	stream.linear.gather [hbm4b:s8+s3], $0x400, $0x38;
	[tilespmem:$0xA000] =	vst v63  }
0x40: {  	s9 =	rddreg [dreg:$0xf];
	s10 =	simm.s32 $0x2800  }
0x41: {  	[tilespmem:s10], [sflag:$0x2] =	stream.linear.gather [hbm4b:s9+s3], $0x400, $0x38;
	[tilespmem:$0xA000] =	vst v63  }
0x42: {  	s11 =	rddreg [dreg:$0xd];
	s16 =	simm.s32 $0x3000  }
0x43: {  	[tilespmem:s16], [sflag:$0x2] =	stream.linear.gather [hbm4b:s11+s3], $0x400, $0x38;
	[tilespmem:$0xA000] =	vst v63  }
0x44: {  	s18 =	rddreg [dreg:$0x10];
	s19 =	simm.s32 $0x3800  }
0x45: {  	[tilespmem:s19], [sflag:$0x2] =	stream.linear.gather [hbm4b:s18+s3], $0x400, $0x38;
	[tilespmem:$0xA000] =	vst v63  }
0x46: {  	s20 =	rddreg [dreg:$0x5]  }
0x47: {  	[tilespmem:s1], [sflag:$0x3] =	stream.linear.gather [hbm4b:s20+s3], $0x400, $0x38;
	[tilespmem:$0xA000] =	vst v63  }
0x48: {  	s21 =	rddreg [dreg:$0x12];
	s22 =	simm.s32 $0x4800  }
0x49: {  	[tilespmem:s22], [sflag:$0x3] =	stream.linear.gather [hbm4b:s21+s3], $0x400, $0x38;
	[tilespmem:$0xA000] =	vst v63  }
0x4a: {  	s23 =	rddreg [dreg:$0x13];
	s25 =	simm.s32 $0x5000  }
0x4b: {  	[tilespmem:s25], [sflag:$0x3] =	stream.linear.gather [hbm4b:s23+s3], $0x400, $0x38;
	[tilespmem:$0xA000] =	vst v63  }
0x4c: {  	s26 =	rddreg [dreg:$0x15];
	s29 =	simm.s32 $0x5800;
	s20 =	simm.s32 $0x0  }
0x4d: {  	[tilespmem:s29], [sflag:$0x3] =	stream.linear.gather [hbm4b:s26+s3], $0x400, $0x38;
	[tilespmem:$0xA000] =	vst v63  }
.LBB2_2:
0x4e: {  	_ =	swait.ge [sflag:s31], $0x1000;
	s7 =	simm.s32 $0x8  }
0x4f: {  	p1 =	seq.s32 s20, $0x0;
	[sflag:s31] =	ssyncset.done $0x0;
	v8 =	vor.u32 s7, v0  }
0x50: {  	s9 =	simm.s32 $0x0;
	s0 =	simm.s32 @!p1 $0x5;
	[sflag:s31] =	ssyncadd.s32 $0xFFFFF000  }
0x51: {  	s8 =	simm.s32 $0x4;
	v9 =	vor.u32 s9, v0;
	_ =	swait.ge @!p1 [sflag:s0], $0x1000  }
0x52: {  	v10 =	vor.u32 s8, v0;
	[sflag:s0] =	ssyncset.done @!p1 $0x0  }
0x53: {  	[sflag:s0] =	ssyncadd.s32 @!p1 $0xFFFFF000  }
0x54: {  	v8 =	vld.idx.msk [tilespmem:v8+s3+$0x0], $0xffff  }
0x55: {  	v11 =	vor.u32 s7, v1  }
0x56: {  	v9 =	vld.idx.msk [tilespmem:v9+s3+$0x0], $0xffff  }
0x57: {  	v10 =	vld.idx.msk [tilespmem:v10+s3+$0x0], $0xffff  }
0x58: {  	s26 =	simm.s32 $0x8100;
	v13 =	vor.u32 s8, v1  }
0x59: {  	v12 =	vor.u32 s9, v1;
	[tilespmem:s26+$0x0] =	vst v8  }
0x5a: {  	s29 =	simm.s32 $0xC;
	v8 =	vld.idx.msk [tilespmem:v11+s3+$0x0], $0xffff  }
0x5b: {  	[tilespmem:s26+$0xFFFFFF00] =	vst v9;
	v11 =	vor.u32 s29, v0  }
0x5c: {  	s0 =	simm.s32 $0x14;
	v9 =	vor.u32 s7, v2;
	[tilespmem:s26+$0xFFFFFF80] =	vst v10  }
0x5d: {  	v18 =	vor.u32 s0, v0;
	v13 =	vld.idx.msk [tilespmem:v13+s3+$0x0], $0xffff  }
0x5e: {  	s21 =	simm.s32 $0x10;
	v14 =	vor.u32 s8, v2;
	v12 =	vld.idx.msk [tilespmem:v12+s3+$0x0], $0xffff  }
0x5f: {  	[tilespmem:s26+$0x10] =	vst v8;
	v8 =	vor.u32 s21, v0  }
0x60: {  	s2 =	simm.s32 $0x18;
	v10 =	vor.u32 s9, v2;
	v11 =	vld.idx.msk [tilespmem:v11+s3+$0x0], $0xffff  }
0x61: {  	v15 =	vor.u32 s2, v0;
	v9 =	vld.idx.msk [tilespmem:v9+s3+$0x0], $0xffff  }
0x62: {  	v16 =	vor.u32 s29, v1;
	v18 =	vld.idx.msk [tilespmem:v18+s3+$0x0], $0xffff;
	[tilespmem:s26+$0xFFFFFF90] =	vst v13  }
0x63: {  	[tilespmem:s26+$0xFFFFFF10] =	vst v12;
	v12 =	vor.u32 s7, v3;
	v14 =	vld.idx.msk [tilespmem:v14+s3+$0x0], $0xffff  }
0x64: {  	v17 =	vor.u32 s8, v3;
	v8 =	vld.idx.msk [tilespmem:v8+s3+$0x0], $0xffff  }
0x65: {  	v19 =	vor.u32 s21, v1;
	v10 =	vld.idx.msk [tilespmem:v10+s3+$0x0], $0xffff;
	[tilespmem:s26+$0x80] =	vst v11  }
0x66: {  	s16 =	simm.s32 $0x8300;
	v20 =	vor.u32 s0, v1;
	[tilespmem:s26+$0x20] =	vst v9;
	v9 =	vld.idx.msk [tilespmem:v15+s3+$0x0], $0xffff  }
0x67: {  	[tilespmem:s16+$0xFFFFFF80] =	vst v18;
	v11 =	vor.u32 s2, v1;
	v15 =	vld.idx.msk [tilespmem:v16+s3+$0x0], $0xffff  }
0x68: {  	[tilespmem:s26+$0xFFFFFFA0] =	vst v14;
	v14 =	vor.u32 s29, v2;
	v12 =	vld.idx.msk [tilespmem:v12+s3+$0x0], $0xffff  }
0x69: {  	s18 =	simm.s32 $0x1C;
	v16 =	vor.u32 s7, v4;
	v17 =	vld.idx.msk [tilespmem:v17+s3+$0x0], $0xffff;
	[tilespmem:s16+$0xFFFFFF00] =	vst v8  }
0x6a: {  	v13 =	vor.u32 s18, v0;
	[tilespmem:s26+$0xFFFFFF20] =	vst v10;
	v10 =	vld.idx.msk [tilespmem:v19+s3+$0x0], $0xffff  }
0x6b: {  	[tilespmem:s16+$0x0] =	vst v9;
	v9 =	vor.u32 s9, v3;
	v19 =	vld.idx.msk [tilespmem:v20+s3+$0x0], $0xffff  }
0x6c: {  	[tilespmem:s26+$0x90] =	vst v15;
	v20 =	vor.u32 s8, v4;
	v11 =	vld.idx.msk [tilespmem:v11+s3+$0x0], $0xffff  }
0x6d: {  	v15 =	vor.u32 s2, v2;
	[tilespmem:s26+$0x30] =	vst v12;
	v8 =	vld.idx.msk [tilespmem:v14+s3+$0x0], $0xffff  }
0x6e: {  	v12 =	vld.idx.msk [tilespmem:v16+s3+$0x0], $0xffff;
	v16 =	vor.u32 s29, v3  }
0x6f: {  	v13 =	vld.idx.msk [tilespmem:v13+s3+$0x0], $0xffff;
	v14 =	vor.u32 s7, v5;
	[tilespmem:s26+$0xFFFFFFB0] =	vst v17  }
0x70: {  	v18 =	vor.u32 s21, v2;
	v9 =	vld.idx.msk [tilespmem:v9+s3+$0x0], $0xffff;
	[tilespmem:s16+$0xFFFFFF10] =	vst v10  }
0x71: {  	s22 =	simm.s32 $0x20;
	v20 =	vld.idx.msk [tilespmem:v20+s3+$0x0], $0xffff;
	[tilespmem:s16+$0x10] =	vst v11;
	v11 =	vor.u32 s9, v4  }
0x72: {  	s23 =	simm.s32 $0x2C;
	[tilespmem:s26+$0xA0] =	vst v8;
	v8 =	vor.u32 s22, v0;
	v15 =	vld.idx.msk [tilespmem:v15+s3+$0x0], $0xffff  }
0x73: {  	v17 =	vor.u32 s23, v0;
	[tilespmem:s26+$0x40] =	vst v12;
	v10 =	vld.idx.msk [tilespmem:v16+s3+$0x0], $0xffff  }
0x74: {  	v12 =	vor.u32 s0, v2;
	v14 =	vld.idx.msk [tilespmem:v14+s3+$0x0], $0xffff  }
0x75: {  	v16 =	vor.u32 s18, v1;
	[tilespmem:s26+$0xFFFFFF30] =	vst v9;
	v9 =	vld.idx.msk [tilespmem:v18+s3+$0x0], $0xffff  }
0x76: {  	[tilespmem:s16+$0xFFFFFF90] =	vst v19;
	v19 =	vor.u32 s2, v3;
	v11 =	vld.idx.msk [tilespmem:v11+s3+$0x0], $0xffff  }
0x77: {  	[tilespmem:s16+$0x80] =	vst v13;
	v18 =	vor.u32 s29, v4;
	v21 =	vld.idx.msk [tilespmem:v8+s3+$0x0], $0xffff  }
0x78: {  	v22 =	vor.u32 s8, v5;
	[tilespmem:s26+$0xFFFFFFC0] =	vst v20;
	v8 =	vld.idx.msk [tilespmem:v17+s3+$0x0], $0xffff  }
0x79: {  	s5 =	simm.s32 $0x28;
	v13 =	vor.u32 s9, v5;
	v12 =	vld.idx.msk [tilespmem:v12+s3+$0x0], $0xffff;
	[tilespmem:s26+$0xB0] =	vst v10  }
0x7a: {  	v16 =	vld.idx.msk [tilespmem:v16+s3+$0x0], $0xffff;
	v10 =	vor.u32 s5, v0;
	[tilespmem:s16+$0x20] =	vst v15  }
0x7b: {  	s10 =	simm.s32 $0x24;
	v17 =	vor.u32 s0, v3;
	v15 =	vld.idx.msk [tilespmem:v19+s3+$0x0], $0xffff;
	[tilespmem:s26+$0x50] =	vst v14  }
0x7c: {  	[tilespmem:s16+$0xFFFFFF20] =	vst v9;
	v9 =	vld.idx.msk [tilespmem:v18+s3+$0x0], $0xffff;
	v18 =	vor.u32 s10, v0  }
0x7d: {  	s25 =	simm.s32 $0x8500;
	v20 =	vld.idx.msk [tilespmem:v22+s3+$0x0], $0xffff;
	v19 =	vor.u32 s22, v1;
	[tilespmem:s26+$0xFFFFFF40] =	vst v11  }
0x7e: {  	v11 =	vor.u32 s29, v5;
	[tilespmem:s25+$0xFFFFFF00] =	vst v21;
	v13 =	vld.idx.msk [tilespmem:v13+s3+$0x0], $0xffff  }
0x7f: {  	v21 =	vor.u32 s8, v6;
	v10 =	vld.idx.msk [tilespmem:v10+s3+$0x0], $0xffff;
	[tilespmem:s16+$0xFFFFFFA0] =	vst v12  }
0x80: {  	v12 =	vor.u32 s9, v6;
	[tilespmem:s16+$0x90] =	vst v16;
	v17 =	vld.idx.msk [tilespmem:v17+s3+$0x0], $0xffff  }
0x81: {  	[tilespmem:s16+$0x30] =	vst v15;
	v15 =	vor.u32 s7, v6;
	v16 =	vld.idx.msk [tilespmem:v18+s3+$0x0], $0xffff  }
0x82: {  	v14 =	vor.u32 s21, v3;
	[tilespmem:s26+$0xC0] =	vst v9;
	v18 =	vld.idx.msk [tilespmem:v19+s3+$0x0], $0xffff  }
0x83: {  	[tilespmem:s26+$0xFFFFFFD0] =	vst v20;
	v9 =	vor.u32 s5, v1;
	v11 =	vld.idx.msk [tilespmem:v11+s3+$0x0], $0xffff  }
0x84: {  	v19 =	vor.u32 s2, v4;
	v20 =	vld.idx.msk [tilespmem:v21+s3+$0x0], $0xffff;
	[tilespmem:s26+$0xFFFFFF50] =	vst v13  }
0x85: {  	v13 =	vor.u32 s29, v6;
	v12 =	vld.idx.msk [tilespmem:v12+s3+$0x0], $0xffff  }
0x86: {  	v21 =	vor.u32 s9, v7;
	[tilespmem:s25+$0x0] =	vst v10;
	v22 =	vld.idx.msk [tilespmem:v15+s3+$0x0], $0xffff  }
0x87: {  	v10 =	vor.u32 s18, v2;
	[tilespmem:s16+$0xFFFFFFB0] =	vst v17;
	v17 =	vld.idx.msk [tilespmem:v14+s3+$0x0], $0xffff  }
0x88: {  	v23 =	vor.u32 s10, v1;
	v9 =	vld.idx.msk [tilespmem:v9+s3+$0x0], $0xffff;
	[tilespmem:s25+$0xFFFFFF80] =	vst v16  }
0x89: {  	v19 =	vld.idx.msk [tilespmem:v19+s3+$0x0], $0xffff;
	[tilespmem:s26+$0xD0] =	vst v11;
	v11 =	vor.u32 s8, v7  }
0x8a: {  	v16 =	vor.u32 s7, v7;
	v13 =	vld.idx.msk [tilespmem:v13+s3+$0x0], $0xffff;
	[tilespmem:s26+$0xFFFFFF60] =	vst v12  }
0x8b: {  	[tilespmem:s25+$0xFFFFFF10] =	vst v18;
	v12 =	vld.idx.msk [tilespmem:v21+s3+$0x0], $0xffff;
	v21 =	vor.u32 s29, v7  }
0x8c: {  	v25 =	vor.u32 s5, v2;
	[tilespmem:s26+$0xFFFFFFE0] =	vst v20;
	v24 =	vld.idx.msk [tilespmem:v10+s3+$0x0], $0xffff  }
0x8d: {  	v14 =	vor.u32 s2, v5;
	v18 =	vld.idx.msk [tilespmem:v23+s3+$0x0], $0xffff;
	[tilespmem:s26+$0x60] =	vst v22  }
0x8e: {  	v23 =	vor.u32 s18, v3;
	[tilespmem:s25+$0x10] =	vst v9;
	v15 =	vld.idx.msk [tilespmem:v11+s3+$0x0], $0xffff  }
0x8f: {  	v22 =	vor.u32 s22, v2;
	v16 =	vld.idx.msk [tilespmem:v16+s3+$0x0], $0xffff;
	[tilespmem:s26+$0xE0] =	vst v13  }
0x90: {  	v10 =	vor.u32 s0, v4;
	[tilespmem:s16+$0x40] =	vst v19;
	v20 =	vld.idx.msk [tilespmem:v21+s3+$0x0], $0xffff;
	v21 =	vor.u32 s21, v4  }
0x91: {  	s7 =	sshll.u32 s20, $0x2;
	s8 =	simm.s32 $0x8;
	s29 =	simm.s32 $0x30;
	v9 =	vor.u32 s10, v4;
	v19 =	vor.u32 s10, v2;
	v11 =	vor.u32 s23, v1;
	v13 =	vld.idx.msk [tilespmem:v25+s3+$0x0], $0xffff;
	[tilespmem:s16+$0xA0] =	vst v24  }
.LBB2_3:
0x92: {  	v24 =	vor.u32 s29, v0;
	s11 =	sadd.s32 $0x4, s29;
	s8 =	sadd.s32 $0x4, s8;
	[tilespmem:s16+$0xFFFFFF30] =	vst v17;
	v14 =	vld.idx.msk [tilespmem:v14+s3+$0x0], $0xffff  }
0x93: {  	s19 =	sadd.s32 $0x8, s29;
	v17 =	vor.u32 s11, v0;
	v25 =	vor.u32 s11, v4;
	p2 =	slt.u32 s8, $0x1C;
	v23 =	vld.idx.msk [tilespmem:v23+s3+$0x0], $0xffff;
	[tilespmem:s26+$0xFFFFFFF0] =	vst v15  }
0x94: {  	s9 =	sadd.s32 $0xC, s29;
	v15 =	vor.u32 s19, v0;
	v22 =	vld.idx.msk [tilespmem:v22+s3+$0x0], $0xffff;
	[tilespmem:s26+$0x70] =	vst v16  }
0x95: {  	v16 =	vor.u32 s9, v0;
	[tilespmem:s25+$0xFFFFFF90] =	vst v18;
	v18 =	vld.idx.msk [tilespmem:v21+s3+$0x0], $0xffff;
	v21 =	vor.u32 s18, v4  }
0x96: {  	v19 =	vld.idx.msk [tilespmem:v19+s3+$0x0], $0xffff;
	[tilespmem:s26+$0xF0] =	vst v20  }
0x97: {  	v20 =	vor.u32 s5, v3;
	v26 =	vld.idx.msk [tilespmem:v10+s3+$0x0], $0xffff;
	[tilespmem:s26+$0xFFFFFF70] =	vst v12;
	v10 =	vmov v9;
	v9 =	vmov v25;
	s26 =	smov.u32 s16;
	s16 =	smov.u32 s25  }
0x98: {  	v12 =	vld.idx.msk [tilespmem:v24+s3+$0x0], $0xffff;
	[tilespmem:s25+$0x80] =	vst v8;
	v24 =	vor.u32 s21, v5  }
0x99: {  	v28 =	vor.u32 s0, v5;
	v25 =	vor.u32 s29, v1;
	v27 =	vld.idx.msk [tilespmem:v11+s3+$0x0], $0xffff;
	[tilespmem:s26+$0xB0] =	vst v23  }
0x9a: {  	v29 =	vor.u32 s11, v1;
	[tilespmem:s25+$0xFFFFFF20] =	vst v22;
	v21 =	vld.idx.msk [tilespmem:v21+s3+$0x0], $0xffff  }
0x9b: {  	v22 =	vor.u32 s19, v1;
	v8 =	vld.idx.msk [tilespmem:v16+s3+$0x0], $0xffff;
	v16 =	vor.u32 s10, v3;
	[tilespmem:s25+$0x20] =	vst v13  }
0x9c: {  	v11 =	vor.u32 s9, v1;
	s25 =	sadd.s32 $0x200, s25;
	v13 =	vld.idx.msk [tilespmem:v20+s3+$0x0], $0xffff;
	[tilespmem:s26+$0xFFFFFF40] =	vst v18;
	v18 =	vor.u32 s18, v5  }
0x9d: {  	v20 =	vld.idx.msk [tilespmem:v24+s3+$0x0], $0xffff;
	[tilespmem:s26+$0xFFFFFFC0] =	vst v26  }
0x9e: {  	[tilespmem:s25+$0xFFFFFF00] =	vst v12;
	v12 =	vld.idx.msk [tilespmem:v28+s3+$0x0], $0xffff  }
0x9f: {  	v15 =	vld.idx.msk [tilespmem:v15+s3+$0x0], $0xffff;
	[tilespmem:s16+$0xFFFFFFA0] =	vst v19;
	v19 =	vor.u32 s21, v6  }
0xa0: {  	v23 =	vor.u32 s0, v6;
	v16 =	vld.idx.msk [tilespmem:v16+s3+$0x0], $0xffff;
	[tilespmem:s26+$0xC0] =	vst v21  }
0xa1: {  	[tilespmem:s16+$0x90] =	vst v27;
	v18 =	vld.idx.msk [tilespmem:v18+s3+$0x0], $0xffff  }
0xa2: {  	v17 =	vld.idx.msk [tilespmem:v17+s3+$0x0], $0xffff;
	[tilespmem:s16+$0x30] =	vst v13;
	v13 =	vor.u32 s2, v6  }
0xa3: {  	v21 =	vld.idx.msk [tilespmem:v25+s3+$0x0], $0xffff;
	[tilespmem:s26+$0xFFFFFF50] =	vst v20;
	v20 =	vor.u32 s18, v6  }
0xa4: {  	v24 =	vor.u32 s5, v4;
	v19 =	vld.idx.msk [tilespmem:v19+s3+$0x0], $0xffff;
	[tilespmem:s26+$0xFFFFFFD0] =	vst v12  }
0xa5: {  	v12 =	vor.u32 s23, v2;
	[tilespmem:s25+$0x0] =	vst v15;
	v15 =	vld.idx.msk [tilespmem:v23+s3+$0x0], $0xffff  }
0xa6: {  	v25 =	vld.idx.msk [tilespmem:v22+s3+$0x0], $0xffff;
	v22 =	vor.u32 s21, v7;
	[tilespmem:s26+$0x50] =	vst v14;
	s21 =	smov.u32 s22;
	s22 =	smov.u32 s29  }
0xa7: {  	v14 =	vor.u32 s21, v3;
	v13 =	vld.idx.msk [tilespmem:v13+s3+$0x0], $0xffff;
	[tilespmem:s26+$0xD0] =	vst v18  }
0xa8: {  	[tilespmem:s16+$0xFFFFFFB0] =	vst v16;
	v16 =	vor.u32 s0, v7;
	v18 =	vld.idx.msk [tilespmem:v20+s3+$0x0], $0xffff;
	s0 =	smov.u32 s10;
	s10 =	smov.u32 s11  }
0xa9: {  	[tilespmem:s25+$0xFFFFFF80] =	vst v17;
	v20 =	vld.idx.msk [tilespmem:v24+s3+$0x0], $0xffff;
	v24 =	vor.u32 s2, v7;
	s2 =	smov.u32 s5;
	s5 =	smov.u32 s19  }
0xaa: {  	v26 =	vld.idx.msk [tilespmem:v12+s3+$0x0], $0xffff;
	[tilespmem:s26+$0xFFFFFF60] =	vst v19  }
0xab: {  	v19 =	vor.u32 s18, v7;
	s18 =	smov.u32 s23;
	s23 =	smov.u32 s9;
	[tilespmem:s25+$0xFFFFFF10] =	vst v21;
	v12 =	vld.idx.msk [tilespmem:v22+s3+$0x0], $0xffff  }
0xac: {  	v27 =	vor.u32 s5, v2;
	v17 =	vld.idx.msk [tilespmem:v14+s3+$0x0], $0xffff;
	[tilespmem:s26+$0xFFFFFFE0] =	vst v15  }
.Ltmp2:
0xad: {  	v14 =	vor.u32 s2, v5;
	v15 =	vld.idx.msk [tilespmem:v16+s3+$0x0], $0xffff;
	[tilespmem:s26+$0x60] =	vst v13;
	(pc) =	sbr.rel @p2 .LBB2_3-.Ltmp2, $4  }
0xae: {  	v23 =	vor.u32 s18, v3;
	v16 =	vld.idx.msk [tilespmem:v24+s3+$0x0], $0xffff;
	[tilespmem:s26+$0xE0] =	vst v18  }
0xaf: {  	v22 =	vor.u32 s29, v2;
	v18 =	vld.idx.msk [tilespmem:v29+s3+$0x0], $0xffff;
	[tilespmem:s25+$0x10] =	vst v25  }
0xb0: {  	v21 =	vor.u32 s21, v4;
	[tilespmem:s16+$0x40] =	vst v20;
	v20 =	vld.idx.msk [tilespmem:v19+s3+$0x0], $0xffff  }
0xb1: {  	s29 =	sadd.s32 $0x10, s29;
	v19 =	vor.u32 s10, v2;
	v13 =	vld.idx.msk [tilespmem:v27+s3+$0x0], $0xffff;
	[tilespmem:s16+$0xA0] =	vst v26  }
0xb2: {  	_ = 	snop  }
0xb3: {  	[tilespmem:s16+$0xFFFFFF30] =	vst v17  }
0xb4: {  	[tilespmem:s26+$0xFFFFFFF0] =	vst v15  }
0xb5: {  	[tilespmem:s25+$0x80] =	vst v8  }
0xb6: {  	v15 =	vld.idx.msk [tilespmem:v23+s3+$0x0], $0xffff;
	[tilespmem:s26+$0xFFFFFF70] =	vst v12  }
0xb7: {  	v8 =	vor.u32 s5, v3;
	[tilespmem:s26+$0x70] =	vst v16;
	v16 =	vld.idx.msk [tilespmem:v22+s3+$0x0], $0xffff  }
0xb8: {  	v17 =	vor.u32 s18, v4;
	v11 =	vld.idx.msk [tilespmem:v11+s3+$0x0], $0xffff;
	[tilespmem:s25+$0xFFFFFF90] =	vst v18  }
0xb9: {  	v12 =	vor.u32 s23, v2;
	v10 =	vld.idx.msk [tilespmem:v10+s3+$0x0], $0xffff;
	[tilespmem:s26+$0xF0] =	vst v20  }
0xba: {  	v18 =	vld.idx.msk [tilespmem:v21+s3+$0x0], $0xffff;
	[tilespmem:s25+$0x20] =	vst v13  }
0xbb: {  	v20 =	vor.u32 s21, v5;
	[tilespmem:s16+$0xB0] =	vst v15;
	v15 =	vld.idx.msk [tilespmem:v19+s3+$0x0], $0xffff  }
0xbc: {  	v19 =	vor.u32 s0, v5;
	v8 =	vld.idx.msk [tilespmem:v8+s3+$0x0], $0xffff;
	[tilespmem:s25+$0xFFFFFF20] =	vst v16  }
0xbd: {  	v13 =	vor.u32 s10, v3;
	v16 =	vld.idx.msk [tilespmem:v17+s3+$0x0], $0xffff;
	[tilespmem:s25+$0x90] =	vst v11  }
0xbe: {  	[tilespmem:s16+$0xFFFFFFC0] =	vst v10;
	v11 =	vor.u32 s18, v5;
	v12 =	vld.idx.msk [tilespmem:v12+s3+$0x0], $0xffff  }
0xbf: {  	v14 =	vld.idx.msk [tilespmem:v14+s3+$0x0], $0xffff;
	v10 =	vor.u32 s23, v3;
	[tilespmem:s16+$0xFFFFFF40] =	vst v18  }
0xc0: {  	v17 =	vld.idx.msk [tilespmem:v20+s3+$0x0], $0xffff;
	[tilespmem:s25+$0xFFFFFFA0] =	vst v15;
	v15 =	vor.u32 s22, v3  }
0xc1: {  	v18 =	vld.idx.msk [tilespmem:v19+s3+$0x0], $0xffff;
	v19 =	vor.u32 s21, v6;
	[tilespmem:s25+$0x30] =	vst v8  }
0xc2: {  	[tilespmem:s16+$0xC0] =	vst v16;
	v13 =	vld.idx.msk [tilespmem:v13+s3+$0x0], $0xffff;
	v16 =	vor.u32 s0, v6  }
0xc3: {  	v8 =	vld.idx.msk [tilespmem:v11+s3+$0x0], $0xffff;
	[tilespmem:s25+$0xA0] =	vst v12  }
0xc4: {  	[tilespmem:s16+$0x50] =	vst v14;
	v11 =	vor.u32 s5, v4;
	v10 =	vld.idx.msk [tilespmem:v10+s3+$0x0], $0xffff  }
0xc5: {  	[tilespmem:s16+$0xFFFFFF50] =	vst v17;
	v12 =	vld.idx.msk [tilespmem:v15+s3+$0x0], $0xffff;
	v15 =	vor.u32 s23, v4  }
0xc6: {  	v14 =	vor.u32 s22, v4;
	[tilespmem:s16+$0xFFFFFFD0] =	vst v18;
	v17 =	vld.idx.msk [tilespmem:v19+s3+$0x0], $0xffff  }
0xc7: {  	v18 =	vor.u32 s2, v6;
	v16 =	vld.idx.msk [tilespmem:v16+s3+$0x0], $0xffff;
	[tilespmem:s25+$0xFFFFFFB0] =	vst v13  }
0xc8: {  	v13 =	vor.u32 s18, v6;
	[tilespmem:s16+$0xD0] =	vst v8;
	v8 =	vld.idx.msk [tilespmem:v9+s3+$0x0], $0xffff  }
0xc9: {  	v9 =	vld.idx.msk [tilespmem:v11+s3+$0x0], $0xffff;
	v11 =	vor.u32 s10, v5;
	[tilespmem:s25+$0xB0] =	vst v10  }
0xca: {  	v10 =	vor.u32 s5, v5;
	[tilespmem:s25+$0xFFFFFF30] =	vst v12;
	v12 =	vld.idx.msk [tilespmem:v15+s3+$0x0], $0xffff  }
0xcb: {  	[tilespmem:s16+$0xFFFFFF60] =	vst v17;
	v15 =	vor.u32 s23, v5;
	v14 =	vld.idx.msk [tilespmem:v14+s3+$0x0], $0xffff  }
0xcc: {  	v17 =	vld.idx.msk [tilespmem:v18+s3+$0x0], $0xffff;
	[tilespmem:s16+$0xFFFFFFE0] =	vst v16;
	v16 =	vor.u32 s22, v5  }
0xcd: {  	v18 =	vor.u32 s0, v7;
	v13 =	vld.idx.msk [tilespmem:v13+s3+$0x0], $0xffff;
	[tilespmem:s25+$0xFFFFFFC0] =	vst v8  }
0xce: {  	v8 =	vor.u32 s2, v7;
	[tilespmem:s25+$0x40] =	vst v9;
	v9 =	vld.idx.msk [tilespmem:v11+s3+$0x0], $0xffff  }
0xcf: {  	v10 =	vld.idx.msk [tilespmem:v10+s3+$0x0], $0xffff;
	v11 =	vor.u32 s10, v6;
	[tilespmem:s25+$0xC0] =	vst v12  }
0xd0: {  	[tilespmem:s25+$0xFFFFFF40] =	vst v14;
	v12 =	vld.idx.msk [tilespmem:v15+s3+$0x0], $0xffff;
	v14 =	vor.u32 s5, v6  }
0xd1: {  	[tilespmem:s16+$0x60] =	vst v17;
	v15 =	vld.idx.msk [tilespmem:v16+s3+$0x0], $0xffff;
	v16 =	vor.u32 s23, v6  }
0xd2: {  	v17 =	vld.idx.msk [tilespmem:v18+s3+$0x0], $0xffff;
	[tilespmem:s16+$0xE0] =	vst v13;
	v13 =	vor.u32 s22, v6  }
0xd3: {  	v18 =	vor.u32 s18, v7;
	v8 =	vld.idx.msk [tilespmem:v8+s3+$0x0], $0xffff;
	[tilespmem:s25+$0xFFFFFFD0] =	vst v9  }
0xd4: {  	v9 =	vor.u32 s21, v7;
	[tilespmem:s25+$0x50] =	vst v10;
	v11 =	vld.idx.msk [tilespmem:v11+s3+$0x0], $0xffff  }
0xd5: {  	v10 =	vld.idx.msk [tilespmem:v14+s3+$0x0], $0xffff;
	[tilespmem:s25+$0xD0] =	vst v12;
	v12 =	vor.u32 s10, v7  }
0xd6: {  	[tilespmem:s25+$0xFFFFFF50] =	vst v15;
	v14 =	vld.idx.msk [tilespmem:v16+s3+$0x0], $0xffff;
	v15 =	vor.u32 s5, v7  }
0xd7: {  	[tilespmem:s16+$0xFFFFFFF0] =	vst v17;
	v16 =	vor.u32 s23, v7;
	v13 =	vld.idx.msk [tilespmem:v13+s3+$0x0], $0xffff  }
0xd8: {  	v17 =	vld.idx.msk [tilespmem:v18+s3+$0x0], $0xffff;
	[tilespmem:s16+$0x70] =	vst v8;
	v8 =	vor.u32 s22, v7  }
0xd9: {  	v9 =	vld.idx.msk [tilespmem:v9+s3+$0x0], $0xffff;
	[tilespmem:s25+$0xFFFFFFE0] =	vst v11  }
0xda: {  	v11 =	vld.idx.msk [tilespmem:v12+s3+$0x0], $0xffff;
	[tilespmem:s25+$0x60] =	vst v10  }
0xdb: {  	v10 =	vld.idx.msk [tilespmem:v15+s3+$0x0], $0xffff;
	[tilespmem:s25+$0xE0] =	vst v14  }
0xdc: {  	[tilespmem:s25+$0xFFFFFF60] =	vst v13;
	v12 =	vld.idx.msk [tilespmem:v16+s3+$0x0], $0xffff  }
0xdd: {  	[tilespmem:s16+$0xF0] =	vst v17;
	v8 =	vld.idx.msk [tilespmem:v8+s3+$0x0], $0xffff  }
0xde: {  	[tilespmem:s16+$0xFFFFFF70] =	vst v9  }
0xdf: {  	[tilespmem:s25+$0xFFFFFFF0] =	vst v11  }
0xe0: {  	[tilespmem:s25+$0x70] =	vst v10  }
0xe1: {  	s22 =	sshll.u32 s20, $0x10;
	[tilespmem:s25+$0xF0] =	vst v12  }
0xe2: {  	s21 =	sor.u32 $0x3, s7;
	s8 =	sadd.s32 s22, s12;
	[tilespmem:s25+$0xFFFFFF70] =	vst v8  }
0xe3: {  	[hbm4b:s8+s3] =	stream.linear.scatter [tilespmem:s30], [sflag:$0x5], $0x1000, $0x38;
	[tilespmem:$0xA000] =	vst v63  }
0xe4: {  	s9 =	sshll.u32 s21, $0xC;
	s10 =	rddreg [dreg:$0x3]  }
0xe5: {  	s0 =	sadd.s32 s9, s10  }
0xe6: {  	[tilespmem:s24], [sflag:$0x4] =	stream.linear.gather [hbm4b:s0+s3], $0x400, $0x38;
	[tilespmem:$0xA000] =	vst v63  }
0xe7: {  	s4 =	simm.s32 $0x6800;
	s2 =	sadd.s32 $0xF4280, s0  }
0xe8: {  	[tilespmem:s4], [sflag:$0x4] =	stream.linear.gather [hbm4b:s2+s3], $0x400, $0x38;
	[tilespmem:$0xA000] =	vst v63  }
0xe9: {  	s16 =	simm.s32 $0x7000;
	s11 =	sadd.s32 $0x1E8500, s0  }
0xea: {  	[tilespmem:s16], [sflag:$0x4] =	stream.linear.gather [hbm4b:s11+s3], $0x400, $0x38;
	[tilespmem:$0xA000] =	vst v63  }
0xeb: {  	s18 =	simm.s32 $0x7800;
	s0 =	sadd.s32 $0x2DC780, s0  }
0xec: {  	[tilespmem:s18], [sflag:$0x4] =	stream.linear.gather [hbm4b:s0+s3], $0x400, $0x38;
	[tilespmem:$0xA000] =	vst v63  }
0xed: {  	s19 =	simm.s32 $0x8;
	_ =	swait.ge [sflag:s6], $0x1000  }
0xee: {  	v8 =	vor.u32 s19, v0;
	[sflag:s6] =	ssyncset.done $0x0  }
0xef: {  	s11 =	simm.s32 $0x0;
	s0 =	simm.s32 @!p1 $0x6;
	[sflag:s6] =	ssyncadd.s32 $0xFFFFF000  }
0xf0: {  	s8 =	simm.s32 $0x4;
	v9 =	vor.u32 s11, v0;
	_ =	swait.ge @!p1 [sflag:s0], $0x1000  }
0xf1: {  	v10 =	vor.u32 s8, v0;
	[sflag:s0] =	ssyncset.done @!p1 $0x0  }
0xf2: {  	[sflag:s0] =	ssyncadd.s32 @!p1 $0xFFFFF000  }
0xf3: {  	v8 =	vld.idx.msk [tilespmem:v8+s28+$0x0], $0xffff  }
0xf4: {  	v11 =	vor.u32 s19, v1  }
0xf5: {  	v9 =	vld.idx.msk [tilespmem:v9+s28+$0x0], $0xffff  }
0xf6: {  	v10 =	vld.idx.msk [tilespmem:v10+s28+$0x0], $0xffff  }
0xf7: {  	s26 =	simm.s32 $0x91F0;
	v13 =	vor.u32 s8, v1  }
0xf8: {  	v12 =	vor.u32 s11, v1;
	[tilespmem:s26+$0xFFFFFF10] =	vst v8  }
0xf9: {  	s9 =	simm.s32 $0xC;
	v8 =	vld.idx.msk [tilespmem:v11+s28+$0x0], $0xffff  }
0xfa: {  	[tilespmem:s26+$0xFFFFFE10] =	vst v9;
	v11 =	vor.u32 s9, v0  }
0xfb: {  	s0 =	simm.s32 $0x14;
	v9 =	vor.u32 s19, v2;
	[tilespmem:s26+$0xFFFFFE90] =	vst v10  }
0xfc: {  	v18 =	vor.u32 s0, v0;
	v13 =	vld.idx.msk [tilespmem:v13+s28+$0x0], $0xffff  }
0xfd: {  	s23 =	simm.s32 $0x10;
	v14 =	vor.u32 s8, v2;
	v12 =	vld.idx.msk [tilespmem:v12+s28+$0x0], $0xffff  }
0xfe: {  	[tilespmem:s26+$0xFFFFFF20] =	vst v8;
	v8 =	vor.u32 s23, v0  }
0xff: {  	s2 =	simm.s32 $0x18;
	v10 =	vor.u32 s11, v2;
	v11 =	vld.idx.msk [tilespmem:v11+s28+$0x0], $0xffff  }
0x100: {  	v15 =	vor.u32 s2, v0;
	v9 =	vld.idx.msk [tilespmem:v9+s28+$0x0], $0xffff  }
0x101: {  	v16 =	vor.u32 s9, v1;
	v18 =	vld.idx.msk [tilespmem:v18+s28+$0x0], $0xffff;
	[tilespmem:s26+$0xFFFFFEA0] =	vst v13  }
0x102: {  	[tilespmem:s26+$0xFFFFFE20] =	vst v12;
	v12 =	vor.u32 s19, v3;
	v14 =	vld.idx.msk [tilespmem:v14+s28+$0x0], $0xffff  }
0x103: {  	v17 =	vor.u32 s8, v3;
	v8 =	vld.idx.msk [tilespmem:v8+s28+$0x0], $0xffff  }
0x104: {  	v19 =	vor.u32 s23, v1;
	v10 =	vld.idx.msk [tilespmem:v10+s28+$0x0], $0xffff;
	[tilespmem:s26+$0xFFFFFF90] =	vst v11  }
0x105: {  	s16 =	simm.s32 $0x93F0;
	v20 =	vor.u32 s0, v1;
	[tilespmem:s26+$0xFFFFFF30] =	vst v9;
	v9 =	vld.idx.msk [tilespmem:v15+s28+$0x0], $0xffff  }
0x106: {  	[tilespmem:s16+$0xFFFFFE90] =	vst v18;
	v11 =	vor.u32 s2, v1;
	v15 =	vld.idx.msk [tilespmem:v16+s28+$0x0], $0xffff  }
0x107: {  	[tilespmem:s26+$0xFFFFFEB0] =	vst v14;
	v14 =	vor.u32 s9, v2;
	v12 =	vld.idx.msk [tilespmem:v12+s28+$0x0], $0xffff  }
0x108: {  	s18 =	simm.s32 $0x1C;
	v16 =	vor.u32 s19, v4;
	v17 =	vld.idx.msk [tilespmem:v17+s28+$0x0], $0xffff;
	[tilespmem:s16+$0xFFFFFE10] =	vst v8  }
0x109: {  	v13 =	vor.u32 s18, v0;
	[tilespmem:s26+$0xFFFFFE30] =	vst v10;
	v10 =	vld.idx.msk [tilespmem:v19+s28+$0x0], $0xffff  }
0x10a: {  	[tilespmem:s16+$0xFFFFFF10] =	vst v9;
	v9 =	vor.u32 s11, v3;
	v19 =	vld.idx.msk [tilespmem:v20+s28+$0x0], $0xffff  }
0x10b: {  	[tilespmem:s26+$0xFFFFFFA0] =	vst v15;
	v20 =	vor.u32 s8, v4;
	v11 =	vld.idx.msk [tilespmem:v11+s28+$0x0], $0xffff  }
0x10c: {  	v15 =	vor.u32 s2, v2;
	[tilespmem:s26+$0xFFFFFF40] =	vst v12;
	v8 =	vld.idx.msk [tilespmem:v14+s28+$0x0], $0xffff  }
0x10d: {  	v12 =	vld.idx.msk [tilespmem:v16+s28+$0x0], $0xffff;
	v16 =	vor.u32 s9, v3  }
0x10e: {  	v13 =	vld.idx.msk [tilespmem:v13+s28+$0x0], $0xffff;
	v14 =	vor.u32 s19, v5;
	[tilespmem:s26+$0xFFFFFEC0] =	vst v17  }
0x10f: {  	v18 =	vor.u32 s23, v2;
	v9 =	vld.idx.msk [tilespmem:v9+s28+$0x0], $0xffff;
	[tilespmem:s16+$0xFFFFFE20] =	vst v10  }
0x110: {  	s29 =	simm.s32 $0x20;
	v20 =	vld.idx.msk [tilespmem:v20+s28+$0x0], $0xffff;
	[tilespmem:s16+$0xFFFFFF20] =	vst v11;
	v11 =	vor.u32 s11, v4  }
0x111: {  	s30 =	simm.s32 $0x2C;
	[tilespmem:s26+$0xFFFFFFB0] =	vst v8;
	v8 =	vor.u32 s29, v0;
	v15 =	vld.idx.msk [tilespmem:v15+s28+$0x0], $0xffff  }
0x112: {  	v17 =	vor.u32 s30, v0;
	[tilespmem:s26+$0xFFFFFF50] =	vst v12;
	v10 =	vld.idx.msk [tilespmem:v16+s28+$0x0], $0xffff  }
0x113: {  	v12 =	vor.u32 s0, v2;
	v14 =	vld.idx.msk [tilespmem:v14+s28+$0x0], $0xffff  }
0x114: {  	v16 =	vor.u32 s18, v1;
	[tilespmem:s26+$0xFFFFFE40] =	vst v9;
	v9 =	vld.idx.msk [tilespmem:v18+s28+$0x0], $0xffff  }
0x115: {  	[tilespmem:s16+$0xFFFFFEA0] =	vst v19;
	v19 =	vor.u32 s2, v3;
	v11 =	vld.idx.msk [tilespmem:v11+s28+$0x0], $0xffff  }
0x116: {  	[tilespmem:s16+$0xFFFFFF90] =	vst v13;
	v18 =	vor.u32 s9, v4;
	v21 =	vld.idx.msk [tilespmem:v8+s28+$0x0], $0xffff  }
0x117: {  	v22 =	vor.u32 s8, v5;
	[tilespmem:s26+$0xFFFFFED0] =	vst v20;
	v8 =	vld.idx.msk [tilespmem:v17+s28+$0x0], $0xffff  }
0x118: {  	s5 =	simm.s32 $0x28;
	v13 =	vor.u32 s11, v5;
	v12 =	vld.idx.msk [tilespmem:v12+s28+$0x0], $0xffff;
	[tilespmem:s26+$0xFFFFFFC0] =	vst v10  }
0x119: {  	v16 =	vld.idx.msk [tilespmem:v16+s28+$0x0], $0xffff;
	v10 =	vor.u32 s5, v0;
	[tilespmem:s16+$0xFFFFFF30] =	vst v15  }
0x11a: {  	s10 =	simm.s32 $0x24;
	v17 =	vor.u32 s0, v3;
	v15 =	vld.idx.msk [tilespmem:v19+s28+$0x0], $0xffff;
	[tilespmem:s26+$0xFFFFFF60] =	vst v14  }
0x11b: {  	[tilespmem:s16+$0xFFFFFE30] =	vst v9;
	v9 =	vld.idx.msk [tilespmem:v18+s28+$0x0], $0xffff;
	v18 =	vor.u32 s10, v0  }
0x11c: {  	s25 =	simm.s32 $0x95F0;
	v20 =	vld.idx.msk [tilespmem:v22+s28+$0x0], $0xffff;
	v19 =	vor.u32 s29, v1;
	[tilespmem:s26+$0xFFFFFE50] =	vst v11  }
0x11d: {  	v11 =	vor.u32 s9, v5;
	[tilespmem:s25+$0xFFFFFE10] =	vst v21;
	v13 =	vld.idx.msk [tilespmem:v13+s28+$0x0], $0xffff  }
0x11e: {  	v21 =	vor.u32 s8, v6;
	v10 =	vld.idx.msk [tilespmem:v10+s28+$0x0], $0xffff;
	[tilespmem:s16+$0xFFFFFEB0] =	vst v12  }
0x11f: {  	v12 =	vor.u32 s11, v6;
	[tilespmem:s16+$0xFFFFFFA0] =	vst v16;
	v17 =	vld.idx.msk [tilespmem:v17+s28+$0x0], $0xffff  }
0x120: {  	[tilespmem:s16+$0xFFFFFF40] =	vst v15;
	v15 =	vor.u32 s19, v6;
	v16 =	vld.idx.msk [tilespmem:v18+s28+$0x0], $0xffff  }
0x121: {  	v14 =	vor.u32 s23, v3;
	[tilespmem:s26+$0xFFFFFFD0] =	vst v9;
	v18 =	vld.idx.msk [tilespmem:v19+s28+$0x0], $0xffff  }
0x122: {  	[tilespmem:s26+$0xFFFFFEE0] =	vst v20;
	v9 =	vor.u32 s5, v1;
	v11 =	vld.idx.msk [tilespmem:v11+s28+$0x0], $0xffff  }
0x123: {  	v19 =	vor.u32 s2, v4;
	v20 =	vld.idx.msk [tilespmem:v21+s28+$0x0], $0xffff;
	[tilespmem:s26+$0xFFFFFE60] =	vst v13  }
0x124: {  	v13 =	vor.u32 s9, v6;
	v12 =	vld.idx.msk [tilespmem:v12+s28+$0x0], $0xffff  }
0x125: {  	v21 =	vor.u32 s11, v7;
	[tilespmem:s25+$0xFFFFFF10] =	vst v10;
	v22 =	vld.idx.msk [tilespmem:v15+s28+$0x0], $0xffff  }
0x126: {  	v10 =	vor.u32 s18, v2;
	[tilespmem:s16+$0xFFFFFEC0] =	vst v17;
	v17 =	vld.idx.msk [tilespmem:v14+s28+$0x0], $0xffff  }
0x127: {  	v23 =	vor.u32 s10, v1;
	v9 =	vld.idx.msk [tilespmem:v9+s28+$0x0], $0xffff;
	[tilespmem:s25+$0xFFFFFE90] =	vst v16  }
0x128: {  	v19 =	vld.idx.msk [tilespmem:v19+s28+$0x0], $0xffff;
	[tilespmem:s26+$0xFFFFFFE0] =	vst v11;
	v11 =	vor.u32 s8, v7  }
0x129: {  	v16 =	vor.u32 s19, v7;
	v13 =	vld.idx.msk [tilespmem:v13+s28+$0x0], $0xffff;
	[tilespmem:s26+$0xFFFFFE70] =	vst v12  }
0x12a: {  	[tilespmem:s25+$0xFFFFFE20] =	vst v18;
	v12 =	vld.idx.msk [tilespmem:v21+s28+$0x0], $0xffff;
	v21 =	vor.u32 s9, v7  }
0x12b: {  	v25 =	vor.u32 s5, v2;
	[tilespmem:s26+$0xFFFFFEF0] =	vst v20;
	v24 =	vld.idx.msk [tilespmem:v10+s28+$0x0], $0xffff  }
0x12c: {  	v14 =	vor.u32 s2, v5;
	v18 =	vld.idx.msk [tilespmem:v23+s28+$0x0], $0xffff;
	[tilespmem:s26+$0xFFFFFF70] =	vst v22  }
0x12d: {  	v23 =	vor.u32 s18, v3;
	[tilespmem:s25+$0xFFFFFF20] =	vst v9;
	v15 =	vld.idx.msk [tilespmem:v11+s28+$0x0], $0xffff  }
0x12e: {  	v22 =	vor.u32 s29, v2;
	v16 =	vld.idx.msk [tilespmem:v16+s28+$0x0], $0xffff;
	[tilespmem:s26+$0xFFFFFFF0] =	vst v13  }
0x12f: {  	v10 =	vor.u32 s0, v4;
	[tilespmem:s16+$0xFFFFFF50] =	vst v19;
	v20 =	vld.idx.msk [tilespmem:v21+s28+$0x0], $0xffff;
	v21 =	vor.u32 s23, v4  }
0x130: {  	s7 =	simm.s32 $0x8;
	s8 =	simm.s32 $0x30;
	v9 =	vor.u32 s10, v4;
	v19 =	vor.u32 s10, v2;
	v11 =	vor.u32 s30, v1;
	v13 =	vld.idx.msk [tilespmem:v25+s28+$0x0], $0xffff;
	[tilespmem:s16+$0xFFFFFFB0] =	vst v24  }
.LBB2_5:
0x131: {  	v24 =	vor.u32 s8, v0;
	s11 =	sadd.s32 $0x4, s8;
	s7 =	sadd.s32 $0x4, s7;
	[tilespmem:s16+$0xFFFFFE40] =	vst v17;
	v14 =	vld.idx.msk [tilespmem:v14+s28+$0x0], $0xffff  }
0x132: {  	s19 =	sadd.s32 $0x8, s8;
	v17 =	vor.u32 s11, v0;
	v25 =	vor.u32 s11, v4;
	p1 =	slt.u32 s7, $0x1C;
	v23 =	vld.idx.msk [tilespmem:v23+s28+$0x0], $0xffff;
	[tilespmem:s26+$0xFFFFFF00] =	vst v15  }
0x133: {  	s9 =	sadd.s32 $0xC, s8;
	v15 =	vor.u32 s19, v0;
	v22 =	vld.idx.msk [tilespmem:v22+s28+$0x0], $0xffff;
	[tilespmem:s26+$0xFFFFFF80] =	vst v16  }
0x134: {  	v16 =	vor.u32 s9, v0;
	[tilespmem:s25+$0xFFFFFEA0] =	vst v18;
	v18 =	vld.idx.msk [tilespmem:v21+s28+$0x0], $0xffff;
	v21 =	vor.u32 s18, v4  }
0x135: {  	v19 =	vld.idx.msk [tilespmem:v19+s28+$0x0], $0xffff;
	[tilespmem:s26+$0x0] =	vst v20  }
0x136: {  	v20 =	vor.u32 s5, v3;
	v26 =	vld.idx.msk [tilespmem:v10+s28+$0x0], $0xffff;
	[tilespmem:s26+$0xFFFFFE80] =	vst v12;
	v10 =	vmov v9;
	v9 =	vmov v25;
	s26 =	smov.u32 s16;
	s16 =	smov.u32 s25  }
0x137: {  	v12 =	vld.idx.msk [tilespmem:v24+s28+$0x0], $0xffff;
	[tilespmem:s25+$0xFFFFFF90] =	vst v8;
	v24 =	vor.u32 s23, v5  }
0x138: {  	v28 =	vor.u32 s0, v5;
	v25 =	vor.u32 s8, v1;
	v27 =	vld.idx.msk [tilespmem:v11+s28+$0x0], $0xffff;
	[tilespmem:s26+$0xFFFFFFC0] =	vst v23  }
0x139: {  	v29 =	vor.u32 s11, v1;
	[tilespmem:s25+$0xFFFFFE30] =	vst v22;
	v21 =	vld.idx.msk [tilespmem:v21+s28+$0x0], $0xffff  }
0x13a: {  	v22 =	vor.u32 s19, v1;
	v8 =	vld.idx.msk [tilespmem:v16+s28+$0x0], $0xffff;
	v16 =	vor.u32 s10, v3;
	[tilespmem:s25+$0xFFFFFF30] =	vst v13  }
0x13b: {  	v11 =	vor.u32 s9, v1;
	s25 =	sadd.s32 $0x200, s25;
	v13 =	vld.idx.msk [tilespmem:v20+s28+$0x0], $0xffff;
	[tilespmem:s26+$0xFFFFFE50] =	vst v18;
	v18 =	vor.u32 s18, v5  }
0x13c: {  	v20 =	vld.idx.msk [tilespmem:v24+s28+$0x0], $0xffff;
	[tilespmem:s26+$0xFFFFFED0] =	vst v26  }
0x13d: {  	[tilespmem:s25+$0xFFFFFE10] =	vst v12;
	v12 =	vld.idx.msk [tilespmem:v28+s28+$0x0], $0xffff  }
0x13e: {  	v15 =	vld.idx.msk [tilespmem:v15+s28+$0x0], $0xffff;
	[tilespmem:s16+$0xFFFFFEB0] =	vst v19;
	v19 =	vor.u32 s23, v6  }
0x13f: {  	v23 =	vor.u32 s0, v6;
	v16 =	vld.idx.msk [tilespmem:v16+s28+$0x0], $0xffff;
	[tilespmem:s26+$0xFFFFFFD0] =	vst v21  }
0x140: {  	[tilespmem:s16+$0xFFFFFFA0] =	vst v27;
	v18 =	vld.idx.msk [tilespmem:v18+s28+$0x0], $0xffff  }
0x141: {  	v17 =	vld.idx.msk [tilespmem:v17+s28+$0x0], $0xffff;
	[tilespmem:s16+$0xFFFFFF40] =	vst v13;
	v13 =	vor.u32 s2, v6  }
0x142: {  	v21 =	vld.idx.msk [tilespmem:v25+s28+$0x0], $0xffff;
	[tilespmem:s26+$0xFFFFFE60] =	vst v20;
	v20 =	vor.u32 s18, v6  }
0x143: {  	v24 =	vor.u32 s5, v4;
	v19 =	vld.idx.msk [tilespmem:v19+s28+$0x0], $0xffff;
	[tilespmem:s26+$0xFFFFFEE0] =	vst v12  }
0x144: {  	v12 =	vor.u32 s30, v2;
	[tilespmem:s25+$0xFFFFFF10] =	vst v15;
	v15 =	vld.idx.msk [tilespmem:v23+s28+$0x0], $0xffff  }
0x145: {  	v25 =	vld.idx.msk [tilespmem:v22+s28+$0x0], $0xffff;
	v22 =	vor.u32 s23, v7;
	[tilespmem:s26+$0xFFFFFF60] =	vst v14;
	s23 =	smov.u32 s29;
	s29 =	smov.u32 s8  }
0x146: {  	v14 =	vor.u32 s23, v3;
	v13 =	vld.idx.msk [tilespmem:v13+s28+$0x0], $0xffff;
	[tilespmem:s26+$0xFFFFFFE0] =	vst v18  }
0x147: {  	[tilespmem:s16+$0xFFFFFEC0] =	vst v16;
	v16 =	vor.u32 s0, v7;
	v18 =	vld.idx.msk [tilespmem:v20+s28+$0x0], $0xffff;
	s0 =	smov.u32 s10;
	s10 =	smov.u32 s11  }
0x148: {  	[tilespmem:s25+$0xFFFFFE90] =	vst v17;
	v20 =	vld.idx.msk [tilespmem:v24+s28+$0x0], $0xffff;
	v24 =	vor.u32 s2, v7;
	s2 =	smov.u32 s5;
	s5 =	smov.u32 s19  }
0x149: {  	v26 =	vld.idx.msk [tilespmem:v12+s28+$0x0], $0xffff;
	[tilespmem:s26+$0xFFFFFE70] =	vst v19  }
0x14a: {  	v19 =	vor.u32 s18, v7;
	s18 =	smov.u32 s30;
	s30 =	smov.u32 s9;
	[tilespmem:s25+$0xFFFFFE20] =	vst v21;
	v12 =	vld.idx.msk [tilespmem:v22+s28+$0x0], $0xffff  }
0x14b: {  	v27 =	vor.u32 s5, v2;
	v17 =	vld.idx.msk [tilespmem:v14+s28+$0x0], $0xffff;
	[tilespmem:s26+$0xFFFFFEF0] =	vst v15  }
.Ltmp3:
0x14c: {  	v14 =	vor.u32 s2, v5;
	v15 =	vld.idx.msk [tilespmem:v16+s28+$0x0], $0xffff;
	[tilespmem:s26+$0xFFFFFF70] =	vst v13;
	(pc) =	sbr.rel @p1 .LBB2_5-.Ltmp3, $4  }
0x14d: {  	v23 =	vor.u32 s18, v3;
	v16 =	vld.idx.msk [tilespmem:v24+s28+$0x0], $0xffff;
	[tilespmem:s26+$0xFFFFFFF0] =	vst v18  }
0x14e: {  	v22 =	vor.u32 s8, v2;
	v18 =	vld.idx.msk [tilespmem:v29+s28+$0x0], $0xffff;
	[tilespmem:s25+$0xFFFFFF20] =	vst v25  }
0x14f: {  	v21 =	vor.u32 s23, v4;
	[tilespmem:s16+$0xFFFFFF50] =	vst v20;
	v20 =	vld.idx.msk [tilespmem:v19+s28+$0x0], $0xffff  }
0x150: {  	s8 =	sadd.s32 $0x10, s8;
	v19 =	vor.u32 s10, v2;
	v13 =	vld.idx.msk [tilespmem:v27+s28+$0x0], $0xffff;
	[tilespmem:s16+$0xFFFFFFB0] =	vst v26  }
0x151: {  	_ = 	snop  }
0x152: {  	[tilespmem:s16+$0xFFFFFE40] =	vst v17  }
0x153: {  	[tilespmem:s26+$0xFFFFFF00] =	vst v15  }
0x154: {  	[tilespmem:s25+$0xFFFFFF90] =	vst v8  }
0x155: {  	v15 =	vld.idx.msk [tilespmem:v23+s28+$0x0], $0xffff;
	[tilespmem:s26+$0xFFFFFE80] =	vst v12  }
0x156: {  	v8 =	vor.u32 s5, v3;
	[tilespmem:s26+$0xFFFFFF80] =	vst v16;
	v16 =	vld.idx.msk [tilespmem:v22+s28+$0x0], $0xffff  }
0x157: {  	v17 =	vor.u32 s18, v4;
	v11 =	vld.idx.msk [tilespmem:v11+s28+$0x0], $0xffff;
	[tilespmem:s25+$0xFFFFFEA0] =	vst v18  }
0x158: {  	v12 =	vor.u32 s30, v2;
	v10 =	vld.idx.msk [tilespmem:v10+s28+$0x0], $0xffff;
	[tilespmem:s26+$0x0] =	vst v20  }
0x159: {  	v18 =	vld.idx.msk [tilespmem:v21+s28+$0x0], $0xffff;
	[tilespmem:s25+$0xFFFFFF30] =	vst v13  }
0x15a: {  	v20 =	vor.u32 s23, v5;
	[tilespmem:s16+$0xFFFFFFC0] =	vst v15;
	v15 =	vld.idx.msk [tilespmem:v19+s28+$0x0], $0xffff  }
0x15b: {  	v19 =	vor.u32 s0, v5;
	v8 =	vld.idx.msk [tilespmem:v8+s28+$0x0], $0xffff;
	[tilespmem:s25+$0xFFFFFE30] =	vst v16  }
0x15c: {  	v13 =	vor.u32 s10, v3;
	v16 =	vld.idx.msk [tilespmem:v17+s28+$0x0], $0xffff;
	[tilespmem:s25+$0xFFFFFFA0] =	vst v11  }
0x15d: {  	[tilespmem:s16+$0xFFFFFED0] =	vst v10;
	v11 =	vor.u32 s18, v5;
	v12 =	vld.idx.msk [tilespmem:v12+s28+$0x0], $0xffff  }
0x15e: {  	v14 =	vld.idx.msk [tilespmem:v14+s28+$0x0], $0xffff;
	v10 =	vor.u32 s30, v3;
	[tilespmem:s16+$0xFFFFFE50] =	vst v18  }
0x15f: {  	v17 =	vld.idx.msk [tilespmem:v20+s28+$0x0], $0xffff;
	[tilespmem:s25+$0xFFFFFEB0] =	vst v15;
	v15 =	vor.u32 s29, v3  }
0x160: {  	v18 =	vld.idx.msk [tilespmem:v19+s28+$0x0], $0xffff;
	v19 =	vor.u32 s23, v6;
	[tilespmem:s25+$0xFFFFFF40] =	vst v8  }
0x161: {  	[tilespmem:s16+$0xFFFFFFD0] =	vst v16;
	v13 =	vld.idx.msk [tilespmem:v13+s28+$0x0], $0xffff;
	v16 =	vor.u32 s0, v6  }
0x162: {  	v8 =	vld.idx.msk [tilespmem:v11+s28+$0x0], $0xffff;
	[tilespmem:s25+$0xFFFFFFB0] =	vst v12  }
0x163: {  	[tilespmem:s16+$0xFFFFFF60] =	vst v14;
	v11 =	vor.u32 s5, v4;
	v10 =	vld.idx.msk [tilespmem:v10+s28+$0x0], $0xffff  }
0x164: {  	[tilespmem:s16+$0xFFFFFE60] =	vst v17;
	v12 =	vld.idx.msk [tilespmem:v15+s28+$0x0], $0xffff;
	v15 =	vor.u32 s30, v4  }
0x165: {  	[tilespmem:s16+$0xFFFFFEE0] =	vst v18;
	v17 =	vld.idx.msk [tilespmem:v19+s28+$0x0], $0xffff;
	v18 =	vor.u32 s2, v6  }
0x166: {  	v14 =	vor.u32 s29, v4;
	v16 =	vld.idx.msk [tilespmem:v16+s28+$0x0], $0xffff;
	[tilespmem:s25+$0xFFFFFEC0] =	vst v13  }
0x167: {  	v13 =	vor.u32 s18, v6;
	[tilespmem:s16+$0xFFFFFFE0] =	vst v8;
	v8 =	vld.idx.msk [tilespmem:v9+s28+$0x0], $0xffff  }
0x168: {  	v9 =	vld.idx.msk [tilespmem:v11+s28+$0x0], $0xffff;
	v11 =	vor.u32 s10, v5;
	[tilespmem:s25+$0xFFFFFFC0] =	vst v10  }
0x169: {  	v10 =	vor.u32 s5, v5;
	[tilespmem:s25+$0xFFFFFE40] =	vst v12;
	v12 =	vld.idx.msk [tilespmem:v15+s28+$0x0], $0xffff  }
0x16a: {  	[tilespmem:s16+$0xFFFFFE70] =	vst v17;
	v17 =	vld.idx.msk [tilespmem:v18+s28+$0x0], $0xffff;
	v18 =	vor.u32 s0, v7  }
0x16b: {  	v15 =	vor.u32 s30, v5;
	v14 =	vld.idx.msk [tilespmem:v14+s28+$0x0], $0xffff;
	[tilespmem:s16+$0xFFFFFEF0] =	vst v16  }
0x16c: {  	v16 =	vor.u32 s29, v5;
	v13 =	vld.idx.msk [tilespmem:v13+s28+$0x0], $0xffff;
	[tilespmem:s25+$0xFFFFFED0] =	vst v8  }
0x16d: {  	[tilespmem:s25+$0xFFFFFF50] =	vst v9;
	v9 =	vld.idx.msk [tilespmem:v11+s28+$0x0], $0xffff  }
0x16e: {  	v8 =	vor.u32 s2, v7;
	v10 =	vld.idx.msk [tilespmem:v10+s28+$0x0], $0xffff;
	[tilespmem:s25+$0xFFFFFFD0] =	vst v12  }
0x16f: {  	v11 =	vor.u32 s10, v6;
	[tilespmem:s16+$0xFFFFFF70] =	vst v17;
	v17 =	vld.idx.msk [tilespmem:v18+s28+$0x0], $0xffff  }
0x170: {  	[tilespmem:s25+$0xFFFFFE50] =	vst v14;
	v12 =	vld.idx.msk [tilespmem:v15+s28+$0x0], $0xffff;
	v14 =	vor.u32 s5, v6  }
0x171: {  	v18 =	vor.u32 s18, v7;
	[tilespmem:s16+$0xFFFFFFF0] =	vst v13;
	v15 =	vld.idx.msk [tilespmem:v16+s28+$0x0], $0xffff  }
0x172: {  	v16 =	vor.u32 s30, v6;
	[tilespmem:s25+$0xFFFFFEE0] =	vst v9  }
0x173: {  	v13 =	vor.u32 s29, v6;
	v8 =	vld.idx.msk [tilespmem:v8+s28+$0x0], $0xffff;
	[tilespmem:s25+$0xFFFFFF60] =	vst v10  }
0x174: {  	v9 =	vor.u32 s23, v7;
	v11 =	vld.idx.msk [tilespmem:v11+s28+$0x0], $0xffff;
	[tilespmem:s16+$0xFFFFFF00] =	vst v17  }
0x175: {  	v10 =	vld.idx.msk [tilespmem:v14+s28+$0x0], $0xffff;
	[tilespmem:s25+$0xFFFFFFE0] =	vst v12;
	v12 =	vor.u32 s10, v7  }
0x176: {  	v17 =	vld.idx.msk [tilespmem:v18+s28+$0x0], $0xffff;
	[tilespmem:s25+$0xFFFFFE60] =	vst v15;
	v15 =	vor.u32 s5, v7  }
0x177: {  	v14 =	vld.idx.msk [tilespmem:v16+s28+$0x0], $0xffff  }
0x178: {  	[tilespmem:s16+$0xFFFFFF80] =	vst v8;
	v13 =	vld.idx.msk [tilespmem:v13+s28+$0x0], $0xffff  }
0x179: {  	v16 =	vor.u32 s30, v7;
	v9 =	vld.idx.msk [tilespmem:v9+s28+$0x0], $0xffff;
	[tilespmem:s25+$0xFFFFFEF0] =	vst v11  }
0x17a: {  	v8 =	vor.u32 s29, v7;
	v11 =	vld.idx.msk [tilespmem:v12+s28+$0x0], $0xffff;
	[tilespmem:s25+$0xFFFFFF70] =	vst v10  }
0x17b: {  	[tilespmem:s16+$0x0] =	vst v17;
	v10 =	vld.idx.msk [tilespmem:v15+s28+$0x0], $0xffff  }
0x17c: {  	[tilespmem:s25+$0xFFFFFFF0] =	vst v14  }
0x17d: {  	[tilespmem:s25+$0xFFFFFE70] =	vst v13  }
0x17e: {  	v12 =	vld.idx.msk [tilespmem:v16+s28+$0x0], $0xffff;
	[tilespmem:s16+$0xFFFFFE80] =	vst v9  }
0x17f: {  	v8 =	vld.idx.msk [tilespmem:v8+s28+$0x0], $0xffff;
	[tilespmem:s25+$0xFFFFFF00] =	vst v11  }
0x180: {  	[tilespmem:s25+$0xFFFFFF80] =	vst v10  }
0x181: {  	s19 =	rddreg [dreg:$0x6]  }
0x182: {  	s23 =	rddreg [dreg:$0x1];
	s0 =	sor.u32 s19, s22  }
0x183: {  	[tilespmem:s25+$0x0] =	vst v12;
	s22 =	sadd.s32 s0, s23  }
0x184: {  	p1 =	seq.s32 s20, $0x3C;
	s26 =	simm.s32 $0x9000;
	[tilespmem:s25+$0xFFFFFE80] =	vst v8;
	s0 =	sadd.s32 $0x4000, s22  }
0x185: {  	[hbm4b:s0+s3] =	stream.linear.scatter [tilespmem:s26], [sflag:$0x6], $0x1000, $0x38;
	[tilespmem:$0xA000] =	vst v63  }
0x186: {  	s23 =	sshll.u32 @!p1 s20, $0xE;
	s0 =	rddreg [dreg:$0x7]  }
0x187: {  	s2 =	simm.s32 @!p1 $0x0;
	s0 =	sadd.s32 @!p1 s23, s0  }
0x188: {  	[tilespmem:s2], [sflag:$0x1] =	stream.linear.gather @!p1 [hbm4b:s0+s2], $0x400, $0x38;
	[tilespmem:$0xA000] =	vst v63  }
0x189: {  	s5 =	simm.s32 @!p1 $0x800;
	s4 =	sadd.s32 @!p1 $0xF4280, s0  }
0x18a: {  	[tilespmem:s5], [sflag:$0x1] =	stream.linear.gather @!p1 [hbm4b:s4+s2], $0x400, $0x38;
	[tilespmem:$0xA000] =	vst v63  }
0x18b: {  	s4 =	sadd.s32 @!p1 $0x1E8500, s0;
	s5 =	simm.s32 @!p1 $0x1000  }
0x18c: {  	[tilespmem:s5], [sflag:$0x1] =	stream.linear.gather @!p1 [hbm4b:s4+s2], $0x400, $0x38;
	[tilespmem:$0xA000] =	vst v63  }
0x18d: {  	s0 =	sadd.s32 @!p1 $0x2DC780, s0;
	s4 =	simm.s32 @!p1 $0x1800  }
0x18e: {  	[tilespmem:s4], [sflag:$0x1] =	stream.linear.gather @!p1 [hbm4b:s0+s2], $0x400, $0x38;
	[tilespmem:$0xA000] =	vst v63  }
0x18f: {  	s8 =	simm.s32 $0x8;
	_ =	swait.ge [sflag:s13], $0x1000  }
0x190: {  	v8 =	vor.u32 s8, v0;
	[sflag:s13] =	ssyncset.done $0x0  }
0x191: {  	s19 =	simm.s32 $0x0;
	[sflag:s13] =	ssyncadd.s32 $0xFFFFF000  }
0x192: {  	s9 =	simm.s32 $0x4;
	v9 =	vor.u32 s19, v0;
	_ =	swait.ge [sflag:s14], $0x1000  }
0x193: {  	v10 =	vor.u32 s9, v0;
	[sflag:s14] =	ssyncset.done $0x0  }
0x194: {  	[sflag:s14] =	ssyncadd.s32 $0xFFFFF000  }
0x195: {  	v8 =	vld.idx.msk [tilespmem:v8+s1+$0x0], $0xffff  }
0x196: {  	v11 =	vor.u32 s8, v1  }
0x197: {  	v9 =	vld.idx.msk [tilespmem:v9+s1+$0x0], $0xffff  }
0x198: {  	v10 =	vld.idx.msk [tilespmem:v10+s1+$0x0], $0xffff  }
0x199: {  	v13 =	vor.u32 s9, v1;
	s5 =	simm.s32 $0x8100  }
0x19a: {  	v12 =	vor.u32 s19, v1;
	[tilespmem:s5+$0x0] =	vst v8  }
0x19b: {  	s11 =	simm.s32 $0xC;
	v8 =	vld.idx.msk [tilespmem:v11+s1+$0x0], $0xffff  }
0x19c: {  	[tilespmem:s5+$0xFFFFFF00] =	vst v9;
	v11 =	vor.u32 s11, v0  }
0x19d: {  	s29 =	simm.s32 $0x14;
	v9 =	vor.u32 s8, v2;
	[tilespmem:s5+$0xFFFFFF80] =	vst v10  }
0x19e: {  	v18 =	vor.u32 s29, v0;
	v13 =	vld.idx.msk [tilespmem:v13+s1+$0x0], $0xffff  }
0x19f: {  	v14 =	vor.u32 s9, v2;
	s16 =	simm.s32 $0x10;
	v12 =	vld.idx.msk [tilespmem:v12+s1+$0x0], $0xffff  }
0x1a0: {  	[tilespmem:s5+$0x10] =	vst v8;
	v8 =	vor.u32 s16, v0  }
0x1a1: {  	s0 =	simm.s32 $0x18;
	v10 =	vor.u32 s19, v2;
	v11 =	vld.idx.msk [tilespmem:v11+s1+$0x0], $0xffff  }
0x1a2: {  	v15 =	vor.u32 s0, v0;
	v9 =	vld.idx.msk [tilespmem:v9+s1+$0x0], $0xffff  }
0x1a3: {  	v16 =	vor.u32 s11, v1;
	v18 =	vld.idx.msk [tilespmem:v18+s1+$0x0], $0xffff;
	[tilespmem:s5+$0xFFFFFF90] =	vst v13  }
0x1a4: {  	[tilespmem:s5+$0xFFFFFF10] =	vst v12;
	v12 =	vor.u32 s8, v3;
	v14 =	vld.idx.msk [tilespmem:v14+s1+$0x0], $0xffff  }
0x1a5: {  	v17 =	vor.u32 s9, v3;
	v8 =	vld.idx.msk [tilespmem:v8+s1+$0x0], $0xffff  }
0x1a6: {  	v19 =	vor.u32 s16, v1;
	v10 =	vld.idx.msk [tilespmem:v10+s1+$0x0], $0xffff;
	[tilespmem:s5+$0x80] =	vst v11  }
0x1a7: {  	s18 =	simm.s32 $0x8300;
	v20 =	vor.u32 s29, v1;
	[tilespmem:s5+$0x20] =	vst v9;
	v9 =	vld.idx.msk [tilespmem:v15+s1+$0x0], $0xffff  }
0x1a8: {  	[tilespmem:s18+$0xFFFFFF80] =	vst v18;
	v11 =	vor.u32 s0, v1;
	v15 =	vld.idx.msk [tilespmem:v16+s1+$0x0], $0xffff  }
0x1a9: {  	[tilespmem:s5+$0xFFFFFFA0] =	vst v14;
	v14 =	vor.u32 s11, v2;
	v12 =	vld.idx.msk [tilespmem:v12+s1+$0x0], $0xffff  }
0x1aa: {  	s2 =	simm.s32 $0x1C;
	v16 =	vor.u32 s8, v4;
	v17 =	vld.idx.msk [tilespmem:v17+s1+$0x0], $0xffff;
	[tilespmem:s18+$0xFFFFFF00] =	vst v8  }
0x1ab: {  	v13 =	vor.u32 s2, v0;
	[tilespmem:s5+$0xFFFFFF20] =	vst v10;
	v10 =	vld.idx.msk [tilespmem:v19+s1+$0x0], $0xffff  }
0x1ac: {  	[tilespmem:s18+$0x0] =	vst v9;
	v9 =	vor.u32 s19, v3;
	v19 =	vld.idx.msk [tilespmem:v20+s1+$0x0], $0xffff  }
0x1ad: {  	[tilespmem:s5+$0x90] =	vst v15;
	v20 =	vor.u32 s9, v4;
	v11 =	vld.idx.msk [tilespmem:v11+s1+$0x0], $0xffff  }
0x1ae: {  	v15 =	vor.u32 s0, v2;
	[tilespmem:s5+$0x30] =	vst v12;
	v8 =	vld.idx.msk [tilespmem:v14+s1+$0x0], $0xffff  }
0x1af: {  	v12 =	vld.idx.msk [tilespmem:v16+s1+$0x0], $0xffff;
	v16 =	vor.u32 s11, v3  }
0x1b0: {  	v13 =	vld.idx.msk [tilespmem:v13+s1+$0x0], $0xffff;
	v14 =	vor.u32 s8, v5;
	[tilespmem:s5+$0xFFFFFFB0] =	vst v17  }
0x1b1: {  	v18 =	vor.u32 s16, v2;
	v9 =	vld.idx.msk [tilespmem:v9+s1+$0x0], $0xffff;
	[tilespmem:s18+$0xFFFFFF10] =	vst v10  }
0x1b2: {  	s30 =	simm.s32 $0x20;
	v20 =	vld.idx.msk [tilespmem:v20+s1+$0x0], $0xffff;
	[tilespmem:s18+$0x10] =	vst v11;
	v11 =	vor.u32 s19, v4  }
0x1b3: {  	s25 =	simm.s32 $0x2C;
	[tilespmem:s5+$0xA0] =	vst v8;
	v8 =	vor.u32 s30, v0;
	v15 =	vld.idx.msk [tilespmem:v15+s1+$0x0], $0xffff  }
0x1b4: {  	v17 =	vor.u32 s25, v0;
	[tilespmem:s5+$0x40] =	vst v12;
	v10 =	vld.idx.msk [tilespmem:v16+s1+$0x0], $0xffff  }
0x1b5: {  	v12 =	vor.u32 s29, v2;
	v14 =	vld.idx.msk [tilespmem:v14+s1+$0x0], $0xffff  }
0x1b6: {  	v16 =	vor.u32 s2, v1;
	[tilespmem:s5+$0xFFFFFF30] =	vst v9;
	v9 =	vld.idx.msk [tilespmem:v18+s1+$0x0], $0xffff  }
0x1b7: {  	[tilespmem:s18+$0xFFFFFF90] =	vst v19;
	v19 =	vor.u32 s0, v3;
	v11 =	vld.idx.msk [tilespmem:v11+s1+$0x0], $0xffff  }
0x1b8: {  	[tilespmem:s18+$0x80] =	vst v13;
	v18 =	vor.u32 s11, v4;
	v21 =	vld.idx.msk [tilespmem:v8+s1+$0x0], $0xffff  }
0x1b9: {  	v22 =	vor.u32 s9, v5;
	[tilespmem:s5+$0xFFFFFFC0] =	vst v20;
	v8 =	vld.idx.msk [tilespmem:v17+s1+$0x0], $0xffff  }
0x1ba: {  	s10 =	simm.s32 $0x28;
	v13 =	vor.u32 s19, v5;
	v12 =	vld.idx.msk [tilespmem:v12+s1+$0x0], $0xffff;
	[tilespmem:s5+$0xB0] =	vst v10  }
0x1bb: {  	v16 =	vld.idx.msk [tilespmem:v16+s1+$0x0], $0xffff;
	v10 =	vor.u32 s10, v0;
	[tilespmem:s18+$0x20] =	vst v15  }
0x1bc: {  	s7 =	simm.s32 $0x24;
	v17 =	vor.u32 s29, v3;
	v15 =	vld.idx.msk [tilespmem:v19+s1+$0x0], $0xffff;
	[tilespmem:s5+$0x50] =	vst v14  }
0x1bd: {  	[tilespmem:s18+$0xFFFFFF20] =	vst v9;
	v9 =	vld.idx.msk [tilespmem:v18+s1+$0x0], $0xffff;
	v18 =	vor.u32 s7, v0  }
0x1be: {  	s26 =	simm.s32 $0x8500;
	v20 =	vld.idx.msk [tilespmem:v22+s1+$0x0], $0xffff;
	v19 =	vor.u32 s30, v1;
	[tilespmem:s5+$0xFFFFFF40] =	vst v11  }
0x1bf: {  	v11 =	vor.u32 s11, v5;
	[tilespmem:s26+$0xFFFFFF00] =	vst v21;
	v13 =	vld.idx.msk [tilespmem:v13+s1+$0x0], $0xffff  }
0x1c0: {  	v21 =	vor.u32 s9, v6;
	v10 =	vld.idx.msk [tilespmem:v10+s1+$0x0], $0xffff;
	[tilespmem:s18+$0xFFFFFFA0] =	vst v12  }
0x1c1: {  	v12 =	vor.u32 s19, v6;
	[tilespmem:s18+$0x90] =	vst v16;
	v17 =	vld.idx.msk [tilespmem:v17+s1+$0x0], $0xffff  }
0x1c2: {  	[tilespmem:s18+$0x30] =	vst v15;
	v15 =	vor.u32 s8, v6;
	v16 =	vld.idx.msk [tilespmem:v18+s1+$0x0], $0xffff  }
0x1c3: {  	v14 =	vor.u32 s16, v3;
	[tilespmem:s5+$0xC0] =	vst v9;
	v18 =	vld.idx.msk [tilespmem:v19+s1+$0x0], $0xffff  }
0x1c4: {  	[tilespmem:s5+$0xFFFFFFD0] =	vst v20;
	v9 =	vor.u32 s10, v1;
	v11 =	vld.idx.msk [tilespmem:v11+s1+$0x0], $0xffff  }
0x1c5: {  	v19 =	vor.u32 s0, v4;
	v20 =	vld.idx.msk [tilespmem:v21+s1+$0x0], $0xffff;
	[tilespmem:s5+$0xFFFFFF50] =	vst v13  }
0x1c6: {  	v13 =	vor.u32 s11, v6;
	v12 =	vld.idx.msk [tilespmem:v12+s1+$0x0], $0xffff  }
0x1c7: {  	v21 =	vor.u32 s19, v7;
	[tilespmem:s26+$0x0] =	vst v10;
	v22 =	vld.idx.msk [tilespmem:v15+s1+$0x0], $0xffff  }
0x1c8: {  	v10 =	vor.u32 s2, v2;
	[tilespmem:s18+$0xFFFFFFB0] =	vst v17;
	v17 =	vld.idx.msk [tilespmem:v14+s1+$0x0], $0xffff  }
0x1c9: {  	v23 =	vor.u32 s7, v1;
	v9 =	vld.idx.msk [tilespmem:v9+s1+$0x0], $0xffff;
	[tilespmem:s26+$0xFFFFFF80] =	vst v16  }
0x1ca: {  	v19 =	vld.idx.msk [tilespmem:v19+s1+$0x0], $0xffff;
	[tilespmem:s5+$0xD0] =	vst v11;
	v11 =	vor.u32 s9, v7  }
0x1cb: {  	v16 =	vor.u32 s8, v7;
	v13 =	vld.idx.msk [tilespmem:v13+s1+$0x0], $0xffff;
	[tilespmem:s5+$0xFFFFFF60] =	vst v12  }
0x1cc: {  	[tilespmem:s26+$0xFFFFFF10] =	vst v18;
	v12 =	vld.idx.msk [tilespmem:v21+s1+$0x0], $0xffff;
	v21 =	vor.u32 s11, v7  }
0x1cd: {  	v25 =	vor.u32 s10, v2;
	[tilespmem:s5+$0xFFFFFFE0] =	vst v20;
	v24 =	vld.idx.msk [tilespmem:v10+s1+$0x0], $0xffff  }
0x1ce: {  	v14 =	vor.u32 s0, v5;
	v18 =	vld.idx.msk [tilespmem:v23+s1+$0x0], $0xffff;
	[tilespmem:s5+$0x60] =	vst v22  }
0x1cf: {  	v23 =	vor.u32 s2, v3;
	[tilespmem:s26+$0x10] =	vst v9;
	v15 =	vld.idx.msk [tilespmem:v11+s1+$0x0], $0xffff  }
0x1d0: {  	v22 =	vor.u32 s30, v2;
	v16 =	vld.idx.msk [tilespmem:v16+s1+$0x0], $0xffff;
	[tilespmem:s5+$0xE0] =	vst v13  }
0x1d1: {  	v10 =	vor.u32 s29, v4;
	[tilespmem:s18+$0x40] =	vst v19;
	v20 =	vld.idx.msk [tilespmem:v21+s1+$0x0], $0xffff;
	v21 =	vor.u32 s16, v4  }
0x1d2: {  	s8 =	simm.s32 $0x8;
	s9 =	simm.s32 $0x30;
	v9 =	vor.u32 s7, v4;
	v19 =	vor.u32 s7, v2;
	v11 =	vor.u32 s25, v1;
	v13 =	vld.idx.msk [tilespmem:v25+s1+$0x0], $0xffff;
	[tilespmem:s18+$0xA0] =	vst v24  }
.LBB2_7:
0x1d3: {  	v24 =	vor.u32 s9, v0;
	s19 =	sadd.s32 $0x4, s9;
	s8 =	sadd.s32 $0x4, s8;
	[tilespmem:s18+$0xFFFFFF30] =	vst v17;
	v14 =	vld.idx.msk [tilespmem:v14+s1+$0x0], $0xffff  }
0x1d4: {  	s4 =	sadd.s32 $0x8, s9;
	v17 =	vor.u32 s19, v0;
	v25 =	vor.u32 s19, v4;
	p2 =	slt.u32 s8, $0x1C;
	v23 =	vld.idx.msk [tilespmem:v23+s1+$0x0], $0xffff;
	[tilespmem:s5+$0xFFFFFFF0] =	vst v15  }
0x1d5: {  	s11 =	sadd.s32 $0xC, s9;
	v15 =	vor.u32 s4, v0;
	v22 =	vld.idx.msk [tilespmem:v22+s1+$0x0], $0xffff;
	[tilespmem:s5+$0x70] =	vst v16  }
0x1d6: {  	v16 =	vor.u32 s11, v0;
	[tilespmem:s26+$0xFFFFFF90] =	vst v18;
	v18 =	vld.idx.msk [tilespmem:v21+s1+$0x0], $0xffff;
	v21 =	vor.u32 s2, v4  }
0x1d7: {  	v19 =	vld.idx.msk [tilespmem:v19+s1+$0x0], $0xffff;
	[tilespmem:s5+$0xF0] =	vst v20  }
0x1d8: {  	v20 =	vor.u32 s10, v3;
	v26 =	vld.idx.msk [tilespmem:v10+s1+$0x0], $0xffff;
	[tilespmem:s5+$0xFFFFFF70] =	vst v12;
	v10 =	vmov v9;
	v9 =	vmov v25;
	s5 =	smov.u32 s18;
	s18 =	smov.u32 s26  }
0x1d9: {  	v12 =	vld.idx.msk [tilespmem:v24+s1+$0x0], $0xffff;
	[tilespmem:s26+$0x80] =	vst v8;
	v24 =	vor.u32 s16, v5  }
0x1da: {  	v28 =	vor.u32 s29, v5;
	v25 =	vor.u32 s9, v1;
	v27 =	vld.idx.msk [tilespmem:v11+s1+$0x0], $0xffff;
	[tilespmem:s5+$0xB0] =	vst v23  }
0x1db: {  	v29 =	vor.u32 s19, v1;
	[tilespmem:s26+$0xFFFFFF20] =	vst v22;
	v21 =	vld.idx.msk [tilespmem:v21+s1+$0x0], $0xffff  }
0x1dc: {  	v22 =	vor.u32 s4, v1;
	v8 =	vld.idx.msk [tilespmem:v16+s1+$0x0], $0xffff;
	v16 =	vor.u32 s7, v3;
	[tilespmem:s26+$0x20] =	vst v13  }
0x1dd: {  	v11 =	vor.u32 s11, v1;
	s26 =	sadd.s32 $0x200, s26;
	v13 =	vld.idx.msk [tilespmem:v20+s1+$0x0], $0xffff;
	[tilespmem:s5+$0xFFFFFF40] =	vst v18;
	v18 =	vor.u32 s2, v5  }
0x1de: {  	v20 =	vld.idx.msk [tilespmem:v24+s1+$0x0], $0xffff;
	[tilespmem:s5+$0xFFFFFFC0] =	vst v26  }
0x1df: {  	[tilespmem:s26+$0xFFFFFF00] =	vst v12;
	v12 =	vld.idx.msk [tilespmem:v28+s1+$0x0], $0xffff  }
0x1e0: {  	v15 =	vld.idx.msk [tilespmem:v15+s1+$0x0], $0xffff;
	[tilespmem:s18+$0xFFFFFFA0] =	vst v19;
	v19 =	vor.u32 s16, v6  }
0x1e1: {  	v23 =	vor.u32 s29, v6;
	v16 =	vld.idx.msk [tilespmem:v16+s1+$0x0], $0xffff;
	[tilespmem:s5+$0xC0] =	vst v21  }
0x1e2: {  	[tilespmem:s18+$0x90] =	vst v27;
	v18 =	vld.idx.msk [tilespmem:v18+s1+$0x0], $0xffff  }
0x1e3: {  	v17 =	vld.idx.msk [tilespmem:v17+s1+$0x0], $0xffff;
	[tilespmem:s18+$0x30] =	vst v13;
	v13 =	vor.u32 s0, v6  }
0x1e4: {  	v21 =	vld.idx.msk [tilespmem:v25+s1+$0x0], $0xffff;
	[tilespmem:s5+$0xFFFFFF50] =	vst v20;
	v20 =	vor.u32 s2, v6  }
0x1e5: {  	v24 =	vor.u32 s10, v4;
	v19 =	vld.idx.msk [tilespmem:v19+s1+$0x0], $0xffff;
	[tilespmem:s5+$0xFFFFFFD0] =	vst v12  }
0x1e6: {  	v12 =	vor.u32 s25, v2;
	[tilespmem:s26+$0x0] =	vst v15;
	v15 =	vld.idx.msk [tilespmem:v23+s1+$0x0], $0xffff  }
0x1e7: {  	v25 =	vld.idx.msk [tilespmem:v22+s1+$0x0], $0xffff;
	v22 =	vor.u32 s16, v7;
	[tilespmem:s5+$0x50] =	vst v14;
	s16 =	smov.u32 s30;
	s30 =	smov.u32 s9  }
0x1e8: {  	v14 =	vor.u32 s16, v3;
	v13 =	vld.idx.msk [tilespmem:v13+s1+$0x0], $0xffff;
	[tilespmem:s5+$0xD0] =	vst v18  }
0x1e9: {  	[tilespmem:s18+$0xFFFFFFB0] =	vst v16;
	v16 =	vor.u32 s29, v7;
	v18 =	vld.idx.msk [tilespmem:v20+s1+$0x0], $0xffff;
	s29 =	smov.u32 s7;
	s7 =	smov.u32 s19  }
0x1ea: {  	[tilespmem:s26+$0xFFFFFF80] =	vst v17;
	v20 =	vld.idx.msk [tilespmem:v24+s1+$0x0], $0xffff;
	v24 =	vor.u32 s0, v7;
	s0 =	smov.u32 s10;
	s10 =	smov.u32 s4  }
0x1eb: {  	v26 =	vld.idx.msk [tilespmem:v12+s1+$0x0], $0xffff;
	[tilespmem:s5+$0xFFFFFF60] =	vst v19  }
0x1ec: {  	v19 =	vor.u32 s2, v7;
	s2 =	smov.u32 s25;
	s25 =	smov.u32 s11;
	[tilespmem:s26+$0xFFFFFF10] =	vst v21;
	v12 =	vld.idx.msk [tilespmem:v22+s1+$0x0], $0xffff  }
0x1ed: {  	v27 =	vor.u32 s10, v2;
	v17 =	vld.idx.msk [tilespmem:v14+s1+$0x0], $0xffff;
	[tilespmem:s5+$0xFFFFFFE0] =	vst v15  }
.Ltmp4:
0x1ee: {  	v14 =	vor.u32 s0, v5;
	v15 =	vld.idx.msk [tilespmem:v16+s1+$0x0], $0xffff;
	[tilespmem:s5+$0x60] =	vst v13;
	(pc) =	sbr.rel @p2 .LBB2_7-.Ltmp4, $4  }
0x1ef: {  	v23 =	vor.u32 s2, v3;
	v16 =	vld.idx.msk [tilespmem:v24+s1+$0x0], $0xffff;
	[tilespmem:s5+$0xE0] =	vst v18  }
0x1f0: {  	v22 =	vor.u32 s9, v2;
	v18 =	vld.idx.msk [tilespmem:v29+s1+$0x0], $0xffff;
	[tilespmem:s26+$0x10] =	vst v25  }
0x1f1: {  	v21 =	vor.u32 s16, v4;
	[tilespmem:s18+$0x40] =	vst v20;
	v20 =	vld.idx.msk [tilespmem:v19+s1+$0x0], $0xffff  }
0x1f2: {  	s9 =	sadd.s32 $0x10, s9;
	v19 =	vor.u32 s7, v2;
	v13 =	vld.idx.msk [tilespmem:v27+s1+$0x0], $0xffff;
	[tilespmem:s18+$0xA0] =	vst v26  }
0x1f3: {  	_ = 	snop  }
0x1f4: {  	[tilespmem:s18+$0xFFFFFF30] =	vst v17  }
0x1f5: {  	[tilespmem:s5+$0xFFFFFFF0] =	vst v15  }
0x1f6: {  	[tilespmem:s26+$0x80] =	vst v8  }
0x1f7: {  	v15 =	vld.idx.msk [tilespmem:v23+s1+$0x0], $0xffff;
	[tilespmem:s5+$0xFFFFFF70] =	vst v12  }
0x1f8: {  	v8 =	vor.u32 s10, v3;
	[tilespmem:s5+$0x70] =	vst v16;
	v16 =	vld.idx.msk [tilespmem:v22+s1+$0x0], $0xffff  }
0x1f9: {  	v17 =	vor.u32 s2, v4;
	v11 =	vld.idx.msk [tilespmem:v11+s1+$0x0], $0xffff;
	[tilespmem:s26+$0xFFFFFF90] =	vst v18  }
0x1fa: {  	v12 =	vor.u32 s25, v2;
	v10 =	vld.idx.msk [tilespmem:v10+s1+$0x0], $0xffff;
	[tilespmem:s5+$0xF0] =	vst v20  }
0x1fb: {  	v18 =	vld.idx.msk [tilespmem:v21+s1+$0x0], $0xffff;
	[tilespmem:s26+$0x20] =	vst v13  }
0x1fc: {  	v20 =	vor.u32 s16, v5;
	[tilespmem:s18+$0xB0] =	vst v15;
	v15 =	vld.idx.msk [tilespmem:v19+s1+$0x0], $0xffff  }
0x1fd: {  	v19 =	vor.u32 s29, v5;
	v8 =	vld.idx.msk [tilespmem:v8+s1+$0x0], $0xffff;
	[tilespmem:s26+$0xFFFFFF20] =	vst v16  }
0x1fe: {  	v13 =	vor.u32 s7, v3;
	v16 =	vld.idx.msk [tilespmem:v17+s1+$0x0], $0xffff;
	[tilespmem:s26+$0x90] =	vst v11  }
0x1ff: {  	[tilespmem:s18+$0xFFFFFFC0] =	vst v10;
	v11 =	vor.u32 s2, v5;
	v12 =	vld.idx.msk [tilespmem:v12+s1+$0x0], $0xffff  }
0x200: {  	v14 =	vld.idx.msk [tilespmem:v14+s1+$0x0], $0xffff;
	v10 =	vor.u32 s25, v3;
	[tilespmem:s18+$0xFFFFFF40] =	vst v18  }
0x201: {  	v17 =	vld.idx.msk [tilespmem:v20+s1+$0x0], $0xffff;
	[tilespmem:s26+$0xFFFFFFA0] =	vst v15;
	v15 =	vor.u32 s30, v3  }
0x202: {  	v18 =	vld.idx.msk [tilespmem:v19+s1+$0x0], $0xffff;
	v19 =	vor.u32 s16, v6;
	[tilespmem:s26+$0x30] =	vst v8  }
0x203: {  	[tilespmem:s18+$0xC0] =	vst v16;
	v13 =	vld.idx.msk [tilespmem:v13+s1+$0x0], $0xffff;
	v16 =	vor.u32 s29, v6  }
0x204: {  	v8 =	vld.idx.msk [tilespmem:v11+s1+$0x0], $0xffff;
	[tilespmem:s26+$0xA0] =	vst v12  }
0x205: {  	[tilespmem:s18+$0x50] =	vst v14;
	v11 =	vor.u32 s10, v4;
	v10 =	vld.idx.msk [tilespmem:v10+s1+$0x0], $0xffff  }
0x206: {  	[tilespmem:s18+$0xFFFFFF50] =	vst v17;
	v12 =	vld.idx.msk [tilespmem:v15+s1+$0x0], $0xffff;
	v15 =	vor.u32 s25, v4  }
0x207: {  	v14 =	vor.u32 s30, v4;
	[tilespmem:s18+$0xFFFFFFD0] =	vst v18;
	v17 =	vld.idx.msk [tilespmem:v19+s1+$0x0], $0xffff  }
0x208: {  	v18 =	vor.u32 s0, v6;
	v16 =	vld.idx.msk [tilespmem:v16+s1+$0x0], $0xffff;
	[tilespmem:s26+$0xFFFFFFB0] =	vst v13  }
0x209: {  	v13 =	vor.u32 s2, v6;
	[tilespmem:s18+$0xD0] =	vst v8;
	v8 =	vld.idx.msk [tilespmem:v9+s1+$0x0], $0xffff  }
0x20a: {  	v9 =	vld.idx.msk [tilespmem:v11+s1+$0x0], $0xffff;
	v11 =	vor.u32 s7, v5;
	[tilespmem:s26+$0xB0] =	vst v10  }
0x20b: {  	v10 =	vor.u32 s10, v5;
	[tilespmem:s26+$0xFFFFFF30] =	vst v12;
	v12 =	vld.idx.msk [tilespmem:v15+s1+$0x0], $0xffff  }
0x20c: {  	[tilespmem:s18+$0xFFFFFF60] =	vst v17;
	v15 =	vor.u32 s25, v5;
	v14 =	vld.idx.msk [tilespmem:v14+s1+$0x0], $0xffff  }
0x20d: {  	v17 =	vld.idx.msk [tilespmem:v18+s1+$0x0], $0xffff;
	[tilespmem:s18+$0xFFFFFFE0] =	vst v16;
	v16 =	vor.u32 s30, v5  }
0x20e: {  	v18 =	vor.u32 s29, v7;
	v13 =	vld.idx.msk [tilespmem:v13+s1+$0x0], $0xffff;
	[tilespmem:s26+$0xFFFFFFC0] =	vst v8  }
0x20f: {  	v8 =	vor.u32 s0, v7;
	[tilespmem:s26+$0x40] =	vst v9;
	v9 =	vld.idx.msk [tilespmem:v11+s1+$0x0], $0xffff  }
0x210: {  	v10 =	vld.idx.msk [tilespmem:v10+s1+$0x0], $0xffff;
	v11 =	vor.u32 s7, v6;
	[tilespmem:s26+$0xC0] =	vst v12  }
0x211: {  	[tilespmem:s26+$0xFFFFFF40] =	vst v14;
	v12 =	vld.idx.msk [tilespmem:v15+s1+$0x0], $0xffff;
	v14 =	vor.u32 s10, v6  }
0x212: {  	[tilespmem:s18+$0x60] =	vst v17;
	v15 =	vld.idx.msk [tilespmem:v16+s1+$0x0], $0xffff;
	v16 =	vor.u32 s25, v6  }
0x213: {  	v17 =	vld.idx.msk [tilespmem:v18+s1+$0x0], $0xffff;
	[tilespmem:s18+$0xE0] =	vst v13;
	v13 =	vor.u32 s30, v6  }
0x214: {  	v18 =	vor.u32 s2, v7;
	v8 =	vld.idx.msk [tilespmem:v8+s1+$0x0], $0xffff;
	[tilespmem:s26+$0xFFFFFFD0] =	vst v9  }
0x215: {  	v9 =	vor.u32 s16, v7;
	[tilespmem:s26+$0x50] =	vst v10;
	v11 =	vld.idx.msk [tilespmem:v11+s1+$0x0], $0xffff  }
0x216: {  	v10 =	vld.idx.msk [tilespmem:v14+s1+$0x0], $0xffff;
	[tilespmem:s26+$0xD0] =	vst v12;
	v12 =	vor.u32 s7, v7  }
0x217: {  	[tilespmem:s26+$0xFFFFFF50] =	vst v15;
	v14 =	vld.idx.msk [tilespmem:v16+s1+$0x0], $0xffff;
	v15 =	vor.u32 s10, v7  }
0x218: {  	[tilespmem:s18+$0xFFFFFFF0] =	vst v17;
	v16 =	vor.u32 s25, v7;
	v13 =	vld.idx.msk [tilespmem:v13+s1+$0x0], $0xffff  }
0x219: {  	v17 =	vld.idx.msk [tilespmem:v18+s1+$0x0], $0xffff;
	[tilespmem:s18+$0x70] =	vst v8;
	v8 =	vor.u32 s30, v7  }
0x21a: {  	v9 =	vld.idx.msk [tilespmem:v9+s1+$0x0], $0xffff;
	[tilespmem:s26+$0xFFFFFFE0] =	vst v11  }
0x21b: {  	v11 =	vld.idx.msk [tilespmem:v12+s1+$0x0], $0xffff;
	[tilespmem:s26+$0x60] =	vst v10  }
0x21c: {  	v10 =	vld.idx.msk [tilespmem:v15+s1+$0x0], $0xffff;
	[tilespmem:s26+$0xE0] =	vst v14  }
0x21d: {  	[tilespmem:s26+$0xFFFFFF60] =	vst v13;
	v12 =	vld.idx.msk [tilespmem:v16+s1+$0x0], $0xffff  }
0x21e: {  	[tilespmem:s18+$0xF0] =	vst v17;
	v8 =	vld.idx.msk [tilespmem:v8+s1+$0x0], $0xffff  }
0x21f: {  	[tilespmem:s18+$0xFFFFFF70] =	vst v9  }
0x220: {  	[tilespmem:s26+$0xFFFFFFF0] =	vst v11  }
0x221: {  	[tilespmem:s26+$0x70] =	vst v10  }
0x222: {  	[tilespmem:s26+$0xF0] =	vst v12  }
0x223: {  	s30 =	simm.s32 $0x8000;
	s18 =	sadd.s32 $0x8000, s22;
	[tilespmem:s26+$0xFFFFFF70] =	vst v8  }
0x224: {  	[hbm4b:s18+s3] =	stream.linear.scatter [tilespmem:s30], [sflag:$0x5], $0x1000, $0x38;
	[tilespmem:$0xA000] =	vst v63  }
0x225: {  	s0 =	rddreg [dreg:$0x8]  }
0x226: {  	s4 =	simm.s32 @!p1 $0x2000;
	s2 =	simm.s32 @!p1 $0x0;
	s0 =	sadd.s32 @!p1 s23, s0  }
0x227: {  	[tilespmem:s4], [sflag:$0x2] =	stream.linear.gather @!p1 [hbm4b:s0+s2], $0x400, $0x38;
	[tilespmem:$0xA000] =	vst v63  }
0x228: {  	s5 =	simm.s32 @!p1 $0x2800;
	s4 =	sadd.s32 @!p1 $0xF4280, s0  }
0x229: {  	[tilespmem:s5], [sflag:$0x2] =	stream.linear.gather @!p1 [hbm4b:s4+s2], $0x400, $0x38;
	[tilespmem:$0xA000] =	vst v63  }
0x22a: {  	s4 =	sadd.s32 @!p1 $0x1E8500, s0;
	s5 =	simm.s32 @!p1 $0x3000  }
0x22b: {  	[tilespmem:s5], [sflag:$0x2] =	stream.linear.gather @!p1 [hbm4b:s4+s2], $0x400, $0x38;
	[tilespmem:$0xA000] =	vst v63  }
0x22c: {  	s0 =	sadd.s32 @!p1 $0x2DC780, s0;
	s4 =	simm.s32 @!p1 $0x3800  }
0x22d: {  	[tilespmem:s4], [sflag:$0x2] =	stream.linear.gather @!p1 [hbm4b:s0+s2], $0x400, $0x38;
	[tilespmem:$0xA000] =	vst v63  }
0x22e: {  	s8 =	simm.s32 $0x8;
	_ =	swait.ge [sflag:s15], $0x1000  }
0x22f: {  	v8 =	vor.u32 s8, v0;
	[sflag:s15] =	ssyncset.done $0x0  }
0x230: {  	s19 =	simm.s32 $0x0;
	[sflag:s15] =	ssyncadd.s32 $0xFFFFF000  }
0x231: {  	s9 =	simm.s32 $0x4;
	v9 =	vor.u32 s19, v0;
	_ =	swait.ge [sflag:s17], $0x1000  }
0x232: {  	v10 =	vor.u32 s9, v0;
	[sflag:s17] =	ssyncset.done $0x0  }
0x233: {  	[sflag:s17] =	ssyncadd.s32 $0xFFFFF000  }
0x234: {  	v8 =	vld.idx.msk [tilespmem:v8+s24+$0x0], $0xffff  }
0x235: {  	v11 =	vor.u32 s8, v1  }
0x236: {  	v9 =	vld.idx.msk [tilespmem:v9+s24+$0x0], $0xffff  }
0x237: {  	v10 =	vld.idx.msk [tilespmem:v10+s24+$0x0], $0xffff  }
0x238: {  	v13 =	vor.u32 s9, v1;
	s5 =	simm.s32 $0x91F0  }
0x239: {  	v12 =	vor.u32 s19, v1;
	[tilespmem:s5+$0xFFFFFF10] =	vst v8  }
0x23a: {  	s11 =	simm.s32 $0xC;
	v8 =	vld.idx.msk [tilespmem:v11+s24+$0x0], $0xffff  }
0x23b: {  	[tilespmem:s5+$0xFFFFFE10] =	vst v9;
	v11 =	vor.u32 s11, v0  }
0x23c: {  	s22 =	simm.s32 $0x14;
	v9 =	vor.u32 s8, v2;
	[tilespmem:s5+$0xFFFFFE90] =	vst v10  }
0x23d: {  	v18 =	vor.u32 s22, v0;
	v13 =	vld.idx.msk [tilespmem:v13+s24+$0x0], $0xffff  }
0x23e: {  	s16 =	simm.s32 $0x10;
	v14 =	vor.u32 s9, v2;
	v12 =	vld.idx.msk [tilespmem:v12+s24+$0x0], $0xffff  }
0x23f: {  	[tilespmem:s5+$0xFFFFFF20] =	vst v8;
	v8 =	vor.u32 s16, v0  }
0x240: {  	s0 =	simm.s32 $0x18;
	v10 =	vor.u32 s19, v2;
	v11 =	vld.idx.msk [tilespmem:v11+s24+$0x0], $0xffff  }
0x241: {  	v15 =	vor.u32 s0, v0;
	v9 =	vld.idx.msk [tilespmem:v9+s24+$0x0], $0xffff  }
0x242: {  	v16 =	vor.u32 s11, v1;
	v18 =	vld.idx.msk [tilespmem:v18+s24+$0x0], $0xffff;
	[tilespmem:s5+$0xFFFFFEA0] =	vst v13  }
0x243: {  	[tilespmem:s5+$0xFFFFFE20] =	vst v12;
	v12 =	vor.u32 s8, v3;
	v14 =	vld.idx.msk [tilespmem:v14+s24+$0x0], $0xffff  }
0x244: {  	v17 =	vor.u32 s9, v3;
	v8 =	vld.idx.msk [tilespmem:v8+s24+$0x0], $0xffff  }
0x245: {  	v19 =	vor.u32 s16, v1;
	v10 =	vld.idx.msk [tilespmem:v10+s24+$0x0], $0xffff;
	[tilespmem:s5+$0xFFFFFF90] =	vst v11  }
0x246: {  	v20 =	vor.u32 s22, v1;
	s18 =	simm.s32 $0x93F0;
	[tilespmem:s5+$0xFFFFFF30] =	vst v9;
	v9 =	vld.idx.msk [tilespmem:v15+s24+$0x0], $0xffff  }
0x247: {  	[tilespmem:s18+$0xFFFFFE90] =	vst v18;
	v11 =	vor.u32 s0, v1;
	v15 =	vld.idx.msk [tilespmem:v16+s24+$0x0], $0xffff  }
0x248: {  	[tilespmem:s5+$0xFFFFFEB0] =	vst v14;
	v14 =	vor.u32 s11, v2;
	v12 =	vld.idx.msk [tilespmem:v12+s24+$0x0], $0xffff  }
0x249: {  	s2 =	simm.s32 $0x1C;
	v16 =	vor.u32 s8, v4;
	v17 =	vld.idx.msk [tilespmem:v17+s24+$0x0], $0xffff;
	[tilespmem:s18+$0xFFFFFE10] =	vst v8  }
0x24a: {  	v13 =	vor.u32 s2, v0;
	[tilespmem:s5+$0xFFFFFE30] =	vst v10;
	v10 =	vld.idx.msk [tilespmem:v19+s24+$0x0], $0xffff  }
0x24b: {  	[tilespmem:s18+$0xFFFFFF10] =	vst v9;
	v9 =	vor.u32 s19, v3;
	v19 =	vld.idx.msk [tilespmem:v20+s24+$0x0], $0xffff  }
0x24c: {  	[tilespmem:s5+$0xFFFFFFA0] =	vst v15;
	v20 =	vor.u32 s9, v4;
	v11 =	vld.idx.msk [tilespmem:v11+s24+$0x0], $0xffff  }
0x24d: {  	v15 =	vor.u32 s0, v2;
	[tilespmem:s5+$0xFFFFFF40] =	vst v12;
	v8 =	vld.idx.msk [tilespmem:v14+s24+$0x0], $0xffff  }
0x24e: {  	v12 =	vld.idx.msk [tilespmem:v16+s24+$0x0], $0xffff;
	v16 =	vor.u32 s11, v3  }
0x24f: {  	v13 =	vld.idx.msk [tilespmem:v13+s24+$0x0], $0xffff;
	v14 =	vor.u32 s8, v5;
	[tilespmem:s5+$0xFFFFFEC0] =	vst v17  }
0x250: {  	v18 =	vor.u32 s16, v2;
	v9 =	vld.idx.msk [tilespmem:v9+s24+$0x0], $0xffff;
	[tilespmem:s18+$0xFFFFFE20] =	vst v10  }
0x251: {  	s23 =	simm.s32 $0x20;
	v20 =	vld.idx.msk [tilespmem:v20+s24+$0x0], $0xffff;
	[tilespmem:s18+$0xFFFFFF20] =	vst v11;
	v11 =	vor.u32 s19, v4  }
0x252: {  	s25 =	simm.s32 $0x2C;
	[tilespmem:s5+$0xFFFFFFB0] =	vst v8;
	v8 =	vor.u32 s23, v0;
	v15 =	vld.idx.msk [tilespmem:v15+s24+$0x0], $0xffff  }
0x253: {  	v17 =	vor.u32 s25, v0;
	[tilespmem:s5+$0xFFFFFF50] =	vst v12;
	v10 =	vld.idx.msk [tilespmem:v16+s24+$0x0], $0xffff  }
0x254: {  	v12 =	vor.u32 s22, v2;
	v14 =	vld.idx.msk [tilespmem:v14+s24+$0x0], $0xffff  }
0x255: {  	v16 =	vor.u32 s2, v1;
	[tilespmem:s5+$0xFFFFFE40] =	vst v9;
	v9 =	vld.idx.msk [tilespmem:v18+s24+$0x0], $0xffff  }
0x256: {  	[tilespmem:s18+$0xFFFFFEA0] =	vst v19;
	v19 =	vor.u32 s0, v3;
	v11 =	vld.idx.msk [tilespmem:v11+s24+$0x0], $0xffff  }
0x257: {  	[tilespmem:s18+$0xFFFFFF90] =	vst v13;
	v18 =	vor.u32 s11, v4;
	v21 =	vld.idx.msk [tilespmem:v8+s24+$0x0], $0xffff  }
0x258: {  	v22 =	vor.u32 s9, v5;
	[tilespmem:s5+$0xFFFFFED0] =	vst v20;
	v8 =	vld.idx.msk [tilespmem:v17+s24+$0x0], $0xffff  }
0x259: {  	s10 =	simm.s32 $0x28;
	v13 =	vor.u32 s19, v5;
	v12 =	vld.idx.msk [tilespmem:v12+s24+$0x0], $0xffff;
	[tilespmem:s5+$0xFFFFFFC0] =	vst v10  }
0x25a: {  	v16 =	vld.idx.msk [tilespmem:v16+s24+$0x0], $0xffff;
	v10 =	vor.u32 s10, v0;
	[tilespmem:s18+$0xFFFFFF30] =	vst v15  }
0x25b: {  	s7 =	simm.s32 $0x24;
	v17 =	vor.u32 s22, v3;
	v15 =	vld.idx.msk [tilespmem:v19+s24+$0x0], $0xffff;
	[tilespmem:s5+$0xFFFFFF60] =	vst v14  }
0x25c: {  	[tilespmem:s18+$0xFFFFFE30] =	vst v9;
	v9 =	vld.idx.msk [tilespmem:v18+s24+$0x0], $0xffff;
	v18 =	vor.u32 s7, v0  }
0x25d: {  	s29 =	simm.s32 $0x95F0;
	v20 =	vld.idx.msk [tilespmem:v22+s24+$0x0], $0xffff;
	v19 =	vor.u32 s23, v1;
	[tilespmem:s5+$0xFFFFFE50] =	vst v11  }
0x25e: {  	v11 =	vor.u32 s11, v5;
	[tilespmem:s29+$0xFFFFFE10] =	vst v21;
	v13 =	vld.idx.msk [tilespmem:v13+s24+$0x0], $0xffff  }
0x25f: {  	v21 =	vor.u32 s9, v6;
	v10 =	vld.idx.msk [tilespmem:v10+s24+$0x0], $0xffff;
	[tilespmem:s18+$0xFFFFFEB0] =	vst v12  }
0x260: {  	v12 =	vor.u32 s19, v6;
	[tilespmem:s18+$0xFFFFFFA0] =	vst v16;
	v17 =	vld.idx.msk [tilespmem:v17+s24+$0x0], $0xffff  }
0x261: {  	[tilespmem:s18+$0xFFFFFF40] =	vst v15;
	v15 =	vor.u32 s8, v6;
	v16 =	vld.idx.msk [tilespmem:v18+s24+$0x0], $0xffff  }
0x262: {  	v14 =	vor.u32 s16, v3;
	[tilespmem:s5+$0xFFFFFFD0] =	vst v9;
	v18 =	vld.idx.msk [tilespmem:v19+s24+$0x0], $0xffff  }
0x263: {  	[tilespmem:s5+$0xFFFFFEE0] =	vst v20;
	v9 =	vor.u32 s10, v1;
	v11 =	vld.idx.msk [tilespmem:v11+s24+$0x0], $0xffff  }
0x264: {  	v19 =	vor.u32 s0, v4;
	v20 =	vld.idx.msk [tilespmem:v21+s24+$0x0], $0xffff;
	[tilespmem:s5+$0xFFFFFE60] =	vst v13  }
0x265: {  	v13 =	vor.u32 s11, v6;
	v12 =	vld.idx.msk [tilespmem:v12+s24+$0x0], $0xffff  }
0x266: {  	v21 =	vor.u32 s19, v7;
	[tilespmem:s29+$0xFFFFFF10] =	vst v10;
	v22 =	vld.idx.msk [tilespmem:v15+s24+$0x0], $0xffff  }
0x267: {  	v10 =	vor.u32 s2, v2;
	[tilespmem:s18+$0xFFFFFEC0] =	vst v17;
	v17 =	vld.idx.msk [tilespmem:v14+s24+$0x0], $0xffff  }
0x268: {  	v23 =	vor.u32 s7, v1;
	v9 =	vld.idx.msk [tilespmem:v9+s24+$0x0], $0xffff;
	[tilespmem:s29+$0xFFFFFE90] =	vst v16  }
0x269: {  	v19 =	vld.idx.msk [tilespmem:v19+s24+$0x0], $0xffff;
	[tilespmem:s5+$0xFFFFFFE0] =	vst v11;
	v11 =	vor.u32 s9, v7  }
0x26a: {  	v16 =	vor.u32 s8, v7;
	v13 =	vld.idx.msk [tilespmem:v13+s24+$0x0], $0xffff;
	[tilespmem:s5+$0xFFFFFE70] =	vst v12  }
0x26b: {  	[tilespmem:s29+$0xFFFFFE20] =	vst v18;
	v12 =	vld.idx.msk [tilespmem:v21+s24+$0x0], $0xffff;
	v21 =	vor.u32 s11, v7  }
0x26c: {  	v25 =	vor.u32 s10, v2;
	[tilespmem:s5+$0xFFFFFEF0] =	vst v20;
	v24 =	vld.idx.msk [tilespmem:v10+s24+$0x0], $0xffff  }
0x26d: {  	v14 =	vor.u32 s0, v5;
	v18 =	vld.idx.msk [tilespmem:v23+s24+$0x0], $0xffff;
	[tilespmem:s5+$0xFFFFFF70] =	vst v22  }
0x26e: {  	v23 =	vor.u32 s2, v3;
	[tilespmem:s29+$0xFFFFFF20] =	vst v9;
	v15 =	vld.idx.msk [tilespmem:v11+s24+$0x0], $0xffff  }
0x26f: {  	v22 =	vor.u32 s23, v2;
	v16 =	vld.idx.msk [tilespmem:v16+s24+$0x0], $0xffff;
	[tilespmem:s5+$0xFFFFFFF0] =	vst v13  }
0x270: {  	v10 =	vor.u32 s22, v4;
	[tilespmem:s18+$0xFFFFFF50] =	vst v19;
	v20 =	vld.idx.msk [tilespmem:v21+s24+$0x0], $0xffff;
	v21 =	vor.u32 s16, v4  }
0x271: {  	s8 =	simm.s32 $0x8;
	s9 =	simm.s32 $0x30;
	v9 =	vor.u32 s7, v4;
	v19 =	vor.u32 s7, v2;
	v11 =	vor.u32 s25, v1;
	v13 =	vld.idx.msk [tilespmem:v25+s24+$0x0], $0xffff;
	[tilespmem:s18+$0xFFFFFFB0] =	vst v24  }
.LBB2_9:
0x272: {  	v24 =	vor.u32 s9, v0;
	s19 =	sadd.s32 $0x4, s9;
	s8 =	sadd.s32 $0x4, s8;
	[tilespmem:s18+$0xFFFFFE40] =	vst v17;
	v14 =	vld.idx.msk [tilespmem:v14+s24+$0x0], $0xffff  }
0x273: {  	s4 =	sadd.s32 $0x8, s9;
	v17 =	vor.u32 s19, v0;
	v25 =	vor.u32 s19, v4;
	p2 =	slt.u32 s8, $0x1C;
	v23 =	vld.idx.msk [tilespmem:v23+s24+$0x0], $0xffff;
	[tilespmem:s5+$0xFFFFFF00] =	vst v15  }
0x274: {  	s11 =	sadd.s32 $0xC, s9;
	v15 =	vor.u32 s4, v0;
	v22 =	vld.idx.msk [tilespmem:v22+s24+$0x0], $0xffff;
	[tilespmem:s5+$0xFFFFFF80] =	vst v16  }
0x275: {  	v16 =	vor.u32 s11, v0;
	[tilespmem:s29+$0xFFFFFEA0] =	vst v18;
	v18 =	vld.idx.msk [tilespmem:v21+s24+$0x0], $0xffff;
	v21 =	vor.u32 s2, v4  }
0x276: {  	v19 =	vld.idx.msk [tilespmem:v19+s24+$0x0], $0xffff;
	[tilespmem:s5+$0x0] =	vst v20  }
0x277: {  	v20 =	vor.u32 s10, v3;
	v26 =	vld.idx.msk [tilespmem:v10+s24+$0x0], $0xffff;
	[tilespmem:s5+$0xFFFFFE80] =	vst v12;
	v10 =	vmov v9;
	v9 =	vmov v25;
	s5 =	smov.u32 s18;
	s18 =	smov.u32 s29  }
0x278: {  	v12 =	vld.idx.msk [tilespmem:v24+s24+$0x0], $0xffff;
	[tilespmem:s29+$0xFFFFFF90] =	vst v8;
	v24 =	vor.u32 s16, v5  }
0x279: {  	v28 =	vor.u32 s22, v5;
	v25 =	vor.u32 s9, v1;
	v27 =	vld.idx.msk [tilespmem:v11+s24+$0x0], $0xffff;
	[tilespmem:s5+$0xFFFFFFC0] =	vst v23  }
0x27a: {  	v29 =	vor.u32 s19, v1;
	[tilespmem:s29+$0xFFFFFE30] =	vst v22;
	v21 =	vld.idx.msk [tilespmem:v21+s24+$0x0], $0xffff  }
0x27b: {  	v22 =	vor.u32 s4, v1;
	v8 =	vld.idx.msk [tilespmem:v16+s24+$0x0], $0xffff;
	v16 =	vor.u32 s7, v3;
	[tilespmem:s29+$0xFFFFFF30] =	vst v13  }
0x27c: {  	v11 =	vor.u32 s11, v1;
	s29 =	sadd.s32 $0x200, s29;
	v13 =	vld.idx.msk [tilespmem:v20+s24+$0x0], $0xffff;
	[tilespmem:s5+$0xFFFFFE50] =	vst v18;
	v18 =	vor.u32 s2, v5  }
0x27d: {  	v20 =	vld.idx.msk [tilespmem:v24+s24+$0x0], $0xffff;
	[tilespmem:s5+$0xFFFFFED0] =	vst v26  }
0x27e: {  	[tilespmem:s29+$0xFFFFFE10] =	vst v12;
	v12 =	vld.idx.msk [tilespmem:v28+s24+$0x0], $0xffff  }
0x27f: {  	v15 =	vld.idx.msk [tilespmem:v15+s24+$0x0], $0xffff;
	[tilespmem:s18+$0xFFFFFEB0] =	vst v19;
	v19 =	vor.u32 s16, v6  }
0x280: {  	v23 =	vor.u32 s22, v6;
	v16 =	vld.idx.msk [tilespmem:v16+s24+$0x0], $0xffff;
	[tilespmem:s5+$0xFFFFFFD0] =	vst v21  }
0x281: {  	[tilespmem:s18+$0xFFFFFFA0] =	vst v27;
	v18 =	vld.idx.msk [tilespmem:v18+s24+$0x0], $0xffff  }
0x282: {  	v17 =	vld.idx.msk [tilespmem:v17+s24+$0x0], $0xffff;
	[tilespmem:s18+$0xFFFFFF40] =	vst v13;
	v13 =	vor.u32 s0, v6  }
0x283: {  	v21 =	vld.idx.msk [tilespmem:v25+s24+$0x0], $0xffff;
	[tilespmem:s5+$0xFFFFFE60] =	vst v20;
	v20 =	vor.u32 s2, v6  }
0x284: {  	v24 =	vor.u32 s10, v4;
	v19 =	vld.idx.msk [tilespmem:v19+s24+$0x0], $0xffff;
	[tilespmem:s5+$0xFFFFFEE0] =	vst v12  }
0x285: {  	v12 =	vor.u32 s25, v2;
	[tilespmem:s29+$0xFFFFFF10] =	vst v15;
	v15 =	vld.idx.msk [tilespmem:v23+s24+$0x0], $0xffff  }
0x286: {  	v25 =	vld.idx.msk [tilespmem:v22+s24+$0x0], $0xffff;
	v22 =	vor.u32 s16, v7;
	[tilespmem:s5+$0xFFFFFF60] =	vst v14;
	s16 =	smov.u32 s23;
	s23 =	smov.u32 s9  }
0x287: {  	v14 =	vor.u32 s16, v3;
	v13 =	vld.idx.msk [tilespmem:v13+s24+$0x0], $0xffff;
	[tilespmem:s5+$0xFFFFFFE0] =	vst v18  }
0x288: {  	[tilespmem:s18+$0xFFFFFEC0] =	vst v16;
	v16 =	vor.u32 s22, v7;
	v18 =	vld.idx.msk [tilespmem:v20+s24+$0x0], $0xffff;
	s22 =	smov.u32 s7;
	s7 =	smov.u32 s19  }
0x289: {  	[tilespmem:s29+$0xFFFFFE90] =	vst v17;
	v20 =	vld.idx.msk [tilespmem:v24+s24+$0x0], $0xffff;
	v24 =	vor.u32 s0, v7;
	s0 =	smov.u32 s10;
	s10 =	smov.u32 s4  }
0x28a: {  	v26 =	vld.idx.msk [tilespmem:v12+s24+$0x0], $0xffff;
	[tilespmem:s5+$0xFFFFFE70] =	vst v19  }
0x28b: {  	v19 =	vor.u32 s2, v7;
	s2 =	smov.u32 s25;
	s25 =	smov.u32 s11;
	[tilespmem:s29+$0xFFFFFE20] =	vst v21;
	v12 =	vld.idx.msk [tilespmem:v22+s24+$0x0], $0xffff  }
0x28c: {  	v27 =	vor.u32 s10, v2;
	v17 =	vld.idx.msk [tilespmem:v14+s24+$0x0], $0xffff;
	[tilespmem:s5+$0xFFFFFEF0] =	vst v15  }
.Ltmp5:
0x28d: {  	v14 =	vor.u32 s0, v5;
	v15 =	vld.idx.msk [tilespmem:v16+s24+$0x0], $0xffff;
	[tilespmem:s5+$0xFFFFFF70] =	vst v13;
	(pc) =	sbr.rel @p2 .LBB2_9-.Ltmp5, $4  }
0x28e: {  	v23 =	vor.u32 s2, v3;
	v16 =	vld.idx.msk [tilespmem:v24+s24+$0x0], $0xffff;
	[tilespmem:s5+$0xFFFFFFF0] =	vst v18  }
0x28f: {  	v22 =	vor.u32 s9, v2;
	v18 =	vld.idx.msk [tilespmem:v29+s24+$0x0], $0xffff;
	[tilespmem:s29+$0xFFFFFF20] =	vst v25  }
0x290: {  	v21 =	vor.u32 s16, v4;
	[tilespmem:s18+$0xFFFFFF50] =	vst v20;
	v20 =	vld.idx.msk [tilespmem:v19+s24+$0x0], $0xffff  }
0x291: {  	s9 =	sadd.s32 $0x10, s9;
	v19 =	vor.u32 s7, v2;
	v13 =	vld.idx.msk [tilespmem:v27+s24+$0x0], $0xffff;
	[tilespmem:s18+$0xFFFFFFB0] =	vst v26  }
0x292: {  	_ = 	snop  }
0x293: {  	[tilespmem:s18+$0xFFFFFE40] =	vst v17  }
0x294: {  	[tilespmem:s5+$0xFFFFFF00] =	vst v15  }
0x295: {  	[tilespmem:s29+$0xFFFFFF90] =	vst v8  }
0x296: {  	v58 =	vld.idx.msk [tilespmem:v23+s24+$0x0], $0xffff;
	[tilespmem:s5+$0xFFFFFE80] =	vst v12  }
0x297: {  	v59 =	vld.idx.msk [tilespmem:v22+s24+$0x0], $0xffff;
	v8 =	vor.u32 s10, v3;
	[tilespmem:s5+$0xFFFFFF80] =	vst v16  }
0x298: {  	v60 =	vor.u32 s2, v4;
	v11 =	vld.idx.msk [tilespmem:v11+s24+$0x0], $0xffff;
	[tilespmem:s29+$0xFFFFFEA0] =	vst v18  }
0x299: {  	v62 =	vor.u32 s25, v2;
	v10 =	vld.idx.msk [tilespmem:v10+s24+$0x0], $0xffff;
	[tilespmem:s5+$0x0] =	vst v20  }
0x29a: {  	v14 =	vld.idx.msk [tilespmem:v14+s24+$0x0], $0xffff;
	[tilespmem:s29+$0xFFFFFF30] =	vst v13  }
0x29b: {  	v25 =	vor.u32 s22, v5;
	v24 =	vld.idx.msk [tilespmem:v19+s24+$0x0], $0xffff;
	[tilespmem:s18+$0xFFFFFFC0] =	vst v58  }
0x29c: {  	v32 =	vor.u32 s23, v3;
	[tilespmem:s29+$0xFFFFFE30] =	vst v59;
	v8 =	vld.idx.msk [tilespmem:v8+s24+$0x0], $0xffff  }
0x29d: {  	v27 =	vor.u32 s7, v3;
	v26 =	vld.idx.msk [tilespmem:v60+s24+$0x0], $0xffff;
	[tilespmem:s29+$0xFFFFFFA0] =	vst v11  }
0x29e: {  	v28 =	vor.u32 s2, v5;
	[tilespmem:s18+$0xFFFFFED0] =	vst v10;
	v12 =	vld.idx.msk [tilespmem:v62+s24+$0x0], $0xffff  }
0x29f: {  	v30 =	vor.u32 s25, v3;
	v61 =	vld.idx.msk [tilespmem:v21+s24+$0x0], $0xffff;
	[tilespmem:s18+$0xFFFFFF60] =	vst v14  }
0x2a0: {  	v39 =	vor.u32 s0, v6;
	v31 =	vld.idx.msk [tilespmem:v25+s24+$0x0], $0xffff;
	[tilespmem:s29+$0xFFFFFEB0] =	vst v24  }
0x2a1: {  	v63 =	vor.u32 s16, v5;
	v36 =	vld.idx.msk [tilespmem:v32+s24+$0x0], $0xffff;
	[tilespmem:s29+$0xFFFFFF40] =	vst v8  }
0x2a2: {  	v35 =	vor.u32 s10, v4;
	v13 =	vld.idx.msk [tilespmem:v27+s24+$0x0], $0xffff;
	[tilespmem:s18+$0xFFFFFFD0] =	vst v26  }
0x2a3: {  	v34 =	vor.u32 s22, v6;
	v8 =	vld.idx.msk [tilespmem:v28+s24+$0x0], $0xffff;
	[tilespmem:s29+$0xFFFFFFB0] =	vst v12  }
0x2a4: {  	[tilespmem:s18+$0xFFFFFE50] =	vst v61;
	v10 =	vld.idx.msk [tilespmem:v30+s24+$0x0], $0xffff  }
0x2a5: {  	v37 =	vor.u32 s25, v4;
	v46 =	vld.idx.msk [tilespmem:v39+s24+$0x0], $0xffff;
	[tilespmem:s18+$0xFFFFFEE0] =	vst v31  }
0x2a6: {  	v38 =	vor.u32 s23, v4;
	v29 =	vld.idx.msk [tilespmem:v63+s24+$0x0], $0xffff;
	[tilespmem:s29+$0xFFFFFE40] =	vst v36  }
0x2a7: {  	v33 =	vor.u32 s16, v6;
	v41 =	vld.idx.msk [tilespmem:v35+s24+$0x0], $0xffff;
	[tilespmem:s29+$0xFFFFFEC0] =	vst v13  }
0x2a8: {  	v40 =	vor.u32 s2, v6;
	v16 =	vld.idx.msk [tilespmem:v34+s24+$0x0], $0xffff;
	[tilespmem:s18+$0xFFFFFFE0] =	vst v8  }
0x2a9: {  	v43 =	vor.u32 s10, v5;
	v8 =	vld.idx.msk [tilespmem:v9+s24+$0x0], $0xffff;
	[tilespmem:s29+$0xFFFFFFC0] =	vst v10  }
0x2aa: {  	v42 =	vor.u32 s7, v5;
	[tilespmem:s18+$0xFFFFFF70] =	vst v46;
	v44 =	vld.idx.msk [tilespmem:v37+s24+$0x0], $0xffff  }
0x2ab: {  	v45 =	vor.u32 s25, v5;
	[tilespmem:s18+$0xFFFFFE60] =	vst v29;
	v14 =	vld.idx.msk [tilespmem:v38+s24+$0x0], $0xffff  }
0x2ac: {  	v47 =	vor.u32 s23, v5;
	v17 =	vld.idx.msk [tilespmem:v33+s24+$0x0], $0xffff;
	[tilespmem:s29+$0xFFFFFF50] =	vst v41  }
0x2ad: {  	v48 =	vor.u32 s22, v7;
	[tilespmem:s18+$0xFFFFFEF0] =	vst v16;
	v13 =	vld.idx.msk [tilespmem:v40+s24+$0x0], $0xffff  }
0x2ae: {  	v10 =	vld.idx.msk [tilespmem:v43+s24+$0x0], $0xffff;
	[tilespmem:s29+$0xFFFFFED0] =	vst v8;
	v8 =	vor.u32 s0, v7  }
0x2af: {  	v51 =	vor.u32 s10, v6;
	v49 =	vld.idx.msk [tilespmem:v42+s24+$0x0], $0xffff;
	[tilespmem:s29+$0xFFFFFFD0] =	vst v44  }
0x2b0: {  	v50 =	vor.u32 s7, v6;
	[tilespmem:s29+$0xFFFFFE50] =	vst v14;
	v12 =	vld.idx.msk [tilespmem:v45+s24+$0x0], $0xffff  }
0x2b1: {  	v53 =	vor.u32 s25, v6;
	[tilespmem:s18+$0xFFFFFE70] =	vst v17;
	v52 =	vld.idx.msk [tilespmem:v47+s24+$0x0], $0xffff  }
0x2b2: {  	v55 =	vor.u32 s23, v6;
	v54 =	vld.idx.msk [tilespmem:v48+s24+$0x0], $0xffff;
	[tilespmem:s18+$0xFFFFFFF0] =	vst v13  }
0x2b3: {  	v57 =	vor.u32 s16, v7;
	[tilespmem:s29+$0xFFFFFF60] =	vst v10;
	v8 =	vld.idx.msk [tilespmem:v8+s24+$0x0], $0xffff  }
0x2b4: {  	v56 =	vor.u32 s2, v7;
	v10 =	vld.idx.msk [tilespmem:v51+s24+$0x0], $0xffff;
	[tilespmem:s29+$0xFFFFFEE0] =	vst v49  }
0x2b5: {  	v60 =	vor.u32 s10, v7;
	v11 =	vld.idx.msk [tilespmem:v50+s24+$0x0], $0xffff;
	[tilespmem:s29+$0xFFFFFFE0] =	vst v12  }
0x2b6: {  	v58 =	vor.u32 s7, v7;
	[tilespmem:s29+$0xFFFFFE60] =	vst v52;
	v59 =	vld.idx.msk [tilespmem:v53+s24+$0x0], $0xffff  }
0x2b7: {  	v61 =	vor.u32 s25, v7;
	[tilespmem:s18+$0xFFFFFF00] =	vst v54;
	v13 =	vld.idx.msk [tilespmem:v55+s24+$0x0], $0xffff  }
0x2b8: {  	v9 =	vld.idx.msk [tilespmem:v57+s24+$0x0], $0xffff;
	[tilespmem:s18+$0xFFFFFF80] =	vst v8;
	v8 =	vor.u32 s23, v7  }
0x2b9: {  	v62 =	vld.idx.msk [tilespmem:v56+s24+$0x0], $0xffff;
	[tilespmem:s29+$0xFFFFFF70] =	vst v10  }
0x2ba: {  	v10 =	vld.idx.msk [tilespmem:v60+s24+$0x0], $0xffff;
	[tilespmem:s29+$0xFFFFFEF0] =	vst v11  }
0x2bb: {  	v11 =	vld.idx.msk [tilespmem:v58+s24+$0x0], $0xffff;
	[tilespmem:s29+$0xFFFFFFF0] =	vst v59  }
0x2bc: {  	[tilespmem:s29+$0xFFFFFE70] =	vst v13;
	v63 =	vld.idx.msk [tilespmem:v61+s24+$0x0], $0xffff  }
0x2bd: {  	[tilespmem:s18+$0xFFFFFE80] =	vst v9;
	v8 =	vld.idx.msk [tilespmem:v8+s24+$0x0], $0xffff  }
0x2be: {  	[tilespmem:s18+$0x0] =	vst v62  }
.Ltmp6:
0x2bf: {  	[tilespmem:s29+$0xFFFFFF80] =	vst v10;
	(pc) =	sbr.rel @p1 .LBB2_12-.Ltmp6, $4  }
0x2c0: {  	[tilespmem:s29+$0xFFFFFF00] =	vst v11  }
0x2c1: {  	s26 =	sshll.u32 s21, $0xE;
	[tilespmem:s29+$0x0] =	vst v63  }
0x2c2: {  	s0 =	sadd.s32 s26, s12;
	[tilespmem:s29+$0xFFFFFE80] =	vst v8;
	s29 =	simm.s32 $0x9000  }
0x2c3: {  	[hbm4b:s0+s3] =	stream.linear.scatter [tilespmem:s29], [sflag:$0x6], $0x1000, $0x38;
	[tilespmem:$0xA000] =	vst v63  }
0x2c4: {  	s0 =	sshll.u32 s20, $0xE;
	s2 =	rddreg [dreg:$0x9]  }
0x2c5: {  	s0 =	sadd.s32 s0, s2  }
0x2c6: {  	[tilespmem:s1], [sflag:$0x3] =	stream.linear.gather [hbm4b:s0+s3], $0x400, $0x38;
	[tilespmem:$0xA000] =	vst v63  }
0x2c7: {  	s4 =	simm.s32 $0x4800;
	s2 =	sadd.s32 $0xF4280, s0  }
0x2c8: {  	[tilespmem:s4], [sflag:$0x3] =	stream.linear.gather [hbm4b:s2+s3], $0x400, $0x38;
	[tilespmem:$0xA000] =	vst v63  }
.Ltmp7:
0x2c9: {  	_ = 	snop;
	(pc) =	sbr.rel .LBB2_2-.Ltmp7, $4  }
0x2ca: {  	s26 =	simm.s32 $0x5000;
	s25 =	sadd.s32 $0x1E8500, s0  }
0x2cb: {  	[tilespmem:s26], [sflag:$0x3] =	stream.linear.gather [hbm4b:s25+s3], $0x400, $0x38;
	[tilespmem:$0xA000] =	vst v63  }
0x2cc: {  	s29 =	simm.s32 $0x5800;
	s20 =	sadd.s32 $0x1, s20;
	s0 =	sadd.s32 $0x2DC780, s0  }
0x2cd: {  	[tilespmem:s29], [sflag:$0x3] =	stream.linear.gather [hbm4b:s0+s3], $0x400, $0x38;
	[tilespmem:$0xA000] =	vst v63  }
.LBB2_12:
0x2ce: {  	_ =	swait.ge [sflag:s14], $0x1000  }
.Ltmp8:
0x2cf: {  	[sflag:s14] =	ssyncset.done $0x0;
	(pc) =	sbr.rel @p0 .LBB2_16-.Ltmp8, $4  }
0x2d0: {  	[sflag:s14] =	ssyncadd.s32 $0xFFFFF000  }
0x2d1: {  	_ =	swait.ge [sflag:s17], $0x1000  }
0x2d2: {  	[sflag:s17] =	ssyncset.done $0x0  }
0x2d3: {  	s2 =	rddreg [dreg:$0x16];
	[sflag:s17] =	ssyncadd.s32 $0xFFFFF000  }
0x2d4: {  	s25 =	simm.s32 $0x0;
	s2 =	rddreg [dreg:$0xe]  }
0x2d5: {  	[tilespmem:s25], [sflag:$0x1] =	stream.linear.gather [hbm4b:s2+s25], $0x400, $0x38;
	[tilespmem:$0xA000] =	vst v63  }
0x2d6: {  	s4 =	simm.s32 $0x800;
	s0 =	sadd.s32 $0xF4280, s2  }
0x2d7: {  	[tilespmem:s4], [sflag:$0x1] =	stream.linear.gather [hbm4b:s0+s25], $0x400, $0x38;
	[tilespmem:$0xA000] =	vst v63  }
0x2d8: {  	s23 =	simm.s32 $0x1000;
	s8 =	simm.s32 $0x8;
	s22 =	sadd.s32 $0x1E8500, s2  }
0x2d9: {  	[tilespmem:s23], [sflag:$0x1] =	stream.linear.gather [hbm4b:s22+s25], $0x400, $0x38;
	[tilespmem:$0xA000] =	vst v63  }
0x2da: {  	s29 =	simm.s32 $0x1800;
	s26 =	sadd.s32 $0x2DC780, s2;
	v8 =	vor.u32 s8, v0  }
0x2db: {  	[tilespmem:s29], [sflag:$0x1] =	stream.linear.gather [hbm4b:s26+s25], $0x400, $0x38;
	[tilespmem:$0xA000] =	vst v63  }
0x2dc: {  	s9 =	simm.s32 $0x4;
	v9 =	vor.u32 s25, v0;
	_ =	swait.ge [sflag:s31], $0x1000  }
0x2dd: {  	v10 =	vor.u32 s9, v0;
	[sflag:s31] =	ssyncset.done $0x0  }
0x2de: {  	[sflag:s31] =	ssyncadd.s32 $0xFFFFF000  }
0x2df: {  	v8 =	vld.idx.msk [tilespmem:v8+s3+$0x0], $0xffff  }
0x2e0: {  	v11 =	vor.u32 s8, v1  }
0x2e1: {  	v9 =	vld.idx.msk [tilespmem:v9+s3+$0x0], $0xffff  }
0x2e2: {  	v10 =	vld.idx.msk [tilespmem:v10+s3+$0x0], $0xffff  }
0x2e3: {  	s5 =	simm.s32 $0x8100;
	v13 =	vor.u32 s9, v1  }
0x2e4: {  	v12 =	vor.u32 s25, v1;
	[tilespmem:s5+$0x0] =	vst v8  }
0x2e5: {  	s11 =	simm.s32 $0xC;
	v8 =	vld.idx.msk [tilespmem:v11+s3+$0x0], $0xffff  }
0x2e6: {  	[tilespmem:s5+$0xFFFFFF00] =	vst v9;
	v11 =	vor.u32 s11, v0  }
0x2e7: {  	s20 =	simm.s32 $0x14;
	v9 =	vor.u32 s8, v2;
	[tilespmem:s5+$0xFFFFFF80] =	vst v10  }
0x2e8: {  	v18 =	vor.u32 s20, v0;
	v13 =	vld.idx.msk [tilespmem:v13+s3+$0x0], $0xffff  }
0x2e9: {  	s16 =	simm.s32 $0x10;
	v14 =	vor.u32 s9, v2;
	v12 =	vld.idx.msk [tilespmem:v12+s3+$0x0], $0xffff  }
0x2ea: {  	[tilespmem:s5+$0x10] =	vst v8;
	v8 =	vor.u32 s16, v0  }
0x2eb: {  	s0 =	simm.s32 $0x18;
	v10 =	vor.u32 s25, v2;
	v11 =	vld.idx.msk [tilespmem:v11+s3+$0x0], $0xffff  }
0x2ec: {  	v15 =	vor.u32 s0, v0;
	v9 =	vld.idx.msk [tilespmem:v9+s3+$0x0], $0xffff  }
0x2ed: {  	v16 =	vor.u32 s11, v1;
	v18 =	vld.idx.msk [tilespmem:v18+s3+$0x0], $0xffff;
	[tilespmem:s5+$0xFFFFFF90] =	vst v13  }
0x2ee: {  	[tilespmem:s5+$0xFFFFFF10] =	vst v12;
	v12 =	vor.u32 s8, v3;
	v14 =	vld.idx.msk [tilespmem:v14+s3+$0x0], $0xffff  }
0x2ef: {  	v17 =	vor.u32 s9, v3;
	v8 =	vld.idx.msk [tilespmem:v8+s3+$0x0], $0xffff  }
0x2f0: {  	v19 =	vor.u32 s16, v1;
	v10 =	vld.idx.msk [tilespmem:v10+s3+$0x0], $0xffff;
	[tilespmem:s5+$0x80] =	vst v11  }
0x2f1: {  	s18 =	simm.s32 $0x8300;
	v20 =	vor.u32 s20, v1;
	[tilespmem:s5+$0x20] =	vst v9;
	v9 =	vld.idx.msk [tilespmem:v15+s3+$0x0], $0xffff  }
0x2f2: {  	[tilespmem:s18+$0xFFFFFF80] =	vst v18;
	v11 =	vor.u32 s0, v1;
	v15 =	vld.idx.msk [tilespmem:v16+s3+$0x0], $0xffff  }
0x2f3: {  	[tilespmem:s5+$0xFFFFFFA0] =	vst v14;
	v14 =	vor.u32 s11, v2;
	v12 =	vld.idx.msk [tilespmem:v12+s3+$0x0], $0xffff  }
0x2f4: {  	s2 =	simm.s32 $0x1C;
	v16 =	vor.u32 s8, v4;
	v17 =	vld.idx.msk [tilespmem:v17+s3+$0x0], $0xffff;
	[tilespmem:s18+$0xFFFFFF00] =	vst v8  }
0x2f5: {  	v13 =	vor.u32 s2, v0;
	[tilespmem:s5+$0xFFFFFF20] =	vst v10;
	v10 =	vld.idx.msk [tilespmem:v19+s3+$0x0], $0xffff  }
0x2f6: {  	[tilespmem:s18+$0x0] =	vst v9;
	v9 =	vor.u32 s25, v3;
	v19 =	vld.idx.msk [tilespmem:v20+s3+$0x0], $0xffff  }
0x2f7: {  	[tilespmem:s5+$0x90] =	vst v15;
	v20 =	vor.u32 s9, v4;
	v11 =	vld.idx.msk [tilespmem:v11+s3+$0x0], $0xffff  }
0x2f8: {  	v15 =	vor.u32 s0, v2;
	[tilespmem:s5+$0x30] =	vst v12;
	v8 =	vld.idx.msk [tilespmem:v14+s3+$0x0], $0xffff  }
0x2f9: {  	v12 =	vld.idx.msk [tilespmem:v16+s3+$0x0], $0xffff;
	v16 =	vor.u32 s11, v3  }
0x2fa: {  	v13 =	vld.idx.msk [tilespmem:v13+s3+$0x0], $0xffff;
	v14 =	vor.u32 s8, v5;
	[tilespmem:s5+$0xFFFFFFB0] =	vst v17  }
0x2fb: {  	v18 =	vor.u32 s16, v2;
	v9 =	vld.idx.msk [tilespmem:v9+s3+$0x0], $0xffff;
	[tilespmem:s18+$0xFFFFFF10] =	vst v10  }
0x2fc: {  	s21 =	simm.s32 $0x20;
	v20 =	vld.idx.msk [tilespmem:v20+s3+$0x0], $0xffff;
	[tilespmem:s18+$0x10] =	vst v11;
	v11 =	vor.u32 s25, v4  }
0x2fd: {  	s22 =	simm.s32 $0x2C;
	[tilespmem:s5+$0xA0] =	vst v8;
	v8 =	vor.u32 s21, v0;
	v15 =	vld.idx.msk [tilespmem:v15+s3+$0x0], $0xffff  }
0x2fe: {  	v17 =	vor.u32 s22, v0;
	[tilespmem:s5+$0x40] =	vst v12;
	v10 =	vld.idx.msk [tilespmem:v16+s3+$0x0], $0xffff  }
0x2ff: {  	v12 =	vor.u32 s20, v2;
	v14 =	vld.idx.msk [tilespmem:v14+s3+$0x0], $0xffff  }
0x300: {  	v16 =	vor.u32 s2, v1;
	[tilespmem:s5+$0xFFFFFF30] =	vst v9;
	v9 =	vld.idx.msk [tilespmem:v18+s3+$0x0], $0xffff  }
0x301: {  	[tilespmem:s18+$0xFFFFFF90] =	vst v19;
	v19 =	vor.u32 s0, v3;
	v11 =	vld.idx.msk [tilespmem:v11+s3+$0x0], $0xffff  }
0x302: {  	[tilespmem:s18+$0x80] =	vst v13;
	v18 =	vor.u32 s11, v4;
	v21 =	vld.idx.msk [tilespmem:v8+s3+$0x0], $0xffff  }
0x303: {  	v22 =	vor.u32 s9, v5;
	[tilespmem:s5+$0xFFFFFFC0] =	vst v20;
	v8 =	vld.idx.msk [tilespmem:v17+s3+$0x0], $0xffff  }
0x304: {  	s10 =	simm.s32 $0x28;
	v13 =	vor.u32 s25, v5;
	v12 =	vld.idx.msk [tilespmem:v12+s3+$0x0], $0xffff;
	[tilespmem:s5+$0xB0] =	vst v10  }
0x305: {  	v16 =	vld.idx.msk [tilespmem:v16+s3+$0x0], $0xffff;
	v10 =	vor.u32 s10, v0;
	[tilespmem:s18+$0x20] =	vst v15  }
0x306: {  	s7 =	simm.s32 $0x24;
	v17 =	vor.u32 s20, v3;
	v15 =	vld.idx.msk [tilespmem:v19+s3+$0x0], $0xffff;
	[tilespmem:s5+$0x50] =	vst v14  }
0x307: {  	[tilespmem:s18+$0xFFFFFF20] =	vst v9;
	v9 =	vld.idx.msk [tilespmem:v18+s3+$0x0], $0xffff;
	v18 =	vor.u32 s7, v0  }
0x308: {  	s23 =	simm.s32 $0x8500;
	v20 =	vld.idx.msk [tilespmem:v22+s3+$0x0], $0xffff;
	v19 =	vor.u32 s21, v1;
	[tilespmem:s5+$0xFFFFFF40] =	vst v11  }
0x309: {  	v11 =	vor.u32 s11, v5;
	[tilespmem:s23+$0xFFFFFF00] =	vst v21;
	v13 =	vld.idx.msk [tilespmem:v13+s3+$0x0], $0xffff  }
0x30a: {  	v21 =	vor.u32 s9, v6;
	v10 =	vld.idx.msk [tilespmem:v10+s3+$0x0], $0xffff;
	[tilespmem:s18+$0xFFFFFFA0] =	vst v12  }
0x30b: {  	v12 =	vor.u32 s25, v6;
	[tilespmem:s18+$0x90] =	vst v16;
	v17 =	vld.idx.msk [tilespmem:v17+s3+$0x0], $0xffff  }
0x30c: {  	[tilespmem:s18+$0x30] =	vst v15;
	v15 =	vor.u32 s8, v6;
	v16 =	vld.idx.msk [tilespmem:v18+s3+$0x0], $0xffff  }
0x30d: {  	v14 =	vor.u32 s16, v3;
	[tilespmem:s5+$0xC0] =	vst v9;
	v18 =	vld.idx.msk [tilespmem:v19+s3+$0x0], $0xffff  }
0x30e: {  	[tilespmem:s5+$0xFFFFFFD0] =	vst v20;
	v9 =	vor.u32 s10, v1;
	v11 =	vld.idx.msk [tilespmem:v11+s3+$0x0], $0xffff  }
0x30f: {  	v19 =	vor.u32 s0, v4;
	v20 =	vld.idx.msk [tilespmem:v21+s3+$0x0], $0xffff;
	[tilespmem:s5+$0xFFFFFF50] =	vst v13  }
0x310: {  	v13 =	vor.u32 s11, v6;
	v12 =	vld.idx.msk [tilespmem:v12+s3+$0x0], $0xffff  }
0x311: {  	v21 =	vor.u32 s25, v7;
	[tilespmem:s23+$0x0] =	vst v10;
	v22 =	vld.idx.msk [tilespmem:v15+s3+$0x0], $0xffff  }
0x312: {  	v10 =	vor.u32 s2, v2;
	[tilespmem:s18+$0xFFFFFFB0] =	vst v17;
	v17 =	vld.idx.msk [tilespmem:v14+s3+$0x0], $0xffff  }
0x313: {  	v23 =	vor.u32 s7, v1;
	v9 =	vld.idx.msk [tilespmem:v9+s3+$0x0], $0xffff;
	[tilespmem:s23+$0xFFFFFF80] =	vst v16  }
0x314: {  	v19 =	vld.idx.msk [tilespmem:v19+s3+$0x0], $0xffff;
	[tilespmem:s5+$0xD0] =	vst v11;
	v11 =	vor.u32 s9, v7  }
0x315: {  	v16 =	vor.u32 s8, v7;
	v13 =	vld.idx.msk [tilespmem:v13+s3+$0x0], $0xffff;
	[tilespmem:s5+$0xFFFFFF60] =	vst v12  }
0x316: {  	[tilespmem:s23+$0xFFFFFF10] =	vst v18;
	v12 =	vld.idx.msk [tilespmem:v21+s3+$0x0], $0xffff;
	v21 =	vor.u32 s11, v7  }
0x317: {  	v25 =	vor.u32 s10, v2;
	[tilespmem:s5+$0xFFFFFFE0] =	vst v20;
	v24 =	vld.idx.msk [tilespmem:v10+s3+$0x0], $0xffff  }
0x318: {  	v14 =	vor.u32 s0, v5;
	v18 =	vld.idx.msk [tilespmem:v23+s3+$0x0], $0xffff;
	[tilespmem:s5+$0x60] =	vst v22  }
0x319: {  	v23 =	vor.u32 s2, v3;
	[tilespmem:s23+$0x10] =	vst v9;
	v15 =	vld.idx.msk [tilespmem:v11+s3+$0x0], $0xffff  }
0x31a: {  	v22 =	vor.u32 s21, v2;
	v16 =	vld.idx.msk [tilespmem:v16+s3+$0x0], $0xffff;
	[tilespmem:s5+$0xE0] =	vst v13  }
0x31b: {  	v10 =	vor.u32 s20, v4;
	[tilespmem:s18+$0x40] =	vst v19;
	v20 =	vld.idx.msk [tilespmem:v21+s3+$0x0], $0xffff;
	v21 =	vor.u32 s16, v4  }
0x31c: {  	s8 =	simm.s32 $0x8;
	s9 =	simm.s32 $0x30;
	v9 =	vor.u32 s7, v4;
	v19 =	vor.u32 s7, v2;
	v11 =	vor.u32 s22, v1;
	v13 =	vld.idx.msk [tilespmem:v25+s3+$0x0], $0xffff;
	[tilespmem:s18+$0xA0] =	vst v24  }
.LBB2_14:
0x31d: {  	v24 =	vor.u32 s9, v0;
	s19 =	sadd.s32 $0x4, s9;
	s8 =	sadd.s32 $0x4, s8;
	[tilespmem:s18+$0xFFFFFF30] =	vst v17;
	v14 =	vld.idx.msk [tilespmem:v14+s3+$0x0], $0xffff  }
0x31e: {  	s4 =	sadd.s32 $0x8, s9;
	v17 =	vor.u32 s19, v0;
	v25 =	vor.u32 s19, v4;
	p1 =	slt.u32 s8, $0x1C;
	v23 =	vld.idx.msk [tilespmem:v23+s3+$0x0], $0xffff;
	[tilespmem:s5+$0xFFFFFFF0] =	vst v15  }
0x31f: {  	s11 =	sadd.s32 $0xC, s9;
	v15 =	vor.u32 s4, v0;
	v22 =	vld.idx.msk [tilespmem:v22+s3+$0x0], $0xffff;
	[tilespmem:s5+$0x70] =	vst v16  }
0x320: {  	v16 =	vor.u32 s11, v0;
	[tilespmem:s23+$0xFFFFFF90] =	vst v18;
	v18 =	vld.idx.msk [tilespmem:v21+s3+$0x0], $0xffff;
	v21 =	vor.u32 s2, v4  }
0x321: {  	v19 =	vld.idx.msk [tilespmem:v19+s3+$0x0], $0xffff;
	[tilespmem:s5+$0xF0] =	vst v20  }
0x322: {  	v20 =	vor.u32 s10, v3;
	v26 =	vld.idx.msk [tilespmem:v10+s3+$0x0], $0xffff;
	[tilespmem:s5+$0xFFFFFF70] =	vst v12;
	v10 =	vmov v9;
	v9 =	vmov v25;
	s5 =	smov.u32 s18;
	s18 =	smov.u32 s23  }
0x323: {  	v12 =	vld.idx.msk [tilespmem:v24+s3+$0x0], $0xffff;
	[tilespmem:s23+$0x80] =	vst v8;
	v24 =	vor.u32 s16, v5  }
0x324: {  	v28 =	vor.u32 s20, v5;
	v25 =	vor.u32 s9, v1;
	v27 =	vld.idx.msk [tilespmem:v11+s3+$0x0], $0xffff;
	[tilespmem:s5+$0xB0] =	vst v23  }
0x325: {  	v29 =	vor.u32 s19, v1;
	[tilespmem:s23+$0xFFFFFF20] =	vst v22;
	v21 =	vld.idx.msk [tilespmem:v21+s3+$0x0], $0xffff  }
0x326: {  	v22 =	vor.u32 s4, v1;
	v8 =	vld.idx.msk [tilespmem:v16+s3+$0x0], $0xffff;
	v16 =	vor.u32 s7, v3;
	[tilespmem:s23+$0x20] =	vst v13  }
0x327: {  	v11 =	vor.u32 s11, v1;
	s23 =	sadd.s32 $0x200, s23;
	v13 =	vld.idx.msk [tilespmem:v20+s3+$0x0], $0xffff;
	[tilespmem:s5+$0xFFFFFF40] =	vst v18;
	v18 =	vor.u32 s2, v5  }
0x328: {  	v20 =	vld.idx.msk [tilespmem:v24+s3+$0x0], $0xffff;
	[tilespmem:s5+$0xFFFFFFC0] =	vst v26  }
0x329: {  	[tilespmem:s23+$0xFFFFFF00] =	vst v12;
	v12 =	vld.idx.msk [tilespmem:v28+s3+$0x0], $0xffff  }
0x32a: {  	v15 =	vld.idx.msk [tilespmem:v15+s3+$0x0], $0xffff;
	[tilespmem:s18+$0xFFFFFFA0] =	vst v19;
	v19 =	vor.u32 s16, v6  }
0x32b: {  	v23 =	vor.u32 s20, v6;
	v16 =	vld.idx.msk [tilespmem:v16+s3+$0x0], $0xffff;
	[tilespmem:s5+$0xC0] =	vst v21  }
0x32c: {  	[tilespmem:s18+$0x90] =	vst v27;
	v18 =	vld.idx.msk [tilespmem:v18+s3+$0x0], $0xffff  }
0x32d: {  	v17 =	vld.idx.msk [tilespmem:v17+s3+$0x0], $0xffff;
	[tilespmem:s18+$0x30] =	vst v13;
	v13 =	vor.u32 s0, v6  }
0x32e: {  	v21 =	vld.idx.msk [tilespmem:v25+s3+$0x0], $0xffff;
	[tilespmem:s5+$0xFFFFFF50] =	vst v20;
	v20 =	vor.u32 s2, v6  }
0x32f: {  	v24 =	vor.u32 s10, v4;
	v19 =	vld.idx.msk [tilespmem:v19+s3+$0x0], $0xffff;
	[tilespmem:s5+$0xFFFFFFD0] =	vst v12  }
0x330: {  	v12 =	vor.u32 s22, v2;
	[tilespmem:s23+$0x0] =	vst v15;
	v15 =	vld.idx.msk [tilespmem:v23+s3+$0x0], $0xffff  }
0x331: {  	v25 =	vld.idx.msk [tilespmem:v22+s3+$0x0], $0xffff;
	v22 =	vor.u32 s16, v7;
	[tilespmem:s5+$0x50] =	vst v14;
	s16 =	smov.u32 s21;
	s21 =	smov.u32 s9  }
0x332: {  	v14 =	vor.u32 s16, v3;
	v13 =	vld.idx.msk [tilespmem:v13+s3+$0x0], $0xffff;
	[tilespmem:s5+$0xD0] =	vst v18  }
0x333: {  	[tilespmem:s18+$0xFFFFFFB0] =	vst v16;
	v16 =	vor.u32 s20, v7;
	v18 =	vld.idx.msk [tilespmem:v20+s3+$0x0], $0xffff;
	s20 =	smov.u32 s7;
	s7 =	smov.u32 s19  }
0x334: {  	[tilespmem:s23+$0xFFFFFF80] =	vst v17;
	v20 =	vld.idx.msk [tilespmem:v24+s3+$0x0], $0xffff;
	v24 =	vor.u32 s0, v7;
	s0 =	smov.u32 s10;
	s10 =	smov.u32 s4  }
0x335: {  	v26 =	vld.idx.msk [tilespmem:v12+s3+$0x0], $0xffff;
	[tilespmem:s5+$0xFFFFFF60] =	vst v19  }
0x336: {  	v19 =	vor.u32 s2, v7;
	s2 =	smov.u32 s22;
	s22 =	smov.u32 s11;
	[tilespmem:s23+$0xFFFFFF10] =	vst v21;
	v12 =	vld.idx.msk [tilespmem:v22+s3+$0x0], $0xffff  }
0x337: {  	v27 =	vor.u32 s10, v2;
	v17 =	vld.idx.msk [tilespmem:v14+s3+$0x0], $0xffff;
	[tilespmem:s5+$0xFFFFFFE0] =	vst v15  }
.Ltmp9:
0x338: {  	v14 =	vor.u32 s0, v5;
	v15 =	vld.idx.msk [tilespmem:v16+s3+$0x0], $0xffff;
	[tilespmem:s5+$0x60] =	vst v13;
	(pc) =	sbr.rel @p1 .LBB2_14-.Ltmp9, $4  }
0x339: {  	v23 =	vor.u32 s2, v3;
	v16 =	vld.idx.msk [tilespmem:v24+s3+$0x0], $0xffff;
	[tilespmem:s5+$0xE0] =	vst v18  }
0x33a: {  	v22 =	vor.u32 s9, v2;
	v18 =	vld.idx.msk [tilespmem:v29+s3+$0x0], $0xffff;
	[tilespmem:s23+$0x10] =	vst v25  }
0x33b: {  	v21 =	vor.u32 s16, v4;
	[tilespmem:s18+$0x40] =	vst v20;
	v20 =	vld.idx.msk [tilespmem:v19+s3+$0x0], $0xffff  }
0x33c: {  	s9 =	sadd.s32 $0x10, s9;
	v19 =	vor.u32 s7, v2;
	v13 =	vld.idx.msk [tilespmem:v27+s3+$0x0], $0xffff;
	[tilespmem:s18+$0xA0] =	vst v26  }
0x33d: {  	_ = 	snop  }
0x33e: {  	[tilespmem:s18+$0xFFFFFF30] =	vst v17  }
0x33f: {  	[tilespmem:s5+$0xFFFFFFF0] =	vst v15  }
0x340: {  	[tilespmem:s23+$0x80] =	vst v8  }
0x341: {  	v58 =	vld.idx.msk [tilespmem:v23+s3+$0x0], $0xffff;
	[tilespmem:s5+$0xFFFFFF70] =	vst v12  }
0x342: {  	v59 =	vld.idx.msk [tilespmem:v22+s3+$0x0], $0xffff;
	v8 =	vor.u32 s10, v3;
	[tilespmem:s5+$0x70] =	vst v16  }
0x343: {  	v60 =	vor.u32 s2, v4;
	v11 =	vld.idx.msk [tilespmem:v11+s3+$0x0], $0xffff;
	[tilespmem:s23+$0xFFFFFF90] =	vst v18  }
0x344: {  	v62 =	vor.u32 s22, v2;
	v10 =	vld.idx.msk [tilespmem:v10+s3+$0x0], $0xffff;
	[tilespmem:s5+$0xF0] =	vst v20  }
0x345: {  	v14 =	vld.idx.msk [tilespmem:v14+s3+$0x0], $0xffff;
	[tilespmem:s23+$0x20] =	vst v13  }
0x346: {  	v25 =	vor.u32 s20, v5;
	v24 =	vld.idx.msk [tilespmem:v19+s3+$0x0], $0xffff;
	[tilespmem:s18+$0xB0] =	vst v58  }
0x347: {  	v32 =	vor.u32 s21, v3;
	[tilespmem:s23+$0xFFFFFF20] =	vst v59;
	v8 =	vld.idx.msk [tilespmem:v8+s3+$0x0], $0xffff  }
0x348: {  	v27 =	vor.u32 s7, v3;
	v26 =	vld.idx.msk [tilespmem:v60+s3+$0x0], $0xffff;
	[tilespmem:s23+$0x90] =	vst v11  }
0x349: {  	v28 =	vor.u32 s2, v5;
	[tilespmem:s18+$0xFFFFFFC0] =	vst v10;
	v12 =	vld.idx.msk [tilespmem:v62+s3+$0x0], $0xffff  }
0x34a: {  	v30 =	vor.u32 s22, v3;
	v61 =	vld.idx.msk [tilespmem:v21+s3+$0x0], $0xffff;
	[tilespmem:s18+$0x50] =	vst v14  }
0x34b: {  	v39 =	vor.u32 s0, v6;
	v31 =	vld.idx.msk [tilespmem:v25+s3+$0x0], $0xffff;
	[tilespmem:s23+$0xFFFFFFA0] =	vst v24  }
0x34c: {  	v63 =	vor.u32 s16, v5;
	v36 =	vld.idx.msk [tilespmem:v32+s3+$0x0], $0xffff;
	[tilespmem:s23+$0x30] =	vst v8  }
0x34d: {  	v35 =	vor.u32 s10, v4;
	v13 =	vld.idx.msk [tilespmem:v27+s3+$0x0], $0xffff;
	[tilespmem:s18+$0xC0] =	vst v26  }
0x34e: {  	v34 =	vor.u32 s20, v6;
	v8 =	vld.idx.msk [tilespmem:v28+s3+$0x0], $0xffff;
	[tilespmem:s23+$0xA0] =	vst v12  }
0x34f: {  	[tilespmem:s18+$0xFFFFFF40] =	vst v61;
	v10 =	vld.idx.msk [tilespmem:v30+s3+$0x0], $0xffff  }
0x350: {  	v37 =	vor.u32 s22, v4;
	v46 =	vld.idx.msk [tilespmem:v39+s3+$0x0], $0xffff;
	[tilespmem:s18+$0xFFFFFFD0] =	vst v31  }
0x351: {  	v38 =	vor.u32 s21, v4;
	v29 =	vld.idx.msk [tilespmem:v63+s3+$0x0], $0xffff;
	[tilespmem:s23+$0xFFFFFF30] =	vst v36  }
0x352: {  	v33 =	vor.u32 s16, v6;
	v41 =	vld.idx.msk [tilespmem:v35+s3+$0x0], $0xffff;
	[tilespmem:s23+$0xFFFFFFB0] =	vst v13  }
0x353: {  	v40 =	vor.u32 s2, v6;
	v16 =	vld.idx.msk [tilespmem:v34+s3+$0x0], $0xffff;
	[tilespmem:s18+$0xD0] =	vst v8  }
0x354: {  	v43 =	vor.u32 s10, v5;
	v8 =	vld.idx.msk [tilespmem:v9+s3+$0x0], $0xffff;
	[tilespmem:s23+$0xB0] =	vst v10  }
0x355: {  	v42 =	vor.u32 s7, v5;
	[tilespmem:s18+$0x60] =	vst v46;
	v44 =	vld.idx.msk [tilespmem:v37+s3+$0x0], $0xffff  }
0x356: {  	v45 =	vor.u32 s22, v5;
	[tilespmem:s18+$0xFFFFFF50] =	vst v29;
	v14 =	vld.idx.msk [tilespmem:v38+s3+$0x0], $0xffff  }
0x357: {  	v47 =	vor.u32 s21, v5;
	v17 =	vld.idx.msk [tilespmem:v33+s3+$0x0], $0xffff;
	[tilespmem:s23+$0x40] =	vst v41  }
0x358: {  	v48 =	vor.u32 s20, v7;
	[tilespmem:s18+$0xFFFFFFE0] =	vst v16;
	v13 =	vld.idx.msk [tilespmem:v40+s3+$0x0], $0xffff  }
0x359: {  	v10 =	vld.idx.msk [tilespmem:v43+s3+$0x0], $0xffff;
	[tilespmem:s23+$0xFFFFFFC0] =	vst v8;
	v8 =	vor.u32 s0, v7  }
0x35a: {  	v51 =	vor.u32 s10, v6;
	v49 =	vld.idx.msk [tilespmem:v42+s3+$0x0], $0xffff;
	[tilespmem:s23+$0xC0] =	vst v44  }
0x35b: {  	v50 =	vor.u32 s7, v6;
	[tilespmem:s23+$0xFFFFFF40] =	vst v14;
	v12 =	vld.idx.msk [tilespmem:v45+s3+$0x0], $0xffff  }
0x35c: {  	v53 =	vor.u32 s22, v6;
	[tilespmem:s18+$0xFFFFFF60] =	vst v17;
	v52 =	vld.idx.msk [tilespmem:v47+s3+$0x0], $0xffff  }
0x35d: {  	v55 =	vor.u32 s21, v6;
	v54 =	vld.idx.msk [tilespmem:v48+s3+$0x0], $0xffff;
	[tilespmem:s18+$0xE0] =	vst v13  }
0x35e: {  	v57 =	vor.u32 s16, v7;
	[tilespmem:s23+$0x50] =	vst v10;
	v8 =	vld.idx.msk [tilespmem:v8+s3+$0x0], $0xffff  }
0x35f: {  	v56 =	vor.u32 s2, v7;
	v10 =	vld.idx.msk [tilespmem:v51+s3+$0x0], $0xffff;
	[tilespmem:s23+$0xFFFFFFD0] =	vst v49  }
0x360: {  	v60 =	vor.u32 s10, v7;
	v11 =	vld.idx.msk [tilespmem:v50+s3+$0x0], $0xffff;
	[tilespmem:s23+$0xD0] =	vst v12  }
0x361: {  	v58 =	vor.u32 s7, v7;
	[tilespmem:s23+$0xFFFFFF50] =	vst v52;
	v59 =	vld.idx.msk [tilespmem:v53+s3+$0x0], $0xffff  }
0x362: {  	v61 =	vor.u32 s22, v7;
	[tilespmem:s18+$0xFFFFFFF0] =	vst v54;
	v13 =	vld.idx.msk [tilespmem:v55+s3+$0x0], $0xffff  }
0x363: {  	v9 =	vld.idx.msk [tilespmem:v57+s3+$0x0], $0xffff;
	[tilespmem:s18+$0x70] =	vst v8;
	v8 =	vor.u32 s21, v7  }
0x364: {  	v62 =	vld.idx.msk [tilespmem:v56+s3+$0x0], $0xffff;
	[tilespmem:s23+$0x60] =	vst v10  }
0x365: {  	v10 =	vld.idx.msk [tilespmem:v60+s3+$0x0], $0xffff;
	[tilespmem:s23+$0xFFFFFFE0] =	vst v11  }
0x366: {  	v11 =	vld.idx.msk [tilespmem:v58+s3+$0x0], $0xffff;
	[tilespmem:s23+$0xE0] =	vst v59  }
0x367: {  	[tilespmem:s23+$0xFFFFFF60] =	vst v13;
	v63 =	vld.idx.msk [tilespmem:v61+s3+$0x0], $0xffff  }
0x368: {  	[tilespmem:s18+$0xFFFFFF70] =	vst v9;
	v8 =	vld.idx.msk [tilespmem:v8+s3+$0x0], $0xffff  }
0x369: {  	[tilespmem:s18+$0xF0] =	vst v62  }
0x36a: {  	[tilespmem:s23+$0x70] =	vst v10  }
0x36b: {  	[tilespmem:s23+$0xFFFFFFF0] =	vst v11  }
0x36c: {  	[tilespmem:s23+$0xF0] =	vst v63  }
0x36d: {  	[tilespmem:s23+$0xFFFFFF70] =	vst v8  }
.Ltmp10:
0x36e: {  	s29 =	rddreg [dreg:$0x11];
	(pc) =	sbr.rel .LBB2_16-.Ltmp10, $4  }
0x36f: {  	[hbm4b:s29+s3] =	stream.linear.scatter [tilespmem:s30], [sflag:$0x5], $0x1000, $0x38;
	[tilespmem:$0xA000] =	vst v63  }
0x370: {  	_ =	swait.ge [sflag:s14], $0x1000  }
0x371: {  	[sflag:s14] =	ssyncset.done $0x0  }
0x372: {  	s2 =	rddreg [dreg:$0x16];
	[sflag:s14] =	ssyncadd.s32 $0xFFFFF000  }
.LBB2_17:
0x373: {  	_ =	sfence.sel $0x180000  }
0x374: {  	[bflag:$0x0] =	sbarrier.arrive $0xFFFF  }
0x375: {  	_ =	strace $0x90000047  }
0x376: {  	s0 =	stileid.u32;
	[bflag:$0x2] =	sbarrier.arrive $0xFFFF  }
0x377: {  	p0 =	sne.s32 s0, $0x0;
	s0 =	rddreg [dreg:$0x2]  }
0x378: {  	s0 =	sadd.s32 @!p0 $0x100000, s0  }
0x379: {  	[sflag:s0] =	ssyncadd.tile.s32 @!p0 $0x1;
	_ =	shalt  }
.Lfunc_end2:
_tile_overlayer_lowered:
.L_overlay_start_2:
0x37a: {  	(tag) =	ssettag $0x2  }
0x37b: {  	s0 =	rddreg [dreg:$0x0];
	s2 =	stileid.u32  }
0x37c: {  	s1 =	rddreg [dreg:$0x1];
	p0 =	sne.s32 s2, $0x0  }
0x37d: {  	s3 =	rddreg [dreg:$0x2];
	[bflag:$0x3] =	sbarrier.arrive $0xFFFF;
	s2 =	simm.s32 @!p0 $0x1C07  }
0x37e: {  	[timem:s3], [sflag:s2] =	dma.local @!p0 [hbm:s0], s1  }
0x37f: {  	s0 =	simm.s32 @!p0 $0x7  }
0x380: {  	_ =	swait.ge @!p0 [sflag:s0], s1  }
0x381: {  	s1 =	ssub.s32 @!p0 $0x0, s1;
	[sflag:s0] =	ssyncset.done @!p0 $0x0  }
0x382: {  	[sflag:s0] =	ssyncadd.s32 @!p0 s1  }
0x383: {  	[bflag:$0x3] =	sbarrier.arrive $0xFFFF  }
0x384: {  	_ =	shalt  }

</sc_bundles>
